<compile_context>
chip_gen: v7x
topology: tpu7x:2x2x1
jax: 0.10.2.dev20260603
libtpu: 0.0.44.dev20260713+nightly
codegen_flags: <defaults>
</compile_context>

<pallas_src>
import functools

import jax
import jax.numpy as jnp
from jax import lax
from jax.experimental import pallas as pl
from jax.experimental.pallas import tpu as pltpu
from jax.experimental.pallas import tpu_sc as plsc

H = 512
W = 512
C = 3
HW = H * W
N = 2097152

LANES = 16
NC = 2
NS = 16
NW = NC * NS

CPT = N // NW
CHUNK = 4096
NCHUNK = CPT // CHUNK
GSEG = 128
NSEG = CHUNK // GSEG
GPS = GSEG // LANES

YX_BYTES = 2 * CHUNK * 4
GATHER_BYTES = C * CHUNK * 4
OUT_BYTES = C * CHUNK * 4


def _sc_lookup(ys, xs, img_planar):
    mesh = plsc.VectorSubcoreMesh(core_axis_name="c", subcore_axis_name="s")

    plane = jax.ShapeDtypeStruct((N,), jnp.float32)

    @functools.partial(
        pl.kernel,
        mesh=mesh,
        out_type=(plane, plane, plane),
        compiler_params=pltpu.CompilerParams(use_tc_tiling_on_sc=False),
        scratch_types=[
            pltpu.VMEM((2, CHUNK), jnp.float32),
            pltpu.VMEM((2, CHUNK), jnp.float32),
            pltpu.VMEM((2, C * CHUNK), jnp.int32),
            pltpu.VMEM((2, C * CHUNK), jnp.float32),
            pltpu.VMEM_SHARED((C * HW,), jnp.float32),
            pltpu.SemaphoreType.DMA,
            pltpu.SemaphoreType.DMA,
            pltpu.SemaphoreType.DMA,
        ],
    )
    def k(ys_hbm, xs_hbm, img_hbm, out_r, out_g, out_b, ybuf, xbuf, ebuf,
          obuf, simg, ysem, gsem, osem):
        wid = lax.axis_index("s") * NC + lax.axis_index("c")
        base = wid * CPT

        sid = lax.axis_index("s")
        ISL = C * HW // NS
        pltpu.sync_copy(
            img_hbm.at[pl.ds(sid * ISL, ISL)], simg.at[pl.ds(sid * ISL, ISL)]
        )
        plsc.subcore_barrier()

        def fetch_yx(g, b):
            cstart = base + g * CHUNK
            pltpu.async_copy(ys_hbm.at[pl.ds(cstart, CHUNK)], ybuf.at[b],
                             ysem)
            pltpu.async_copy(xs_hbm.at[pl.ds(cstart, CHUNK)], xbuf.at[b],
                             ysem)

        fetch_yx(0, 0)

        def half(g2, g, b):
            cstart = base + g * CHUNK
            eb = ebuf.at[b]
            ob = obuf.at[b]

            @pl.when(g2 >= 1)
            def _():
                for c in range(C):
                    pltpu.make_async_copy(
                        ob.at[pl.ds(c * CHUNK, CHUNK)],
                        out_r.at[pl.ds(base, CHUNK)],
                        osem,
                    ).wait()

            pltpu.make_async_copy(
                ys_hbm.at[pl.ds(base, CHUNK)], ybuf.at[b], ysem
            ).wait()
            pltpu.make_async_copy(
                xs_hbm.at[pl.ds(base, CHUNK)], xbuf.at[b], ysem
            ).wait()

            def seg_body(j, carry):
                for kk in range(GPS):
                    o = GSEG * j + LANES * kk
                    y = ybuf[b, pl.ds(o, LANES)].astype(jnp.int32)
                    x = xbuf[b, pl.ds(o, LANES)].astype(jnp.int32)
                    y = jnp.minimum(jnp.maximum(y, 0), H - 1)
                    x = jnp.minimum(jnp.maximum(x, 0), W - 1)
                    p = y * W + x
                    eb[pl.ds(o, LANES)] = p
                    eb[pl.ds(CHUNK + o, LANES)] = p + HW
                    eb[pl.ds(2 * CHUNK + o, LANES)] = p + 2 * HW
                for c in range(C):
                    off = c * CHUNK + GSEG * j
                    pltpu.async_copy(
                        simg.at[eb.at[pl.ds(off, GSEG)]],
                        ob.at[pl.ds(off, GSEG)],
                        gsem,
                    )
                return carry

            lax.fori_loop(0, NSEG, seg_body, 0)

            return cstart, ob

        def pair_body(g2, carry):
            cstart, ob = half(g2, 2 * g2, 0)
            fetch_yx(2 * g2 + 1, 1)
            pltpu.make_async_copy(
                img_hbm.at[pl.ds(0, C * CHUNK)], ob, gsem
            ).wait()
            for c, out_c in enumerate((out_r, out_g, out_b)):
                pltpu.async_copy(
                    ob.at[pl.ds(c * CHUNK, CHUNK)],
                    out_c.at[pl.ds(cstart, CHUNK)],
                    osem,
                )

            cstart, ob = half(g2, 2 * g2 + 1, 1)

            @pl.when(g2 < NCHUNK // 2 - 1)
            def _():
                fetch_yx(2 * g2 + 2, 0)

            pltpu.make_async_copy(
                img_hbm.at[pl.ds(0, C * CHUNK)], ob, gsem
            ).wait()
            for c, out_c in enumerate((out_r, out_g, out_b)):
                pltpu.async_copy(
                    ob.at[pl.ds(c * CHUNK, CHUNK)],
                    out_c.at[pl.ds(cstart, CHUNK)],
                    osem,
                )
            return carry

        lax.fori_loop(0, NCHUNK // 2, pair_body, 0)

        for b in range(2):
            for c in range(C):
                pltpu.make_async_copy(
                    obuf.at[b, pl.ds(c * CHUNK, CHUNK)],
                    out_r.at[pl.ds(base, CHUNK)],
                    osem,
                ).wait()

    return k(ys, xs, img_planar)


def kernel(coordinates, image):
    ys = coordinates[:, 0]
    xs = coordinates[:, 1]
    img_planar = image.transpose(2, 0, 1).reshape(C * HW)
    r, g, b = _sc_lookup(ys, xs, img_planar)
    return jnp.stack([r, g, b], axis=1) * jnp.float32(1.0 / 255.0)

# --- scband reference (transcript-rebuilt; emitter-appended) ---
"""Pipeline reference for scband-continuous-image-14989435863262 (READ-ONLY COPY).

The authoritative reference and input builder live on the scoring server;
editing this copy changes nothing except your own understanding.
"""

import jax, jax.numpy as jnp
import numpy as np

H, W, C = 512, 512, 3
N_COORDS = 2097152

def setup_inputs(seed: int = 0) -> dict:
    key = jax.random.key(seed)
    k1, k2 = jax.random.split(key)
    # underlying image stored with uint8-style values in [0, 255]
    image = jax.random.uniform(k1, (H, W, C), dtype=jnp.float32) * 255.0
    # continuous coordinates (y, x) in [0, H) x [0, W)
    coordinates = jax.random.uniform(k2, (N_COORDS, 2), dtype=jnp.float32) * (H - 1)
    return {"coordinates": coordinates, "image": image}

def reference(coordinates, image):
    # ContinuousImage.__call__ with make_piece_wise_constant_interpolation
    # (nearest-lower / floor lookup) followed by scale_continuous_image_to_01.
    h, w, c = image.shape
    idx = jnp.floor(coordinates).astype(jnp.int32)
    iy = jnp.clip(idx[:, 0], 0, h - 1)
    ix = jnp.clip(idx[:, 1], 0, w - 1)
    flat = image.reshape(-1, c)
    # gather: the core SparseCore-mappable op (embedding-style row lookup)
    vals = jnp.take(flat, iy * w + ix, axis=0)
    # scale_continuous_image_to_01 wrapper
    return vals.astype(jnp.float32) / 255.0

if __name__ == "__main__":
    import jax
    _d = setup_inputs()
    print(jax.jit(kernel)(*tuple(_d.values())))

</pallas_src>

<mosaic_0001>
#map = affine_map<(d0, d1) -> (0)>
module attributes {stable_mosaic.version = 14 : i64} {
  func.func @k(%arg0: i32, %arg1: i32, %arg2: memref<2097152xf32, #tpu.memory_space<hbm>>, %arg3: memref<2097152xf32, #tpu.memory_space<hbm>>, %arg4: memref<786432xf32, #tpu.memory_space<hbm>>, %arg5: memref<2097152xf32, #tpu.memory_space<hbm>>, %arg6: memref<2097152xf32, #tpu.memory_space<hbm>>, %arg7: memref<2097152xf32, #tpu.memory_space<hbm>>, %arg8: memref<2x4096xf32, #tpu.memory_space<vmem>>, %arg9: memref<2x4096xf32, #tpu.memory_space<vmem>>, %arg10: memref<2x12288xi32, #tpu.memory_space<vmem>>, %arg11: memref<2x12288xf32, #tpu.memory_space<vmem>>, %arg12: memref<786432xf32, #tpu.memory_space<vmem_shared>>, %arg13: memref<!tpu.dma_semaphore, #tpu.memory_space<semaphore_mem>>, %arg14: memref<!tpu.dma_semaphore, #tpu.memory_space<semaphore_mem>>, %arg15: memref<!tpu.dma_semaphore, #tpu.memory_space<semaphore_mem>>) attributes {dimension_semantics = [#tpu.dimension_semantics<core_parallel>, #tpu.dimension_semantics<subcore_parallel>], iteration_bounds = array<i64: 2, 16>, scalar_prefetch = 0 : i64, scratch_operands = 8 : i64, tpu.core_type = #tpu.core_type<sc_vector_subcore>, window_params = [{transform_indices = #map}, {transform_indices = #map}, {transform_indices = #map}, {transform_indices = #map}, {transform_indices = #map}, {transform_indices = #map}]} {
    %mul3A = arith.constant 2 : i32
    %mul3A_0 = arith.muli %arg1, %mul3A : i32
    %add3A = arith.addi %mul3A_0, %arg0 : i32
    %mul3A_1 = arith.constant 65536 : i32
    %mul3A_2 = arith.muli %add3A, %mul3A_1 : i32
    %mul3A_3 = arith.constant 49152 : i32
    %mul3A_4 = arith.muli %arg1, %mul3A_3 : i32
    %mul3A_5 = arith.constant 49152 : i32
    %mul3A_6 = arith.muli %arg1, %mul3A_5 : i32
    "tpu.region"() ({
      %run_scoped3A = tpu.sem_alloc : memref<!tpu.dma_semaphore, #tpu.memory_space<semaphore_mem>>
      %dma_start3A_84 = tpu.memref_slice %arg12[%mul3A_6] : memref<786432xf32, #tpu.memory_space<vmem_shared>> -> memref<49152xf32, #tpu.memory_space<vmem_shared>>
      %dma_start3A_85 = tpu.memref_slice %arg4[%mul3A_4] : memref<786432xf32, #tpu.memory_space<hbm>> -> memref<49152xf32, #tpu.memory_space<hbm>>
      tpu.enqueue_dma source(%dma_start3A_85 : memref<49152xf32, #tpu.memory_space<hbm>>) target(%dma_start3A_84 : memref<49152xf32, #tpu.memory_space<vmem_shared>>) target_semaphore(%run_scoped3A : memref<!tpu.dma_semaphore, #tpu.memory_space<semaphore_mem>>)
      %dma_wait3A_86 = tpu.memref_slice %arg12[%mul3A_6] : memref<786432xf32, #tpu.memory_space<vmem_shared>> -> memref<49152xf32, #tpu.memory_space<vmem_shared>>
      %dma_wait3A_87 = tpu.memref_slice %arg4[%mul3A_4] : memref<786432xf32, #tpu.memory_space<hbm>> -> memref<49152xf32, #tpu.memory_space<hbm>>
      tpu.wait_dma2 semaphore(%run_scoped3A : memref<!tpu.dma_semaphore, #tpu.memory_space<semaphore_mem>>) src(%dma_wait3A_87 : memref<49152xf32, #tpu.memory_space<hbm>>) dst(%dma_wait3A_86 : memref<49152xf32, #tpu.memory_space<vmem_shared>>)
      tpu.yield
    }) : () -> ()
    %barrier3A = arith.constant 0 : index
    tpu.barrier barrier_id(%barrier3A)
    %add3A_7 = arith.constant 0 : i32
    %add3A_8 = arith.addi %mul3A_2, %add3A_7 : i32
    %dma_start3A = arith.constant 0 : i32
    %dma_start3A_9 = arith.constant 0 : i32
    %dma_start3A_10 = tpu.memref_slice %arg8[%dma_start3A, %dma_start3A_9] : memref<2x4096xf32, #tpu.memory_space<vmem>> -> memref<1x4096xf32, #tpu.memory_space<vmem>>
    %dma_start3A_11 = tpu.memref_squeeze %dma_start3A_10 : memref<1x4096xf32, #tpu.memory_space<vmem>> -> memref<4096xf32, #tpu.memory_space<vmem>>
    %dma_start3A_12 = tpu.memref_slice %arg2[%add3A_8] : memref<2097152xf32, #tpu.memory_space<hbm>> -> memref<4096xf32, #tpu.memory_space<hbm>>
    %dma_start3A_13 = arith.constant 0 : i32
    %dma_start3A_14 = tpu.memref_slice %arg8[%dma_start3A, %dma_start3A_13] : memref<2x4096xf32, #tpu.memory_space<vmem>> -> memref<1x4096xf32, #tpu.memory_space<vmem>>
    %dma_start3A_15 = tpu.memref_squeeze %dma_start3A_14 : memref<1x4096xf32, #tpu.memory_space<vmem>> -> memref<4096xf32, #tpu.memory_space<vmem>>
    %dma_start3A_16 = tpu.memref_slice %arg2[%add3A_8] : memref<2097152xf32, #tpu.memory_space<hbm>> -> memref<4096xf32, #tpu.memory_space<hbm>>
    tpu.enqueue_dma source(%dma_start3A_16 : memref<4096xf32, #tpu.memory_space<hbm>>) target(%dma_start3A_15 : memref<4096xf32, #tpu.memory_space<vmem>>) target_semaphore(%arg13 : memref<!tpu.dma_semaphore, #tpu.memory_space<semaphore_mem>>)
    %dma_start3A_17 = arith.constant 0 : i32
    %dma_start3A_18 = arith.constant 0 : i32
    %dma_start3A_19 = tpu.memref_slice %arg9[%dma_start3A_17, %dma_start3A_18] : memref<2x4096xf32, #tpu.memory_space<vmem>> -> memref<1x4096xf32, #tpu.memory_space<vmem>>
    %dma_start3A_20 = tpu.memref_squeeze %dma_start3A_19 : memref<1x4096xf32, #tpu.memory_space<vmem>> -> memref<4096xf32, #tpu.memory_space<vmem>>
    %dma_start3A_21 = tpu.memref_slice %arg3[%add3A_8] : memref<2097152xf32, #tpu.memory_space<hbm>> -> memref<4096xf32, #tpu.memory_space<hbm>>
    %dma_start3A_22 = arith.constant 0 : i32
    %dma_start3A_23 = tpu.memref_slice %arg9[%dma_start3A_17, %dma_start3A_22] : memref<2x4096xf32, #tpu.memory_space<vmem>> -> memref<1x4096xf32, #tpu.memory_space<vmem>>
    %dma_start3A_24 = tpu.memref_squeeze %dma_start3A_23 : memref<1x4096xf32, #tpu.memory_space<vmem>> -> memref<4096xf32, #tpu.memory_space<vmem>>
    %dma_start3A_25 = tpu.memref_slice %arg3[%add3A_8] : memref<2097152xf32, #tpu.memory_space<hbm>> -> memref<4096xf32, #tpu.memory_space<hbm>>
    tpu.enqueue_dma source(%dma_start3A_25 : memref<4096xf32, #tpu.memory_space<hbm>>) target(%dma_start3A_24 : memref<4096xf32, #tpu.memory_space<vmem>>) target_semaphore(%arg13 : memref<!tpu.dma_semaphore, #tpu.memory_space<semaphore_mem>>)
    %scan3A = arith.constant 0 : i32
    %scan3A_26 = arith.constant 0 : i32
    %scan3A_27 = arith.constant 8 : i32
    %scan3A_28 = arith.addi %scan3A_26, %scan3A_27 : i32
    %scan3A_29 = arith.constant 1 : i32
    scf.for %scan3A_84 = %scan3A_26 to %scan3A_28 step %scan3A_29  : i32 {
      %mul3A_85 = arith.constant 2 : i32
      %mul3A_86 = arith.muli %mul3A_85, %scan3A_84 : i32
      %mul3A_87 = arith.constant 4096 : i32
      %mul3A_88 = arith.muli %mul3A_86, %mul3A_87 : i32
      %add3A_89 = arith.addi %mul3A_2, %mul3A_88 : i32
      %ge3A = arith.constant 1 : i32
      %ge3A_90 = arith.cmpi sge, %scan3A_84, %ge3A : i32
      %convert_element_type3A = arith.extui %ge3A_90 : i1 to i32
      %cond3A = arith.constant 0 : i32
      %cond3A_91 = arith.constant 0 : i32
      %cond3A_92 = arith.cmpi ne, %convert_element_type3A, %cond3A_91 : i32
      scf.if %cond3A_92 {
        %dma_wait3A_287 = arith.constant 0 : i32
        %dma_wait3A_288 = tpu.memref_slice %arg11[%cond3A, %dma_wait3A_287] : memref<2x12288xf32, #tpu.memory_space<vmem>> -> memref<1x12288xf32, #tpu.memory_space<vmem>>
        %dma_wait3A_289 = tpu.memref_squeeze %dma_wait3A_288 : memref<1x12288xf32, #tpu.memory_space<vmem>> -> memref<12288xf32, #tpu.memory_space<vmem>>
        %dma_wait3A_290 = arith.constant 0 : i32
        %dma_wait3A_291 = tpu.memref_slice %dma_wait3A_289[%dma_wait3A_290] : memref<12288xf32, #tpu.memory_space<vmem>> -> memref<4096xf32, #tpu.memory_space<vmem>>
        %dma_wait3A_292 = tpu.memref_slice %arg5[%mul3A_2] : memref<2097152xf32, #tpu.memory_space<hbm>> -> memref<4096xf32, #tpu.memory_space<hbm>>
        %dma_wait3A_293 = tpu.memref_slice %arg5[%mul3A_2] : memref<2097152xf32, #tpu.memory_space<hbm>> -> memref<4096xf32, #tpu.memory_space<hbm>>
        %dma_wait3A_294 = arith.constant 0 : i32
        %dma_wait3A_295 = tpu.memref_slice %arg11[%cond3A, %dma_wait3A_294] : memref<2x12288xf32, #tpu.memory_space<vmem>> -> memref<1x12288xf32, #tpu.memory_space<vmem>>
        %dma_wait3A_296 = tpu.memref_squeeze %dma_wait3A_295 : memref<1x12288xf32, #tpu.memory_space<vmem>> -> memref<12288xf32, #tpu.memory_space<vmem>>
        %dma_wait3A_297 = arith.constant 0 : i32
        %dma_wait3A_298 = tpu.memref_slice %dma_wait3A_296[%dma_wait3A_297] : memref<12288xf32, #tpu.memory_space<vmem>> -> memref<4096xf32, #tpu.memory_space<vmem>>
        tpu.wait_dma2 semaphore(%arg15 : memref<!tpu.dma_semaphore, #tpu.memory_space<semaphore_mem>>) src(%dma_wait3A_298 : memref<4096xf32, #tpu.memory_space<vmem>>) dst(%dma_wait3A_293 : memref<4096xf32, #tpu.memory_space<hbm>>)
        %dma_wait3A_299 = arith.constant 0 : i32
        %dma_wait3A_300 = tpu.memref_slice %arg11[%cond3A, %dma_wait3A_299] : memref<2x12288xf32, #tpu.memory_space<vmem>> -> memref<1x12288xf32, #tpu.memory_space<vmem>>
        %dma_wait3A_301 = tpu.memref_squeeze %dma_wait3A_300 : memref<1x12288xf32, #tpu.memory_space<vmem>> -> memref<12288xf32, #tpu.memory_space<vmem>>
        %dma_wait3A_302 = arith.constant 4096 : i32
        %dma_wait3A_303 = tpu.memref_slice %dma_wait3A_301[%dma_wait3A_302] : memref<12288xf32, #tpu.memory_space<vmem>> -> memref<4096xf32, #tpu.memory_space<vmem>>
        %dma_wait3A_304 = tpu.memref_slice %arg5[%mul3A_2] : memref<2097152xf32, #tpu.memory_space<hbm>> -> memref<4096xf32, #tpu.memory_space<hbm>>
        %dma_wait3A_305 = tpu.memref_slice %arg5[%mul3A_2] : memref<2097152xf32, #tpu.memory_space<hbm>> -> memref<4096xf32, #tpu.memory_space<hbm>>
        %dma_wait3A_306 = arith.constant 0 : i32
        %dma_wait3A_307 = tpu.memref_slice %arg11[%cond3A, %dma_wait3A_306] : memref<2x12288xf32, #tpu.memory_space<vmem>> -> memref<1x12288xf32, #tpu.memory_space<vmem>>
        %dma_wait3A_308 = tpu.memref_squeeze %dma_wait3A_307 : memref<1x12288xf32, #tpu.memory_space<vmem>> -> memref<12288xf32, #tpu.memory_space<vmem>>
        %dma_wait3A_309 = arith.constant 4096 : i32
        %dma_wait3A_310 = tpu.memref_slice %dma_wait3A_308[%dma_wait3A_309] : memref<12288xf32, #tpu.memory_space<vmem>> -> memref<4096xf32, #tpu.memory_space<vmem>>
        tpu.wait_dma2 semaphore(%arg15 : memref<!tpu.dma_semaphore, #tpu.memory_space<semaphore_mem>>) src(%dma_wait3A_310 : memref<4096xf32, #tpu.memory_space<vmem>>) dst(%dma_wait3A_305 : memref<4096xf32, #tpu.memory_space<hbm>>)
        %dma_wait3A_311 = arith.constant 0 : i32
        %dma_wait3A_312 = tpu.memref_slice %arg11[%cond3A, %dma_wait3A_311] : memref<2x12288xf32, #tpu.memory_space<vmem>> -> memref<1x12288xf32, #tpu.memory_space<vmem>>
        %dma_wait3A_313 = tpu.memref_squeeze %dma_wait3A_312 : memref<1x12288xf32, #tpu.memory_space<vmem>> -> memref<12288xf32, #tpu.memory_space<vmem>>
        %dma_wait3A_314 = arith.constant 8192 : i32
        %dma_wait3A_315 = tpu.memref_slice %dma_wait3A_313[%dma_wait3A_314] : memref<12288xf32, #tpu.memory_space<vmem>> -> memref<4096xf32, #tpu.memory_space<vmem>>
        %dma_wait3A_316 = tpu.memref_slice %arg5[%mul3A_2] : memref<2097152xf32, #tpu.memory_space<hbm>> -> memref<4096xf32, #tpu.memory_space<hbm>>
        %dma_wait3A_317 = tpu.memref_slice %arg5[%mul3A_2] : memref<2097152xf32, #tpu.memory_space<hbm>> -> memref<4096xf32, #tpu.memory_space<hbm>>
        %dma_wait3A_318 = arith.constant 0 : i32
        %dma_wait3A_319 = tpu.memref_slice %arg11[%cond3A, %dma_wait3A_318] : memref<2x12288xf32, #tpu.memory_space<vmem>> -> memref<1x12288xf32, #tpu.memory_space<vmem>>
        %dma_wait3A_320 = tpu.memref_squeeze %dma_wait3A_319 : memref<1x12288xf32, #tpu.memory_space<vmem>> -> memref<12288xf32, #tpu.memory_space<vmem>>
        %dma_wait3A_321 = arith.constant 8192 : i32
        %dma_wait3A_322 = tpu.memref_slice %dma_wait3A_320[%dma_wait3A_321] : memref<12288xf32, #tpu.memory_space<vmem>> -> memref<4096xf32, #tpu.memory_space<vmem>>
        tpu.wait_dma2 semaphore(%arg15 : memref<!tpu.dma_semaphore, #tpu.memory_space<semaphore_mem>>) src(%dma_wait3A_322 : memref<4096xf32, #tpu.memory_space<vmem>>) dst(%dma_wait3A_317 : memref<4096xf32, #tpu.memory_space<hbm>>)
      } else {
      }
      %dma_wait3A_93 = arith.constant 0 : i32
      %dma_wait3A_94 = arith.constant 0 : i32
      %dma_wait3A_95 = tpu.memref_slice %arg8[%dma_wait3A_93, %dma_wait3A_94] : memref<2x4096xf32, #tpu.memory_space<vmem>> -> memref<1x4096xf32, #tpu.memory_space<vmem>>
      %dma_wait3A_96 = tpu.memref_squeeze %dma_wait3A_95 : memref<1x4096xf32, #tpu.memory_space<vmem>> -> memref<4096xf32, #tpu.memory_space<vmem>>
      %dma_wait3A_97 = tpu.memref_slice %arg2[%mul3A_2] : memref<2097152xf32, #tpu.memory_space<hbm>> -> memref<4096xf32, #tpu.memory_space<hbm>>
      %dma_wait3A_98 = arith.constant 0 : i32
      %dma_wait3A_99 = tpu.memref_slice %arg8[%dma_wait3A_93, %dma_wait3A_98] : memref<2x4096xf32, #tpu.memory_space<vmem>> -> memref<1x4096xf32, #tpu.memory_space<vmem>>
      %dma_wait3A_100 = tpu.memref_squeeze %dma_wait3A_99 : memref<1x4096xf32, #tpu.memory_space<vmem>> -> memref<4096xf32, #tpu.memory_space<vmem>>
      %dma_wait3A_101 = tpu.memref_slice %arg2[%mul3A_2] : memref<2097152xf32, #tpu.memory_space<hbm>> -> memref<4096xf32, #tpu.memory_space<hbm>>
      tpu.wait_dma2 semaphore(%arg13 : memref<!tpu.dma_semaphore, #tpu.memory_space<semaphore_mem>>) src(%dma_wait3A_101 : memref<4096xf32, #tpu.memory_space<hbm>>) dst(%dma_wait3A_100 : memref<4096xf32, #tpu.memory_space<vmem>>)
      %dma_wait3A_102 = arith.constant 0 : i32
      %dma_wait3A_103 = arith.constant 0 : i32
      %dma_wait3A_104 = tpu.memref_slice %arg9[%dma_wait3A_102, %dma_wait3A_103] : memref<2x4096xf32, #tpu.memory_space<vmem>> -> memref<1x4096xf32, #tpu.memory_space<vmem>>
      %dma_wait3A_105 = tpu.memref_squeeze %dma_wait3A_104 : memref<1x4096xf32, #tpu.memory_space<vmem>> -> memref<4096xf32, #tpu.memory_space<vmem>>
      %dma_wait3A_106 = tpu.memref_slice %arg3[%mul3A_2] : memref<2097152xf32, #tpu.memory_space<hbm>> -> memref<4096xf32, #tpu.memory_space<hbm>>
      %dma_wait3A_107 = arith.constant 0 : i32
      %dma_wait3A_108 = tpu.memref_slice %arg9[%dma_wait3A_102, %dma_wait3A_107] : memref<2x4096xf32, #tpu.memory_space<vmem>> -> memref<1x4096xf32, #tpu.memory_space<vmem>>
      %dma_wait3A_109 = tpu.memref_squeeze %dma_wait3A_108 : memref<1x4096xf32, #tpu.memory_space<vmem>> -> memref<4096xf32, #tpu.memory_space<vmem>>
      %dma_wait3A_110 = tpu.memref_slice %arg3[%mul3A_2] : memref<2097152xf32, #tpu.memory_space<hbm>> -> memref<4096xf32, #tpu.memory_space<hbm>>
      tpu.wait_dma2 semaphore(%arg13 : memref<!tpu.dma_semaphore, #tpu.memory_space<semaphore_mem>>) src(%dma_wait3A_110 : memref<4096xf32, #tpu.memory_space<hbm>>) dst(%dma_wait3A_109 : memref<4096xf32, #tpu.memory_space<vmem>>)
      %scan3A_111 = arith.constant 0 : i32
      %scan3A_112 = arith.constant 0 : i32
      %scan3A_113 = arith.constant 0 : i32
      %scan3A_114 = arith.constant 0 : i32
      %scan3A_115 = arith.constant 32 : i32
      %scan3A_116 = arith.addi %scan3A_114, %scan3A_115 : i32
      %scan3A_117 = arith.constant 1 : i32
      scf.for %scan3A_287 = %scan3A_114 to %scan3A_116 step %scan3A_117  : i32 {
        %mul3A_288 = arith.constant 128 : i32
        %mul3A_289 = arith.muli %mul3A_288, %scan3A_287 : i32
        %add3A_290 = arith.constant 0 : i32
        %add3A_291 = arith.addi %mul3A_289, %add3A_290 : i32
        %get3A = arith.constant 0 : i32
        %get3A_292 = arith.index_cast %get3A : i32 to index
        %get3A_293 = arith.index_cast %add3A_291 : i32 to index
        %get3A_294 = tpu.vector_load %arg8[%get3A_292, %get3A_293] {strides = array<i32>} : memref<2x4096xf32, #tpu.memory_space<vmem>>, vector<1x16xf32>,
        %get3A_295 = vector.shape_cast %get3A_294 : vector<1x16xf32> to vector<16xf32>
        %convert_element_type3A_296 = arith.fptosi %get3A_295 : vector<16xf32> to vector<16xi32>
        %get3A_297 = arith.constant 0 : i32
        %get3A_298 = arith.index_cast %get3A_297 : i32 to index
        %get3A_299 = arith.index_cast %add3A_291 : i32 to index
        %get3A_300 = tpu.vector_load %arg9[%get3A_298, %get3A_299] {strides = array<i32>} : memref<2x4096xf32, #tpu.memory_space<vmem>>, vector<1x16xf32>,
        %get3A_301 = vector.shape_cast %get3A_300 : vector<1x16xf32> to vector<16xf32>
        %convert_element_type3A_302 = arith.fptosi %get3A_301 : vector<16xf32> to vector<16xi32>
        %max3A = arith.constant 0 : i32
        %max3A_303 = vector.broadcast %max3A : i32 to vector<16xi32>
        %max3A_304 = arith.maxsi %convert_element_type3A_296, %max3A_303 : vector<16xi32>
        %min3A = arith.constant 511 : i32
        %min3A_305 = vector.broadcast %min3A : i32 to vector<16xi32>
        %min3A_306 = arith.minsi %max3A_304, %min3A_305 : vector<16xi32>
        %max3A_307 = arith.constant 0 : i32
        %max3A_308 = vector.broadcast %max3A_307 : i32 to vector<16xi32>
        %max3A_309 = arith.maxsi %convert_element_type3A_302, %max3A_308 : vector<16xi32>
        %min3A_310 = arith.constant 511 : i32
        %min3A_311 = vector.broadcast %min3A_310 : i32 to vector<16xi32>
        %min3A_312 = arith.minsi %max3A_309, %min3A_311 : vector<16xi32>
        %mul3A_313 = arith.constant 512 : i32
        %mul3A_314 = vector.broadcast %mul3A_313 : i32 to vector<16xi32>
        %mul3A_315 = arith.muli %min3A_306, %mul3A_314 : vector<16xi32>
        %add3A_316 = arith.addi %mul3A_315, %min3A_312 : vector<16xi32>
        %swap3A = arith.constant 0 : i32
        %swap3A_317 = tpu.memref_slice %arg10[%scan3A_112, %swap3A] : memref<2x12288xi32, #tpu.memory_space<vmem>> -> memref<1x12288xi32, #tpu.memory_space<vmem>>
        %swap3A_318 = tpu.memref_squeeze %swap3A_317 : memref<1x12288xi32, #tpu.memory_space<vmem>> -> memref<12288xi32, #tpu.memory_space<vmem>>
        %swap3A_319 = arith.index_cast %add3A_291 : i32 to index
        %swap3A_320 = tpu.vector_load %swap3A_318[%swap3A_319] {strides = array<i32>} : memref<12288xi32, #tpu.memory_space<vmem>>, vector<16xi32>,
        %swap3A_321 = vector.shape_cast %swap3A_320 : vector<16xi32> to vector<16xi32>
        %swap3A_322 = vector.shape_cast %add3A_316 : vector<16xi32> to vector<16xi32>
        tpu.vector_store %swap3A_318[%swap3A_319], %swap3A_322 {strides = array<i32>} : memref<12288xi32, #tpu.memory_space<vmem>>, vector<16xi32>,
        %add3A_323 = arith.constant 262144 : i32
        %add3A_324 = vector.broadcast %add3A_323 : i32 to vector<16xi32>
        %add3A_325 = arith.addi %add3A_316, %add3A_324 : vector<16xi32>
        %add3A_326 = arith.constant 4096 : i32
        %add3A_327 = arith.addi %add3A_326, %add3A_291 : i32
        %swap3A_328 = arith.constant 0 : i32
        %swap3A_329 = tpu.memref_slice %arg10[%scan3A_112, %swap3A_328] : memref<2x12288xi32, #tpu.memory_space<vmem>> -> memref<1x12288xi32, #tpu.memory_space<vmem>>
        %swap3A_330 = tpu.memref_squeeze %swap3A_329 : memref<1x12288xi32, #tpu.memory_space<vmem>> -> memref<12288xi32, #tpu.memory_space<vmem>>
        %swap3A_331 = arith.index_cast %add3A_327 : i32 to index
        %swap3A_332 = tpu.vector_load %swap3A_330[%swap3A_331] {strides = array<i32>} : memref<12288xi32, #tpu.memory_space<vmem>>, vector<16xi32>,
        %swap3A_333 = vector.shape_cast %swap3A_332 : vector<16xi32> to vector<16xi32>
        %swap3A_334 = vector.shape_cast %add3A_325 : vector<16xi32> to vector<16xi32>
        tpu.vector_store %swap3A_330[%swap3A_331], %swap3A_334 {strides = array<i32>} : memref<12288xi32, #tpu.memory_space<vmem>>, vector<16xi32>,
        %add3A_335 = arith.constant 524288 : i32
        %add3A_336 = vector.broadcast %add3A_335 : i32 to vector<16xi32>
        %add3A_337 = arith.addi %add3A_316, %add3A_336 : vector<16xi32>
        %add3A_338 = arith.constant 8192 : i32
        %add3A_339 = arith.addi %add3A_338, %add3A_291 : i32
        %swap3A_340 = arith.constant 0 : i32
        %swap3A_341 = tpu.memref_slice %arg10[%scan3A_112, %swap3A_340] : memref<2x12288xi32, #tpu.memory_space<vmem>> -> memref<1x12288xi32, #tpu.memory_space<vmem>>
        %swap3A_342 = tpu.memref_squeeze %swap3A_341 : memref<1x12288xi32, #tpu.memory_space<vmem>> -> memref<12288xi32, #tpu.memory_space<vmem>>
        %swap3A_343 = arith.index_cast %add3A_339 : i32 to index
        %swap3A_344 = tpu.vector_load %swap3A_342[%swap3A_343] {strides = array<i32>} : memref<12288xi32, #tpu.memory_space<vmem>>, vector<16xi32>,
        %swap3A_345 = vector.shape_cast %swap3A_344 : vector<16xi32> to vector<16xi32>
        %swap3A_346 = vector.shape_cast %add3A_337 : vector<16xi32> to vector<16xi32>
        tpu.vector_store %swap3A_342[%swap3A_343], %swap3A_346 {strides = array<i32>} : memref<12288xi32, #tpu.memory_space<vmem>>, vector<16xi32>,
        %mul3A_347 = arith.constant 128 : i32
        %mul3A_348 = arith.muli %mul3A_347, %scan3A_287 : i32
        %add3A_349 = arith.constant 16 : i32
        %add3A_350 = arith.addi %mul3A_348, %add3A_349 : i32
        %get3A_351 = arith.constant 0 : i32
        %get3A_352 = arith.index_cast %get3A_351 : i32 to index
        %get3A_353 = arith.index_cast %add3A_350 : i32 to index
        %get3A_354 = tpu.vector_load %arg8[%get3A_352, %get3A_353] {strides = array<i32>} : memref<2x4096xf32, #tpu.memory_space<vmem>>, vector<1x16xf32>,
        %get3A_355 = vector.shape_cast %get3A_354 : vector<1x16xf32> to vector<16xf32>
        %convert_element_type3A_356 = arith.fptosi %get3A_355 : vector<16xf32> to vector<16xi32>
        %get3A_357 = arith.constant 0 : i32
        %get3A_358 = arith.index_cast %get3A_357 : i32 to index
        %get3A_359 = arith.index_cast %add3A_350 : i32 to index
        %get3A_360 = tpu.vector_load %arg9[%get3A_358, %get3A_359] {strides = array<i32>} : memref<2x4096xf32, #tpu.memory_space<vmem>>, vector<1x16xf32>,
        %get3A_361 = vector.shape_cast %get3A_360 : vector<1x16xf32> to vector<16xf32>
        %convert_element_type3A_362 = arith.fptosi %get3A_361 : vector<16xf32> to vector<16xi32>
        %max3A_363 = arith.constant 0 : i32
        %max3A_364 = vector.broadcast %max3A_363 : i32 to vector<16xi32>
        %max3A_365 = arith.maxsi %convert_element_type3A_356, %max3A_364 : vector<16xi32>
        %min3A_366 = arith.constant 511 : i32
        %min3A_367 = vector.broadcast %min3A_366 : i32 to vector<16xi32>
        %min3A_368 = arith.minsi %max3A_365, %min3A_367 : vector<16xi32>
        %max3A_369 = arith.constant 0 : i32
        %max3A_370 = vector.broadcast %max3A_369 : i32 to vector<16xi32>
        %max3A_371 = arith.maxsi %convert_element_type3A_362, %max3A_370 : vector<16xi32>
        %min3A_372 = arith.constant 511 : i32
        %min3A_373 = vector.broadcast %min3A_372 : i32 to vector<16xi32>
        %min3A_374 = arith.minsi %max3A_371, %min3A_373 : vector<16xi32>
        %mul3A_375 = arith.constant 512 : i32
        %mul3A_376 = vector.broadcast %mul3A_375 : i32 to vector<16xi32>
        %mul3A_377 = arith.muli %min3A_368, %mul3A_376 : vector<16xi32>
        %add3A_378 = arith.addi %mul3A_377, %min3A_374 : vector<16xi32>
        %swap3A_379 = arith.constant 0 : i32
        %swap3A_380 = tpu.memref_slice %arg10[%scan3A_112, %swap3A_379] : memref<2x12288xi32, #tpu.memory_space<vmem>> -> memref<1x12288xi32, #tpu.memory_space<vmem>>
        %swap3A_381 = tpu.memref_squeeze %swap3A_380 : memref<1x12288xi32, #tpu.memory_space<vmem>> -> memref<12288xi32, #tpu.memory_space<vmem>>
        %swap3A_382 = arith.index_cast %add3A_350 : i32 to index
        %swap3A_383 = tpu.vector_load %swap3A_381[%swap3A_382] {strides = array<i32>} : memref<12288xi32, #tpu.memory_space<vmem>>, vector<16xi32>,
        %swap3A_384 = vector.shape_cast %swap3A_383 : vector<16xi32> to vector<16xi32>
        %swap3A_385 = vector.shape_cast %add3A_378 : vector<16xi32> to vector<16xi32>
        tpu.vector_store %swap3A_381[%swap3A_382], %swap3A_385 {strides = array<i32>} : memref<12288xi32, #tpu.memory_space<vmem>>, vector<16xi32>,
        %add3A_386 = arith.constant 262144 : i32
        %add3A_387 = vector.broadcast %add3A_386 : i32 to vector<16xi32>
        %add3A_388 = arith.addi %add3A_378, %add3A_387 : vector<16xi32>
        %add3A_389 = arith.constant 4096 : i32
        %add3A_390 = arith.addi %add3A_389, %add3A_350 : i32
        %swap3A_391 = arith.constant 0 : i32
        %swap3A_392 = tpu.memref_slice %arg10[%scan3A_112, %swap3A_391] : memref<2x12288xi32, #tpu.memory_space<vmem>> -> memref<1x12288xi32, #tpu.memory_space<vmem>>
        %swap3A_393 = tpu.memref_squeeze %swap3A_392 : memref<1x12288xi32, #tpu.memory_space<vmem>> -> memref<12288xi32, #tpu.memory_space<vmem>>
        %swap3A_394 = arith.index_cast %add3A_390 : i32 to index
        %swap3A_395 = tpu.vector_load %swap3A_393[%swap3A_394] {strides = array<i32>} : memref<12288xi32, #tpu.memory_space<vmem>>, vector<16xi32>,
        %swap3A_396 = vector.shape_cast %swap3A_395 : vector<16xi32> to vector<16xi32>
        %swap3A_397 = vector.shape_cast %add3A_388 : vector<16xi32> to vector<16xi32>
        tpu.vector_store %swap3A_393[%swap3A_394], %swap3A_397 {strides = array<i32>} : memref<12288xi32, #tpu.memory_space<vmem>>, vector<16xi32>,
        %add3A_398 = arith.constant 524288 : i32
        %add3A_399 = vector.broadcast %add3A_398 : i32 to vector<16xi32>
        %add3A_400 = arith.addi %add3A_378, %add3A_399 : vector<16xi32>
        %add3A_401 = arith.constant 8192 : i32
        %add3A_402 = arith.addi %add3A_401, %add3A_350 : i32
        %swap3A_403 = arith.constant 0 : i32
        %swap3A_404 = tpu.memref_slice %arg10[%scan3A_112, %swap3A_403] : memref<2x12288xi32, #tpu.memory_space<vmem>> -> memref<1x12288xi32, #tpu.memory_space<vmem>>
        %swap3A_405 = tpu.memref_squeeze %swap3A_404 : memref<1x12288xi32, #tpu.memory_space<vmem>> -> memref<12288xi32, #tpu.memory_space<vmem>>
        %swap3A_406 = arith.index_cast %add3A_402 : i32 to index
        %swap3A_407 = tpu.vector_load %swap3A_405[%swap3A_406] {strides = array<i32>} : memref<12288xi32, #tpu.memory_space<vmem>>, vector<16xi32>,
        %swap3A_408 = vector.shape_cast %swap3A_407 : vector<16xi32> to vector<16xi32>
        %swap3A_409 = vector.shape_cast %add3A_400 : vector<16xi32> to vector<16xi32>
        tpu.vector_store %swap3A_405[%swap3A_406], %swap3A_409 {strides = array<i32>} : memref<12288xi32, #tpu.memory_space<vmem>>, vector<16xi32>,
        %mul3A_410 = arith.constant 128 : i32
        %mul3A_411 = arith.muli %mul3A_410, %scan3A_287 : i32
        %add3A_412 = arith.constant 32 : i32
        %add3A_413 = arith.addi %mul3A_411, %add3A_412 : i32
        %get3A_414 = arith.constant 0 : i32
        %get3A_415 = arith.index_cast %get3A_414 : i32 to index
        %get3A_416 = arith.index_cast %add3A_413 : i32 to index
        %get3A_417 = tpu.vector_load %arg8[%get3A_415, %get3A_416] {strides = array<i32>} : memref<2x4096xf32, #tpu.memory_space<vmem>>, vector<1x16xf32>,
        %get3A_418 = vector.shape_cast %get3A_417 : vector<1x16xf32> to vector<16xf32>
        %convert_element_type3A_419 = arith.fptosi %get3A_418 : vector<16xf32> to vector<16xi32>
        %get3A_420 = arith.constant 0 : i32
        %get3A_421 = arith.index_cast %get3A_420 : i32 to index
        %get3A_422 = arith.index_cast %add3A_413 : i32 to index
        %get3A_423 = tpu.vector_load %arg9[%get3A_421, %get3A_422] {strides = array<i32>} : memref<2x4096xf32, #tpu.memory_space<vmem>>, vector<1x16xf32>,
        %get3A_424 = vector.shape_cast %get3A_423 : vector<1x16xf32> to vector<16xf32>
        %convert_element_type3A_425 = arith.fptosi %get3A_424 : vector<16xf32> to vector<16xi32>
        %max3A_426 = arith.constant 0 : i32
        %max3A_427 = vector.broadcast %max3A_426 : i32 to vector<16xi32>
        %max3A_428 = arith.maxsi %convert_element_type3A_419, %max3A_427 : vector<16xi32>
        %min3A_429 = arith.constant 511 : i32
        %min3A_430 = vector.broadcast %min3A_429 : i32 to vector<16xi32>
        %min3A_431 = arith.minsi %max3A_428, %min3A_430 : vector<16xi32>
        %max3A_432 = arith.constant 0 : i32
        %max3A_433 = vector.broadcast %max3A_432 : i32 to vector<16xi32>
        %max3A_434 = arith.maxsi %convert_element_type3A_425, %max3A_433 : vector<16xi32>
        %min3A_435 = arith.constant 511 : i32
        %min3A_436 = vector.broadcast %min3A_435 : i32 to vector<16xi32>
        %min3A_437 = arith.minsi %max3A_434, %min3A_436 : vector<16xi32>
        %mul3A_438 = arith.constant 512 : i32
        %mul3A_439 = vector.broadcast %mul3A_438 : i32 to vector<16xi32>
        %mul3A_440 = arith.muli %min3A_431, %mul3A_439 : vector<16xi32>
        %add3A_441 = arith.addi %mul3A_440, %min3A_437 : vector<16xi32>
        %swap3A_442 = arith.constant 0 : i32
        %swap3A_443 = tpu.memref_slice %arg10[%scan3A_112, %swap3A_442] : memref<2x12288xi32, #tpu.memory_space<vmem>> -> memref<1x12288xi32, #tpu.memory_space<vmem>>
        %swap3A_444 = tpu.memref_squeeze %swap3A_443 : memref<1x12288xi32, #tpu.memory_space<vmem>> -> memref<12288xi32, #tpu.memory_space<vmem>>
        %swap3A_445 = arith.index_cast %add3A_413 : i32 to index
        %swap3A_446 = tpu.vector_load %swap3A_444[%swap3A_445] {strides = array<i32>} : memref<12288xi32, #tpu.memory_space<vmem>>, vector<16xi32>,
        %swap3A_447 = vector.shape_cast %swap3A_446 : vector<16xi32> to vector<16xi32>
        %swap3A_448 = vector.shape_cast %add3A_441 : vector<16xi32> to vector<16xi32>
        tpu.vector_store %swap3A_444[%swap3A_445], %swap3A_448 {strides = array<i32>} : memref<12288xi32, #tpu.memory_space<vmem>>, vector<16xi32>,
        %add3A_449 = arith.constant 262144 : i32
        %add3A_450 = vector.broadcast %add3A_449 : i32 to vector<16xi32>
        %add3A_451 = arith.addi %add3A_441, %add3A_450 : vector<16xi32>
        %add3A_452 = arith.constant 4096 : i32
        %add3A_453 = arith.addi %add3A_452, %add3A_413 : i32
        %swap3A_454 = arith.constant 0 : i32
        %swap3A_455 = tpu.memref_slice %arg10[%scan3A_112, %swap3A_454] : memref<2x12288xi32, #tpu.memory_space<vmem>> -> memref<1x12288xi32, #tpu.memory_space<vmem>>
        %swap3A_456 = tpu.memref_squeeze %swap3A_455 : memref<1x12288xi32, #tpu.memory_space<vmem>> -> memref<12288xi32, #tpu.memory_space<vmem>>
        %swap3A_457 = arith.index_cast %add3A_453 : i32 to index
        %swap3A_458 = tpu.vector_load %swap3A_456[%swap3A_457] {strides = array<i32>} : memref<12288xi32, #tpu.memory_space<vmem>>, vector<16xi32>,
        %swap3A_459 = vector.shape_cast %swap3A_458 : vector<16xi32> to vector<16xi32>
        %swap3A_460 = vector.shape_cast %add3A_451 : vector<16xi32> to vector<16xi32>
        tpu.vector_store %swap3A_456[%swap3A_457], %swap3A_460 {strides = array<i32>} : memref<12288xi32, #tpu.memory_space<vmem>>, vector<16xi32>,
        %add3A_461 = arith.constant 524288 : i32
        %add3A_462 = vector.broadcast %add3A_461 : i32 to vector<16xi32>
        %add3A_463 = arith.addi %add3A_441, %add3A_462 : vector<16xi32>
        %add3A_464 = arith.constant 8192 : i32
        %add3A_465 = arith.addi %add3A_464, %add3A_413 : i32
        %swap3A_466 = arith.constant 0 : i32
        %swap3A_467 = tpu.memref_slice %arg10[%scan3A_112, %swap3A_466] : memref<2x12288xi32, #tpu.memory_space<vmem>> -> memref<1x12288xi32, #tpu.memory_space<vmem>>
        %swap3A_468 = tpu.memref_squeeze %swap3A_467 : memref<1x12288xi32, #tpu.memory_space<vmem>> -> memref<12288xi32, #tpu.memory_space<vmem>>
        %swap3A_469 = arith.index_cast %add3A_465 : i32 to index
        %swap3A_470 = tpu.vector_load %swap3A_468[%swap3A_469] {strides = array<i32>} : memref<12288xi32, #tpu.memory_space<vmem>>, vector<16xi32>,
        %swap3A_471 = vector.shape_cast %swap3A_470 : vector<16xi32> to vector<16xi32>
        %swap3A_472 = vector.shape_cast %add3A_463 : vector<16xi32> to vector<16xi32>
        tpu.vector_store %swap3A_468[%swap3A_469], %swap3A_472 {strides = array<i32>} : memref<12288xi32, #tpu.memory_space<vmem>>, vector<16xi32>,
        %mul3A_473 = arith.constant 128 : i32
        %mul3A_474 = arith.muli %mul3A_473, %scan3A_287 : i32
        %add3A_475 = arith.constant 48 : i32
        %add3A_476 = arith.addi %mul3A_474, %add3A_475 : i32
        %get3A_477 = arith.constant 0 : i32
        %get3A_478 = arith.index_cast %get3A_477 : i32 to index
        %get3A_479 = arith.index_cast %add3A_476 : i32 to index
        %get3A_480 = tpu.vector_load %arg8[%get3A_478, %get3A_479] {strides = array<i32>} : memref<2x4096xf32, #tpu.memory_space<vmem>>, vector<1x16xf32>,
        %get3A_481 = vector.shape_cast %get3A_480 : vector<1x16xf32> to vector<16xf32>
        %convert_element_type3A_482 = arith.fptosi %get3A_481 : vector<16xf32> to vector<16xi32>
        %get3A_483 = arith.constant 0 : i32
        %get3A_484 = arith.index_cast %get3A_483 : i32 to index
        %get3A_485 = arith.index_cast %add3A_476 : i32 to index
        %get3A_486 = tpu.vector_load %arg9[%get3A_484, %get3A_485] {strides = array<i32>} : memref<2x4096xf32, #tpu.memory_space<vmem>>, vector<1x16xf32>,
        %get3A_487 = vector.shape_cast %get3A_486 : vector<1x16xf32> to vector<16xf32>
        %convert_element_type3A_488 = arith.fptosi %get3A_487 : vector<16xf32> to vector<16xi32>
        %max3A_489 = arith.constant 0 : i32
        %max3A_490 = vector.broadcast %max3A_489 : i32 to vector<16xi32>
        %max3A_491 = arith.maxsi %convert_element_type3A_482, %max3A_490 : vector<16xi32>
        %min3A_492 = arith.constant 511 : i32
        %min3A_493 = vector.broadcast %min3A_492 : i32 to vector<16xi32>
        %min3A_494 = arith.minsi %max3A_491, %min3A_493 : vector<16xi32>
        %max3A_495 = arith.constant 0 : i32
        %max3A_496 = vector.broadcast %max3A_495 : i32 to vector<16xi32>
        %max3A_497 = arith.maxsi %convert_element_type3A_488, %max3A_496 : vector<16xi32>
        %min3A_498 = arith.constant 511 : i32
        %min3A_499 = vector.broadcast %min3A_498 : i32 to vector<16xi32>
        %min3A_500 = arith.minsi %max3A_497, %min3A_499 : vector<16xi32>
        %mul3A_501 = arith.constant 512 : i32
        %mul3A_502 = vector.broadcast %mul3A_501 : i32 to vector<16xi32>
        %mul3A_503 = arith.muli %min3A_494, %mul3A_502 : vector<16xi32>
        %add3A_504 = arith.addi %mul3A_503, %min3A_500 : vector<16xi32>
        %swap3A_505 = arith.constant 0 : i32
        %swap3A_506 = tpu.memref_slice %arg10[%scan3A_112, %swap3A_505] : memref<2x12288xi32, #tpu.memory_space<vmem>> -> memref<1x12288xi32, #tpu.memory_space<vmem>>
        %swap3A_507 = tpu.memref_squeeze %swap3A_506 : memref<1x12288xi32, #tpu.memory_space<vmem>> -> memref<12288xi32, #tpu.memory_space<vmem>>
        %swap3A_508 = arith.index_cast %add3A_476 : i32 to index
        %swap3A_509 = tpu.vector_load %swap3A_507[%swap3A_508] {strides = array<i32>} : memref<12288xi32, #tpu.memory_space<vmem>>, vector<16xi32>,
        %swap3A_510 = vector.shape_cast %swap3A_509 : vector<16xi32> to vector<16xi32>
        %swap3A_511 = vector.shape_cast %add3A_504 : vector<16xi32> to vector<16xi32>
        tpu.vector_store %swap3A_507[%swap3A_508], %swap3A_511 {strides = array<i32>} : memref<12288xi32, #tpu.memory_space<vmem>>, vector<16xi32>,
        %add3A_512 = arith.constant 262144 : i32
        %add3A_513 = vector.broadcast %add3A_512 : i32 to vector<16xi32>
        %add3A_514 = arith.addi %add3A_504, %add3A_513 : vector<16xi32>
        %add3A_515 = arith.constant 4096 : i32
        %add3A_516 = arith.addi %add3A_515, %add3A_476 : i32
        %swap3A_517 = arith.constant 0 : i32
        %swap3A_518 = tpu.memref_slice %arg10[%scan3A_112, %swap3A_517] : memref<2x12288xi32, #tpu.memory_space<vmem>> -> memref<1x12288xi32, #tpu.memory_space<vmem>>
        %swap3A_519 = tpu.memref_squeeze %swap3A_518 : memref<1x12288xi32, #tpu.memory_space<vmem>> -> memref<12288xi32, #tpu.memory_space<vmem>>
        %swap3A_520 = arith.index_cast %add3A_516 : i32 to index
        %swap3A_521 = tpu.vector_load %swap3A_519[%swap3A_520] {strides = array<i32>} : memref<12288xi32, #tpu.memory_space<vmem>>, vector<16xi32>,
        %swap3A_522 = vector.shape_cast %swap3A_521 : vector<16xi32> to vector<16xi32>
        %swap3A_523 = vector.shape_cast %add3A_514 : vector<16xi32> to vector<16xi32>
        tpu.vector_store %swap3A_519[%swap3A_520], %swap3A_523 {strides = array<i32>} : memref<12288xi32, #tpu.memory_space<vmem>>, vector<16xi32>,
        %add3A_524 = arith.constant 524288 : i32
        %add3A_525 = vector.broadcast %add3A_524 : i32 to vector<16xi32>
        %add3A_526 = arith.addi %add3A_504, %add3A_525 : vector<16xi32>
        %add3A_527 = arith.constant 8192 : i32
        %add3A_528 = arith.addi %add3A_527, %add3A_476 : i32
        %swap3A_529 = arith.constant 0 : i32
        %swap3A_530 = tpu.memref_slice %arg10[%scan3A_112, %swap3A_529] : memref<2x12288xi32, #tpu.memory_space<vmem>> -> memref<1x12288xi32, #tpu.memory_space<vmem>>
        %swap3A_531 = tpu.memref_squeeze %swap3A_530 : memref<1x12288xi32, #tpu.memory_space<vmem>> -> memref<12288xi32, #tpu.memory_space<vmem>>
        %swap3A_532 = arith.index_cast %add3A_528 : i32 to index
        %swap3A_533 = tpu.vector_load %swap3A_531[%swap3A_532] {strides = array<i32>} : memref<12288xi32, #tpu.memory_space<vmem>>, vector<16xi32>,
        %swap3A_534 = vector.shape_cast %swap3A_533 : vector<16xi32> to vector<16xi32>
        %swap3A_535 = vector.shape_cast %add3A_526 : vector<16xi32> to vector<16xi32>
        tpu.vector_store %swap3A_531[%swap3A_532], %swap3A_535 {strides = array<i32>} : memref<12288xi32, #tpu.memory_space<vmem>>, vector<16xi32>,
        %mul3A_536 = arith.constant 128 : i32
        %mul3A_537 = arith.muli %mul3A_536, %scan3A_287 : i32
        %add3A_538 = arith.constant 64 : i32
        %add3A_539 = arith.addi %mul3A_537, %add3A_538 : i32
        %get3A_540 = arith.constant 0 : i32
        %get3A_541 = arith.index_cast %get3A_540 : i32 to index
        %get3A_542 = arith.index_cast %add3A_539 : i32 to index
        %get3A_543 = tpu.vector_load %arg8[%get3A_541, %get3A_542] {strides = array<i32>} : memref<2x4096xf32, #tpu.memory_space<vmem>>, vector<1x16xf32>,
        %get3A_544 = vector.shape_cast %get3A_543 : vector<1x16xf32> to vector<16xf32>
        %convert_element_type3A_545 = arith.fptosi %get3A_544 : vector<16xf32> to vector<16xi32>
        %get3A_546 = arith.constant 0 : i32
        %get3A_547 = arith.index_cast %get3A_546 : i32 to index
        %get3A_548 = arith.index_cast %add3A_539 : i32 to index
        %get3A_549 = tpu.vector_load %arg9[%get3A_547, %get3A_548] {strides = array<i32>} : memref<2x4096xf32, #tpu.memory_space<vmem>>, vector<1x16xf32>,
        %get3A_550 = vector.shape_cast %get3A_549 : vector<1x16xf32> to vector<16xf32>
        %convert_element_type3A_551 = arith.fptosi %get3A_550 : vector<16xf32> to vector<16xi32>
        %max3A_552 = arith.constant 0 : i32
        %max3A_553 = vector.broadcast %max3A_552 : i32 to vector<16xi32>
        %max3A_554 = arith.maxsi %convert_element_type3A_545, %max3A_553 : vector<16xi32>
        %min3A_555 = arith.constant 511 : i32
        %min3A_556 = vector.broadcast %min3A_555 : i32 to vector<16xi32>
        %min3A_557 = arith.minsi %max3A_554, %min3A_556 : vector<16xi32>
        %max3A_558 = arith.constant 0 : i32
        %max3A_559 = vector.broadcast %max3A_558 : i32 to vector<16xi32>
        %max3A_560 = arith.maxsi %convert_element_type3A_551, %max3A_559 : vector<16xi32>
        %min3A_561 = arith.constant 511 : i32
        %min3A_562 = vector.broadcast %min3A_561 : i32 to vector<16xi32>
        %min3A_563 = arith.minsi %max3A_560, %min3A_562 : vector<16xi32>
        %mul3A_564 = arith.constant 512 : i32
        %mul3A_565 = vector.broadcast %mul3A_564 : i32 to vector<16xi32>
        %mul3A_566 = arith.muli %min3A_557, %mul3A_565 : vector<16xi32>
        %add3A_567 = arith.addi %mul3A_566, %min3A_563 : vector<16xi32>
        %swap3A_568 = arith.constant 0 : i32
        %swap3A_569 = tpu.memref_slice %arg10[%scan3A_112, %swap3A_568] : memref<2x12288xi32, #tpu.memory_space<vmem>> -> memref<1x12288xi32, #tpu.memory_space<vmem>>
        %swap3A_570 = tpu.memref_squeeze %swap3A_569 : memref<1x12288xi32, #tpu.memory_space<vmem>> -> memref<12288xi32, #tpu.memory_space<vmem>>
        %swap3A_571 = arith.index_cast %add3A_539 : i32 to index
        %swap3A_572 = tpu.vector_load %swap3A_570[%swap3A_571] {strides = array<i32>} : memref<12288xi32, #tpu.memory_space<vmem>>, vector<16xi32>,
        %swap3A_573 = vector.shape_cast %swap3A_572 : vector<16xi32> to vector<16xi32>
        %swap3A_574 = vector.shape_cast %add3A_567 : vector<16xi32> to vector<16xi32>
        tpu.vector_store %swap3A_570[%swap3A_571], %swap3A_574 {strides = array<i32>} : memref<12288xi32, #tpu.memory_space<vmem>>, vector<16xi32>,
        %add3A_575 = arith.constant 262144 : i32
        %add3A_576 = vector.broadcast %add3A_575 : i32 to vector<16xi32>
        %add3A_577 = arith.addi %add3A_567, %add3A_576 : vector<16xi32>
        %add3A_578 = arith.constant 4096 : i32
        %add3A_579 = arith.addi %add3A_578, %add3A_539 : i32
        %swap3A_580 = arith.constant 0 : i32
        %swap3A_581 = tpu.memref_slice %arg10[%scan3A_112, %swap3A_580] : memref<2x12288xi32, #tpu.memory_space<vmem>> -> memref<1x12288xi32, #tpu.memory_space<vmem>>
        %swap3A_582 = tpu.memref_squeeze %swap3A_581 : memref<1x12288xi32, #tpu.memory_space<vmem>> -> memref<12288xi32, #tpu.memory_space<vmem>>
        %swap3A_583 = arith.index_cast %add3A_579 : i32 to index
        %swap3A_584 = tpu.vector_load %swap3A_582[%swap3A_583] {strides = array<i32>} : memref<12288xi32, #tpu.memory_space<vmem>>, vector<16xi32>,
        %swap3A_585 = vector.shape_cast %swap3A_584 : vector<16xi32> to vector<16xi32>
        %swap3A_586 = vector.shape_cast %add3A_577 : vector<16xi32> to vector<16xi32>
        tpu.vector_store %swap3A_582[%swap3A_583], %swap3A_586 {strides = array<i32>} : memref<12288xi32, #tpu.memory_space<vmem>>, vector<16xi32>,
        %add3A_587 = arith.constant 524288 : i32
        %add3A_588 = vector.broadcast %add3A_587 : i32 to vector<16xi32>
        %add3A_589 = arith.addi %add3A_567, %add3A_588 : vector<16xi32>
        %add3A_590 = arith.constant 8192 : i32
        %add3A_591 = arith.addi %add3A_590, %add3A_539 : i32
        %swap3A_592 = arith.constant 0 : i32
        %swap3A_593 = tpu.memref_slice %arg10[%scan3A_112, %swap3A_592] : memref<2x12288xi32, #tpu.memory_space<vmem>> -> memref<1x12288xi32, #tpu.memory_space<vmem>>
        %swap3A_594 = tpu.memref_squeeze %swap3A_593 : memref<1x12288xi32, #tpu.memory_space<vmem>> -> memref<12288xi32, #tpu.memory_space<vmem>>
        %swap3A_595 = arith.index_cast %add3A_591 : i32 to index
        %swap3A_596 = tpu.vector_load %swap3A_594[%swap3A_595] {strides = array<i32>} : memref<12288xi32, #tpu.memory_space<vmem>>, vector<16xi32>,
        %swap3A_597 = vector.shape_cast %swap3A_596 : vector<16xi32> to vector<16xi32>
        %swap3A_598 = vector.shape_cast %add3A_589 : vector<16xi32> to vector<16xi32>
        tpu.vector_store %swap3A_594[%swap3A_595], %swap3A_598 {strides = array<i32>} : memref<12288xi32, #tpu.memory_space<vmem>>, vector<16xi32>,
        %mul3A_599 = arith.constant 128 : i32
        %mul3A_600 = arith.muli %mul3A_599, %scan3A_287 : i32
        %add3A_601 = arith.constant 80 : i32
        %add3A_602 = arith.addi %mul3A_600, %add3A_601 : i32
        %get3A_603 = arith.constant 0 : i32
        %get3A_604 = arith.index_cast %get3A_603 : i32 to index
        %get3A_605 = arith.index_cast %add3A_602 : i32 to index
        %get3A_606 = tpu.vector_load %arg8[%get3A_604, %get3A_605] {strides = array<i32>} : memref<2x4096xf32, #tpu.memory_space<vmem>>, vector<1x16xf32>,
        %get3A_607 = vector.shape_cast %get3A_606 : vector<1x16xf32> to vector<16xf32>
        %convert_element_type3A_608 = arith.fptosi %get3A_607 : vector<16xf32> to vector<16xi32>
        %get3A_609 = arith.constant 0 : i32
        %get3A_610 = arith.index_cast %get3A_609 : i32 to index
        %get3A_611 = arith.index_cast %add3A_602 : i32 to index
        %get3A_612 = tpu.vector_load %arg9[%get3A_610, %get3A_611] {strides = array<i32>} : memref<2x4096xf32, #tpu.memory_space<vmem>>, vector<1x16xf32>,
        %get3A_613 = vector.shape_cast %get3A_612 : vector<1x16xf32> to vector<16xf32>
        %convert_element_type3A_614 = arith.fptosi %get3A_613 : vector<16xf32> to vector<16xi32>
        %max3A_615 = arith.constant 0 : i32
        %max3A_616 = vector.broadcast %max3A_615 : i32 to vector<16xi32>
        %max3A_617 = arith.maxsi %convert_element_type3A_608, %max3A_616 : vector<16xi32>
        %min3A_618 = arith.constant 511 : i32
        %min3A_619 = vector.broadcast %min3A_618 : i32 to vector<16xi32>
        %min3A_620 = arith.minsi %max3A_617, %min3A_619 : vector<16xi32>
        %max3A_621 = arith.constant 0 : i32
        %max3A_622 = vector.broadcast %max3A_621 : i32 to vector<16xi32>
        %max3A_623 = arith.maxsi %convert_element_type3A_614, %max3A_622 : vector<16xi32>
        %min3A_624 = arith.constant 511 : i32
        %min3A_625 = vector.broadcast %min3A_624 : i32 to vector<16xi32>
        %min3A_626 = arith.minsi %max3A_623, %min3A_625 : vector<16xi32>
        %mul3A_627 = arith.constant 512 : i32
        %mul3A_628 = vector.broadcast %mul3A_627 : i32 to vector<16xi32>
        %mul3A_629 = arith.muli %min3A_620, %mul3A_628 : vector<16xi32>
        %add3A_630 = arith.addi %mul3A_629, %min3A_626 : vector<16xi32>
        %swap3A_631 = arith.constant 0 : i32
        %swap3A_632 = tpu.memref_slice %arg10[%scan3A_112, %swap3A_631] : memref<2x12288xi32, #tpu.memory_space<vmem>> -> memref<1x12288xi32, #tpu.memory_space<vmem>>
        %swap3A_633 = tpu.memref_squeeze %swap3A_632 : memref<1x12288xi32, #tpu.memory_space<vmem>> -> memref<12288xi32, #tpu.memory_space<vmem>>
        %swap3A_634 = arith.index_cast %add3A_602 : i32 to index
        %swap3A_635 = tpu.vector_load %swap3A_633[%swap3A_634] {strides = array<i32>} : memref<12288xi32, #tpu.memory_space<vmem>>, vector<16xi32>,
        %swap3A_636 = vector.shape_cast %swap3A_635 : vector<16xi32> to vector<16xi32>
        %swap3A_637 = vector.shape_cast %add3A_630 : vector<16xi32> to vector<16xi32>
        tpu.vector_store %swap3A_633[%swap3A_634], %swap3A_637 {strides = array<i32>} : memref<12288xi32, #tpu.memory_space<vmem>>, vector<16xi32>,
        %add3A_638 = arith.constant 262144 : i32
        %add3A_639 = vector.broadcast %add3A_638 : i32 to vector<16xi32>
        %add3A_640 = arith.addi %add3A_630, %add3A_639 : vector<16xi32>
        %add3A_641 = arith.constant 4096 : i32
        %add3A_642 = arith.addi %add3A_641, %add3A_602 : i32
        %swap3A_643 = arith.constant 0 : i32
        %swap3A_644 = tpu.memref_slice %arg10[%scan3A_112, %swap3A_643] : memref<2x12288xi32, #tpu.memory_space<vmem>> -> memref<1x12288xi32, #tpu.memory_space<vmem>>
        %swap3A_645 = tpu.memref_squeeze %swap3A_644 : memref<1x12288xi32, #tpu.memory_space<vmem>> -> memref<12288xi32, #tpu.memory_space<vmem>>
        %swap3A_646 = arith.index_cast %add3A_642 : i32 to index
        %swap3A_647 = tpu.vector_load %swap3A_645[%swap3A_646] {strides = array<i32>} : memref<12288xi32, #tpu.memory_space<vmem>>, vector<16xi32>,
        %swap3A_648 = vector.shape_cast %swap3A_647 : vector<16xi32> to vector<16xi32>
        %swap3A_649 = vector.shape_cast %add3A_640 : vector<16xi32> to vector<16xi32>
        tpu.vector_store %swap3A_645[%swap3A_646], %swap3A_649 {strides = array<i32>} : memref<12288xi32, #tpu.memory_space<vmem>>, vector<16xi32>,
        %add3A_650 = arith.constant 524288 : i32
        %add3A_651 = vector.broadcast %add3A_650 : i32 to vector<16xi32>
        %add3A_652 = arith.addi %add3A_630, %add3A_651 : vector<16xi32>
        %add3A_653 = arith.constant 8192 : i32
        %add3A_654 = arith.addi %add3A_653, %add3A_602 : i32
        %swap3A_655 = arith.constant 0 : i32
        %swap3A_656 = tpu.memref_slice %arg10[%scan3A_112, %swap3A_655] : memref<2x12288xi32, #tpu.memory_space<vmem>> -> memref<1x12288xi32, #tpu.memory_space<vmem>>
        %swap3A_657 = tpu.memref_squeeze %swap3A_656 : memref<1x12288xi32, #tpu.memory_space<vmem>> -> memref<12288xi32, #tpu.memory_space<vmem>>
        %swap3A_658 = arith.index_cast %add3A_654 : i32 to index
        %swap3A_659 = tpu.vector_load %swap3A_657[%swap3A_658] {strides = array<i32>} : memref<12288xi32, #tpu.memory_space<vmem>>, vector<16xi32>,
        %swap3A_660 = vector.shape_cast %swap3A_659 : vector<16xi32> to vector<16xi32>
        %swap3A_661 = vector.shape_cast %add3A_652 : vector<16xi32> to vector<16xi32>
        tpu.vector_store %swap3A_657[%swap3A_658], %swap3A_661 {strides = array<i32>} : memref<12288xi32, #tpu.memory_space<vmem>>, vector<16xi32>,
        %mul3A_662 = arith.constant 128 : i32
        %mul3A_663 = arith.muli %mul3A_662, %scan3A_287 : i32
        %add3A_664 = arith.constant 96 : i32
        %add3A_665 = arith.addi %mul3A_663, %add3A_664 : i32
        %get3A_666 = arith.constant 0 : i32
        %get3A_667 = arith.index_cast %get3A_666 : i32 to index
        %get3A_668 = arith.index_cast %add3A_665 : i32 to index
        %get3A_669 = tpu.vector_load %arg8[%get3A_667, %get3A_668] {strides = array<i32>} : memref<2x4096xf32, #tpu.memory_space<vmem>>, vector<1x16xf32>,
        %get3A_670 = vector.shape_cast %get3A_669 : vector<1x16xf32> to vector<16xf32>
        %convert_element_type3A_671 = arith.fptosi %get3A_670 : vector<16xf32> to vector<16xi32>
        %get3A_672 = arith.constant 0 : i32
        %get3A_673 = arith.index_cast %get3A_672 : i32 to index
        %get3A_674 = arith.index_cast %add3A_665 : i32 to index
        %get3A_675 = tpu.vector_load %arg9[%get3A_673, %get3A_674] {strides = array<i32>} : memref<2x4096xf32, #tpu.memory_space<vmem>>, vector<1x16xf32>,
        %get3A_676 = vector.shape_cast %get3A_675 : vector<1x16xf32> to vector<16xf32>
        %convert_element_type3A_677 = arith.fptosi %get3A_676 : vector<16xf32> to vector<16xi32>
        %max3A_678 = arith.constant 0 : i32
        %max3A_679 = vector.broadcast %max3A_678 : i32 to vector<16xi32>
        %max3A_680 = arith.maxsi %convert_element_type3A_671, %max3A_679 : vector<16xi32>
        %min3A_681 = arith.constant 511 : i32
        %min3A_682 = vector.broadcast %min3A_681 : i32 to vector<16xi32>
        %min3A_683 = arith.minsi %max3A_680, %min3A_682 : vector<16xi32>
        %max3A_684 = arith.constant 0 : i32
        %max3A_685 = vector.broadcast %max3A_684 : i32 to vector<16xi32>
        %max3A_686 = arith.maxsi %convert_element_type3A_677, %max3A_685 : vector<16xi32>
        %min3A_687 = arith.constant 511 : i32
        %min3A_688 = vector.broadcast %min3A_687 : i32 to vector<16xi32>
        %min3A_689 = arith.minsi %max3A_686, %min3A_688 : vector<16xi32>
        %mul3A_690 = arith.constant 512 : i32
        %mul3A_691 = vector.broadcast %mul3A_690 : i32 to vector<16xi32>
        %mul3A_692 = arith.muli %min3A_683, %mul3A_691 : vector<16xi32>
        %add3A_693 = arith.addi %mul3A_692, %min3A_689 : vector<16xi32>
        %swap3A_694 = arith.constant 0 : i32
        %swap3A_695 = tpu.memref_slice %arg10[%scan3A_112, %swap3A_694] : memref<2x12288xi32, #tpu.memory_space<vmem>> -> memref<1x12288xi32, #tpu.memory_space<vmem>>
        %swap3A_696 = tpu.memref_squeeze %swap3A_695 : memref<1x12288xi32, #tpu.memory_space<vmem>> -> memref<12288xi32, #tpu.memory_space<vmem>>
        %swap3A_697 = arith.index_cast %add3A_665 : i32 to index
        %swap3A_698 = tpu.vector_load %swap3A_696[%swap3A_697] {strides = array<i32>} : memref<12288xi32, #tpu.memory_space<vmem>>, vector<16xi32>,
        %swap3A_699 = vector.shape_cast %swap3A_698 : vector<16xi32> to vector<16xi32>
        %swap3A_700 = vector.shape_cast %add3A_693 : vector<16xi32> to vector<16xi32>
        tpu.vector_store %swap3A_696[%swap3A_697], %swap3A_700 {strides = array<i32>} : memref<12288xi32, #tpu.memory_space<vmem>>, vector<16xi32>,
        %add3A_701 = arith.constant 262144 : i32
        %add3A_702 = vector.broadcast %add3A_701 : i32 to vector<16xi32>
        %add3A_703 = arith.addi %add3A_693, %add3A_702 : vector<16xi32>
        %add3A_704 = arith.constant 4096 : i32
        %add3A_705 = arith.addi %add3A_704, %add3A_665 : i32
        %swap3A_706 = arith.constant 0 : i32
        %swap3A_707 = tpu.memref_slice %arg10[%scan3A_112, %swap3A_706] : memref<2x12288xi32, #tpu.memory_space<vmem>> -> memref<1x12288xi32, #tpu.memory_space<vmem>>
        %swap3A_708 = tpu.memref_squeeze %swap3A_707 : memref<1x12288xi32, #tpu.memory_space<vmem>> -> memref<12288xi32, #tpu.memory_space<vmem>>
        %swap3A_709 = arith.index_cast %add3A_705 : i32 to index
        %swap3A_710 = tpu.vector_load %swap3A_708[%swap3A_709] {strides = array<i32>} : memref<12288xi32, #tpu.memory_space<vmem>>, vector<16xi32>,
        %swap3A_711 = vector.shape_cast %swap3A_710 : vector<16xi32> to vector<16xi32>
        %swap3A_712 = vector.shape_cast %add3A_703 : vector<16xi32> to vector<16xi32>
        tpu.vector_store %swap3A_708[%swap3A_709], %swap3A_712 {strides = array<i32>} : memref<12288xi32, #tpu.memory_space<vmem>>, vector<16xi32>,
        %add3A_713 = arith.constant 524288 : i32
        %add3A_714 = vector.broadcast %add3A_713 : i32 to vector<16xi32>
        %add3A_715 = arith.addi %add3A_693, %add3A_714 : vector<16xi32>
        %add3A_716 = arith.constant 8192 : i32
        %add3A_717 = arith.addi %add3A_716, %add3A_665 : i32
        %swap3A_718 = arith.constant 0 : i32
        %swap3A_719 = tpu.memref_slice %arg10[%scan3A_112, %swap3A_718] : memref<2x12288xi32, #tpu.memory_space<vmem>> -> memref<1x12288xi32, #tpu.memory_space<vmem>>
        %swap3A_720 = tpu.memref_squeeze %swap3A_719 : memref<1x12288xi32, #tpu.memory_space<vmem>> -> memref<12288xi32, #tpu.memory_space<vmem>>
        %swap3A_721 = arith.index_cast %add3A_717 : i32 to index
        %swap3A_722 = tpu.vector_load %swap3A_720[%swap3A_721] {strides = array<i32>} : memref<12288xi32, #tpu.memory_space<vmem>>, vector<16xi32>,
        %swap3A_723 = vector.shape_cast %swap3A_722 : vector<16xi32> to vector<16xi32>
        %swap3A_724 = vector.shape_cast %add3A_715 : vector<16xi32> to vector<16xi32>
        tpu.vector_store %swap3A_720[%swap3A_721], %swap3A_724 {strides = array<i32>} : memref<12288xi32, #tpu.memory_space<vmem>>, vector<16xi32>,
        %mul3A_725 = arith.constant 128 : i32
        %mul3A_726 = arith.muli %mul3A_725, %scan3A_287 : i32
        %add3A_727 = arith.constant 112 : i32
        %add3A_728 = arith.addi %mul3A_726, %add3A_727 : i32
        %get3A_729 = arith.constant 0 : i32
        %get3A_730 = arith.index_cast %get3A_729 : i32 to index
        %get3A_731 = arith.index_cast %add3A_728 : i32 to index
        %get3A_732 = tpu.vector_load %arg8[%get3A_730, %get3A_731] {strides = array<i32>} : memref<2x4096xf32, #tpu.memory_space<vmem>>, vector<1x16xf32>,
        %get3A_733 = vector.shape_cast %get3A_732 : vector<1x16xf32> to vector<16xf32>
        %convert_element_type3A_734 = arith.fptosi %get3A_733 : vector<16xf32> to vector<16xi32>
        %get3A_735 = arith.constant 0 : i32
        %get3A_736 = arith.index_cast %get3A_735 : i32 to index
        %get3A_737 = arith.index_cast %add3A_728 : i32 to index
        %get3A_738 = tpu.vector_load %arg9[%get3A_736, %get3A_737] {strides = array<i32>} : memref<2x4096xf32, #tpu.memory_space<vmem>>, vector<1x16xf32>,
        %get3A_739 = vector.shape_cast %get3A_738 : vector<1x16xf32> to vector<16xf32>
        %convert_element_type3A_740 = arith.fptosi %get3A_739 : vector<16xf32> to vector<16xi32>
        %max3A_741 = arith.constant 0 : i32
        %max3A_742 = vector.broadcast %max3A_741 : i32 to vector<16xi32>
        %max3A_743 = arith.maxsi %convert_element_type3A_734, %max3A_742 : vector<16xi32>
        %min3A_744 = arith.constant 511 : i32
        %min3A_745 = vector.broadcast %min3A_744 : i32 to vector<16xi32>
        %min3A_746 = arith.minsi %max3A_743, %min3A_745 : vector<16xi32>
        %max3A_747 = arith.constant 0 : i32
        %max3A_748 = vector.broadcast %max3A_747 : i32 to vector<16xi32>
        %max3A_749 = arith.maxsi %convert_element_type3A_740, %max3A_748 : vector<16xi32>
        %min3A_750 = arith.constant 511 : i32
        %min3A_751 = vector.broadcast %min3A_750 : i32 to vector<16xi32>
        %min3A_752 = arith.minsi %max3A_749, %min3A_751 : vector<16xi32>
        %mul3A_753 = arith.constant 512 : i32
        %mul3A_754 = vector.broadcast %mul3A_753 : i32 to vector<16xi32>
        %mul3A_755 = arith.muli %min3A_746, %mul3A_754 : vector<16xi32>
        %add3A_756 = arith.addi %mul3A_755, %min3A_752 : vector<16xi32>
        %swap3A_757 = arith.constant 0 : i32
        %swap3A_758 = tpu.memref_slice %arg10[%scan3A_112, %swap3A_757] : memref<2x12288xi32, #tpu.memory_space<vmem>> -> memref<1x12288xi32, #tpu.memory_space<vmem>>
        %swap3A_759 = tpu.memref_squeeze %swap3A_758 : memref<1x12288xi32, #tpu.memory_space<vmem>> -> memref<12288xi32, #tpu.memory_space<vmem>>
        %swap3A_760 = arith.index_cast %add3A_728 : i32 to index
        %swap3A_761 = tpu.vector_load %swap3A_759[%swap3A_760] {strides = array<i32>} : memref<12288xi32, #tpu.memory_space<vmem>>, vector<16xi32>,
        %swap3A_762 = vector.shape_cast %swap3A_761 : vector<16xi32> to vector<16xi32>
        %swap3A_763 = vector.shape_cast %add3A_756 : vector<16xi32> to vector<16xi32>
        tpu.vector_store %swap3A_759[%swap3A_760], %swap3A_763 {strides = array<i32>} : memref<12288xi32, #tpu.memory_space<vmem>>, vector<16xi32>,
        %add3A_764 = arith.constant 262144 : i32
        %add3A_765 = vector.broadcast %add3A_764 : i32 to vector<16xi32>
        %add3A_766 = arith.addi %add3A_756, %add3A_765 : vector<16xi32>
        %add3A_767 = arith.constant 4096 : i32
        %add3A_768 = arith.addi %add3A_767, %add3A_728 : i32
        %swap3A_769 = arith.constant 0 : i32
        %swap3A_770 = tpu.memref_slice %arg10[%scan3A_112, %swap3A_769] : memref<2x12288xi32, #tpu.memory_space<vmem>> -> memref<1x12288xi32, #tpu.memory_space<vmem>>
        %swap3A_771 = tpu.memref_squeeze %swap3A_770 : memref<1x12288xi32, #tpu.memory_space<vmem>> -> memref<12288xi32, #tpu.memory_space<vmem>>
        %swap3A_772 = arith.index_cast %add3A_768 : i32 to index
        %swap3A_773 = tpu.vector_load %swap3A_771[%swap3A_772] {strides = array<i32>} : memref<12288xi32, #tpu.memory_space<vmem>>, vector<16xi32>,
        %swap3A_774 = vector.shape_cast %swap3A_773 : vector<16xi32> to vector<16xi32>
        %swap3A_775 = vector.shape_cast %add3A_766 : vector<16xi32> to vector<16xi32>
        tpu.vector_store %swap3A_771[%swap3A_772], %swap3A_775 {strides = array<i32>} : memref<12288xi32, #tpu.memory_space<vmem>>, vector<16xi32>,
        %add3A_776 = arith.constant 524288 : i32
        %add3A_777 = vector.broadcast %add3A_776 : i32 to vector<16xi32>
        %add3A_778 = arith.addi %add3A_756, %add3A_777 : vector<16xi32>
        %add3A_779 = arith.constant 8192 : i32
        %add3A_780 = arith.addi %add3A_779, %add3A_728 : i32
        %swap3A_781 = arith.constant 0 : i32
        %swap3A_782 = tpu.memref_slice %arg10[%scan3A_112, %swap3A_781] : memref<2x12288xi32, #tpu.memory_space<vmem>> -> memref<1x12288xi32, #tpu.memory_space<vmem>>
        %swap3A_783 = tpu.memref_squeeze %swap3A_782 : memref<1x12288xi32, #tpu.memory_space<vmem>> -> memref<12288xi32, #tpu.memory_space<vmem>>
        %swap3A_784 = arith.index_cast %add3A_780 : i32 to index
        %swap3A_785 = tpu.vector_load %swap3A_783[%swap3A_784] {strides = array<i32>} : memref<12288xi32, #tpu.memory_space<vmem>>, vector<16xi32>,
        %swap3A_786 = vector.shape_cast %swap3A_785 : vector<16xi32> to vector<16xi32>
        %swap3A_787 = vector.shape_cast %add3A_778 : vector<16xi32> to vector<16xi32>
        tpu.vector_store %swap3A_783[%swap3A_784], %swap3A_787 {strides = array<i32>} : memref<12288xi32, #tpu.memory_space<vmem>>, vector<16xi32>,
        %mul3A_788 = arith.constant 128 : i32
        %mul3A_789 = arith.muli %mul3A_788, %scan3A_287 : i32
        %add3A_790 = arith.constant 0 : i32
        %add3A_791 = arith.addi %add3A_790, %mul3A_789 : i32
        %dma_start3A_792 = arith.constant 0 : i32
        %dma_start3A_793 = tpu.memref_slice %arg11[%scan3A_113, %dma_start3A_792] : memref<2x12288xf32, #tpu.memory_space<vmem>> -> memref<1x12288xf32, #tpu.memory_space<vmem>>
        %dma_start3A_794 = tpu.memref_squeeze %dma_start3A_793 : memref<1x12288xf32, #tpu.memory_space<vmem>> -> memref<12288xf32, #tpu.memory_space<vmem>>
        %dma_start3A_795 = tpu.memref_slice %dma_start3A_794[%add3A_791] : memref<12288xf32, #tpu.memory_space<vmem>> -> memref<128xf32, #tpu.memory_space<vmem>>
        %dma_start3A_796 = arith.constant 0 : i32
        %dma_start3A_797 = tpu.memref_slice %arg10[%scan3A_112, %dma_start3A_796] : memref<2x12288xi32, #tpu.memory_space<vmem>> -> memref<1x12288xi32, #tpu.memory_space<vmem>>
        %dma_start3A_798 = tpu.memref_squeeze %dma_start3A_797 : memref<1x12288xi32, #tpu.memory_space<vmem>> -> memref<12288xi32, #tpu.memory_space<vmem>>
        %dma_start3A_799 = tpu.memref_slice %dma_start3A_798[%add3A_791] : memref<12288xi32, #tpu.memory_space<vmem>> -> memref<128xi32, #tpu.memory_space<vmem>>
        %dma_start3A_800 = arith.constant 0 : i32
        %dma_start3A_801 = tpu.memref_slice %arg12[%dma_start3A_800] : memref<786432xf32, #tpu.memory_space<vmem_shared>> -> memref<786432xf32, #tpu.memory_space<vmem_shared>>
        tpu.enqueue_indirect_dma source(%dma_start3A_801 : memref<786432xf32, #tpu.memory_space<vmem_shared>>) target(%dma_start3A_795 : memref<128xf32, #tpu.memory_space<vmem>>) offsets(%dma_start3A_799 : memref<128xi32, #tpu.memory_space<vmem>>) semaphore(%arg14 : memref<!tpu.dma_semaphore, #tpu.memory_space<semaphore_mem>>)
        %mul3A_802 = arith.constant 128 : i32
        %mul3A_803 = arith.muli %mul3A_802, %scan3A_287 : i32
        %add3A_804 = arith.constant 4096 : i32
        %add3A_805 = arith.addi %add3A_804, %mul3A_803 : i32
        %dma_start3A_806 = arith.constant 0 : i32
        %dma_start3A_807 = tpu.memref_slice %arg11[%scan3A_113, %dma_start3A_806] : memref<2x12288xf32, #tpu.memory_space<vmem>> -> memref<1x12288xf32, #tpu.memory_space<vmem>>
        %dma_start3A_808 = tpu.memref_squeeze %dma_start3A_807 : memref<1x12288xf32, #tpu.memory_space<vmem>> -> memref<12288xf32, #tpu.memory_space<vmem>>
        %dma_start3A_809 = tpu.memref_slice %dma_start3A_808[%add3A_805] : memref<12288xf32, #tpu.memory_space<vmem>> -> memref<128xf32, #tpu.memory_space<vmem>>
        %dma_start3A_810 = arith.constant 0 : i32
        %dma_start3A_811 = tpu.memref_slice %arg10[%scan3A_112, %dma_start3A_810] : memref<2x12288xi32, #tpu.memory_space<vmem>> -> memref<1x12288xi32, #tpu.memory_space<vmem>>
        %dma_start3A_812 = tpu.memref_squeeze %dma_start3A_811 : memref<1x12288xi32, #tpu.memory_space<vmem>> -> memref<12288xi32, #tpu.memory_space<vmem>>
        %dma_start3A_813 = tpu.memref_slice %dma_start3A_812[%add3A_805] : memref<12288xi32, #tpu.memory_space<vmem>> -> memref<128xi32, #tpu.memory_space<vmem>>
        %dma_start3A_814 = arith.constant 0 : i32
        %dma_start3A_815 = tpu.memref_slice %arg12[%dma_start3A_814] : memref<786432xf32, #tpu.memory_space<vmem_shared>> -> memref<786432xf32, #tpu.memory_space<vmem_shared>>
        tpu.enqueue_indirect_dma source(%dma_start3A_815 : memref<786432xf32, #tpu.memory_space<vmem_shared>>) target(%dma_start3A_809 : memref<128xf32, #tpu.memory_space<vmem>>) offsets(%dma_start3A_813 : memref<128xi32, #tpu.memory_space<vmem>>) semaphore(%arg14 : memref<!tpu.dma_semaphore, #tpu.memory_space<semaphore_mem>>)
        %mul3A_816 = arith.constant 128 : i32
        %mul3A_817 = arith.muli %mul3A_816, %scan3A_287 : i32
        %add3A_818 = arith.constant 8192 : i32
        %add3A_819 = arith.addi %add3A_818, %mul3A_817 : i32
        %dma_start3A_820 = arith.constant 0 : i32
        %dma_start3A_821 = tpu.memref_slice %arg11[%scan3A_113, %dma_start3A_820] : memref<2x12288xf32, #tpu.memory_space<vmem>> -> memref<1x12288xf32, #tpu.memory_space<vmem>>
        %dma_start3A_822 = tpu.memref_squeeze %dma_start3A_821 : memref<1x12288xf32, #tpu.memory_space<vmem>> -> memref<12288xf32, #tpu.memory_space<vmem>>
        %dma_start3A_823 = tpu.memref_slice %dma_start3A_822[%add3A_819] : memref<12288xf32, #tpu.memory_space<vmem>> -> memref<128xf32, #tpu.memory_space<vmem>>
        %dma_start3A_824 = arith.constant 0 : i32
        %dma_start3A_825 = tpu.memref_slice %arg10[%scan3A_112, %dma_start3A_824] : memref<2x12288xi32, #tpu.memory_space<vmem>> -> memref<1x12288xi32, #tpu.memory_space<vmem>>
        %dma_start3A_826 = tpu.memref_squeeze %dma_start3A_825 : memref<1x12288xi32, #tpu.memory_space<vmem>> -> memref<12288xi32, #tpu.memory_space<vmem>>
        %dma_start3A_827 = tpu.memref_slice %dma_start3A_826[%add3A_819] : memref<12288xi32, #tpu.memory_space<vmem>> -> memref<128xi32, #tpu.memory_space<vmem>>
        %dma_start3A_828 = arith.constant 0 : i32
        %dma_start3A_829 = tpu.memref_slice %arg12[%dma_start3A_828] : memref<786432xf32, #tpu.memory_space<vmem_shared>> -> memref<786432xf32, #tpu.memory_space<vmem_shared>>
        tpu.enqueue_indirect_dma source(%dma_start3A_829 : memref<786432xf32, #tpu.memory_space<vmem_shared>>) target(%dma_start3A_823 : memref<128xf32, #tpu.memory_space<vmem>>) offsets(%dma_start3A_827 : memref<128xi32, #tpu.memory_space<vmem>>) semaphore(%arg14 : memref<!tpu.dma_semaphore, #tpu.memory_space<semaphore_mem>>)
      }
      %scan3A_118 = arith.constant 32 : i32
      %mul3A_119 = arith.constant 2 : i32
      %mul3A_120 = arith.muli %mul3A_119, %scan3A_84 : i32
      %add3A_121 = arith.constant 1 : i32
      %add3A_122 = arith.addi %mul3A_120, %add3A_121 : i32
      %mul3A_123 = arith.constant 4096 : i32
      %mul3A_124 = arith.muli %add3A_122, %mul3A_123 : i32
      %add3A_125 = arith.addi %mul3A_2, %mul3A_124 : i32
      %dma_start3A_126 = arith.constant 1 : i32
      %dma_start3A_127 = arith.constant 0 : i32
      %dma_start3A_128 = tpu.memref_slice %arg8[%dma_start3A_126, %dma_start3A_127] : memref<2x4096xf32, #tpu.memory_space<vmem>> -> memref<1x4096xf32, #tpu.memory_space<vmem>>
      %dma_start3A_129 = tpu.memref_squeeze %dma_start3A_128 : memref<1x4096xf32, #tpu.memory_space<vmem>> -> memref<4096xf32, #tpu.memory_space<vmem>>
      %dma_start3A_130 = tpu.memref_slice %arg2[%add3A_125] : memref<2097152xf32, #tpu.memory_space<hbm>> -> memref<4096xf32, #tpu.memory_space<hbm>>
      %dma_start3A_131 = arith.constant 0 : i32
      %dma_start3A_132 = tpu.memref_slice %arg8[%dma_start3A_126, %dma_start3A_131] : memref<2x4096xf32, #tpu.memory_space<vmem>> -> memref<1x4096xf32, #tpu.memory_space<vmem>>
      %dma_start3A_133 = tpu.memref_squeeze %dma_start3A_132 : memref<1x4096xf32, #tpu.memory_space<vmem>> -> memref<4096xf32, #tpu.memory_space<vmem>>
      %dma_start3A_134 = tpu.memref_slice %arg2[%add3A_125] : memref<2097152xf32, #tpu.memory_space<hbm>> -> memref<4096xf32, #tpu.memory_space<hbm>>
      tpu.enqueue_dma source(%dma_start3A_134 : memref<4096xf32, #tpu.memory_space<hbm>>) target(%dma_start3A_133 : memref<4096xf32, #tpu.memory_space<vmem>>) target_semaphore(%arg13 : memref<!tpu.dma_semaphore, #tpu.memory_space<semaphore_mem>>)
      %dma_start3A_135 = arith.constant 1 : i32
      %dma_start3A_136 = arith.constant 0 : i32
      %dma_start3A_137 = tpu.memref_slice %arg9[%dma_start3A_135, %dma_start3A_136] : memref<2x4096xf32, #tpu.memory_space<vmem>> -> memref<1x4096xf32, #tpu.memory_space<vmem>>
      %dma_start3A_138 = tpu.memref_squeeze %dma_start3A_137 : memref<1x4096xf32, #tpu.memory_space<vmem>> -> memref<4096xf32, #tpu.memory_space<vmem>>
      %dma_start3A_139 = tpu.memref_slice %arg3[%add3A_125] : memref<2097152xf32, #tpu.memory_space<hbm>> -> memref<4096xf32, #tpu.memory_space<hbm>>
      %dma_start3A_140 = arith.constant 0 : i32
      %dma_start3A_141 = tpu.memref_slice %arg9[%dma_start3A_135, %dma_start3A_140] : memref<2x4096xf32, #tpu.memory_space<vmem>> -> memref<1x4096xf32, #tpu.memory_space<vmem>>
      %dma_start3A_142 = tpu.memref_squeeze %dma_start3A_141 : memref<1x4096xf32, #tpu.memory_space<vmem>> -> memref<4096xf32, #tpu.memory_space<vmem>>
      %dma_start3A_143 = tpu.memref_slice %arg3[%add3A_125] : memref<2097152xf32, #tpu.memory_space<hbm>> -> memref<4096xf32, #tpu.memory_space<hbm>>
      tpu.enqueue_dma source(%dma_start3A_143 : memref<4096xf32, #tpu.memory_space<hbm>>) target(%dma_start3A_142 : memref<4096xf32, #tpu.memory_space<vmem>>) target_semaphore(%arg13 : memref<!tpu.dma_semaphore, #tpu.memory_space<semaphore_mem>>)
      %dma_wait3A_144 = arith.constant 0 : i32
      %dma_wait3A_145 = arith.constant 0 : i32
      %dma_wait3A_146 = tpu.memref_slice %arg11[%dma_wait3A_144, %dma_wait3A_145] : memref<2x12288xf32, #tpu.memory_space<vmem>> -> memref<1x12288xf32, #tpu.memory_space<vmem>>
      %dma_wait3A_147 = tpu.memref_squeeze %dma_wait3A_146 : memref<1x12288xf32, #tpu.memory_space<vmem>> -> memref<12288xf32, #tpu.memory_space<vmem>>
      %dma_wait3A_148 = arith.constant 0 : i32
      %dma_wait3A_149 = tpu.memref_slice %arg4[%dma_wait3A_148] : memref<786432xf32, #tpu.memory_space<hbm>> -> memref<12288xf32, #tpu.memory_space<hbm>>
      %dma_wait3A_150 = arith.constant 0 : i32
      %dma_wait3A_151 = tpu.memref_slice %arg11[%dma_wait3A_144, %dma_wait3A_150] : memref<2x12288xf32, #tpu.memory_space<vmem>> -> memref<1x12288xf32, #tpu.memory_space<vmem>>
      %dma_wait3A_152 = tpu.memref_squeeze %dma_wait3A_151 : memref<1x12288xf32, #tpu.memory_space<vmem>> -> memref<12288xf32, #tpu.memory_space<vmem>>
      %dma_wait3A_153 = arith.constant 0 : i32
      %dma_wait3A_154 = tpu.memref_slice %arg4[%dma_wait3A_153] : memref<786432xf32, #tpu.memory_space<hbm>> -> memref<12288xf32, #tpu.memory_space<hbm>>
      tpu.wait_dma2 semaphore(%arg14 : memref<!tpu.dma_semaphore, #tpu.memory_space<semaphore_mem>>) src(%dma_wait3A_154 : memref<12288xf32, #tpu.memory_space<hbm>>) dst(%dma_wait3A_152 : memref<12288xf32, #tpu.memory_space<vmem>>)
      %dma_start3A_155 = arith.constant 0 : i32
      %dma_start3A_156 = arith.constant 0 : i32
      %dma_start3A_157 = tpu.memref_slice %arg11[%dma_start3A_155, %dma_start3A_156] : memref<2x12288xf32, #tpu.memory_space<vmem>> -> memref<1x12288xf32, #tpu.memory_space<vmem>>
      %dma_start3A_158 = tpu.memref_squeeze %dma_start3A_157 : memref<1x12288xf32, #tpu.memory_space<vmem>> -> memref<12288xf32, #tpu.memory_space<vmem>>
      %dma_start3A_159 = arith.constant 0 : i32
      %dma_start3A_160 = tpu.memref_slice %dma_start3A_158[%dma_start3A_159] : memref<12288xf32, #tpu.memory_space<vmem>> -> memref<4096xf32, #tpu.memory_space<vmem>>
      %dma_start3A_161 = tpu.memref_slice %arg5[%add3A_89] : memref<2097152xf32, #tpu.memory_space<hbm>> -> memref<4096xf32, #tpu.memory_space<hbm>>
      %dma_start3A_162 = tpu.memref_slice %arg5[%add3A_89] : memref<2097152xf32, #tpu.memory_space<hbm>> -> memref<4096xf32, #tpu.memory_space<hbm>>
      %dma_start3A_163 = arith.constant 0 : i32
      %dma_start3A_164 = tpu.memref_slice %arg11[%dma_start3A_155, %dma_start3A_163] : memref<2x12288xf32, #tpu.memory_space<vmem>> -> memref<1x12288xf32, #tpu.memory_space<vmem>>
      %dma_start3A_165 = tpu.memref_squeeze %dma_start3A_164 : memref<1x12288xf32, #tpu.memory_space<vmem>> -> memref<12288xf32, #tpu.memory_space<vmem>>
      %dma_start3A_166 = arith.constant 0 : i32
      %dma_start3A_167 = tpu.memref_slice %dma_start3A_165[%dma_start3A_166] : memref<12288xf32, #tpu.memory_space<vmem>> -> memref<4096xf32, #tpu.memory_space<vmem>>
      tpu.enqueue_dma source(%dma_start3A_167 : memref<4096xf32, #tpu.memory_space<vmem>>) target(%dma_start3A_162 : memref<4096xf32, #tpu.memory_space<hbm>>) target_semaphore(%arg15 : memref<!tpu.dma_semaphore, #tpu.memory_space<semaphore_mem>>)
      %dma_start3A_168 = arith.constant 0 : i32
      %dma_start3A_169 = arith.constant 0 : i32
      %dma_start3A_170 = tpu.memref_slice %arg11[%dma_start3A_168, %dma_start3A_169] : memref<2x12288xf32, #tpu.memory_space<vmem>> -> memref<1x12288xf32, #tpu.memory_space<vmem>>
      %dma_start3A_171 = tpu.memref_squeeze %dma_start3A_170 : memref<1x12288xf32, #tpu.memory_space<vmem>> -> memref<12288xf32, #tpu.memory_space<vmem>>
      %dma_start3A_172 = arith.constant 4096 : i32
      %dma_start3A_173 = tpu.memref_slice %dma_start3A_171[%dma_start3A_172] : memref<12288xf32, #tpu.memory_space<vmem>> -> memref<4096xf32, #tpu.memory_space<vmem>>
      %dma_start3A_174 = tpu.memref_slice %arg6[%add3A_89] : memref<2097152xf32, #tpu.memory_space<hbm>> -> memref<4096xf32, #tpu.memory_space<hbm>>
      %dma_start3A_175 = tpu.memref_slice %arg6[%add3A_89] : memref<2097152xf32, #tpu.memory_space<hbm>> -> memref<4096xf32, #tpu.memory_space<hbm>>
      %dma_start3A_176 = arith.constant 0 : i32
      %dma_start3A_177 = tpu.memref_slice %arg11[%dma_start3A_168, %dma_start3A_176] : memref<2x12288xf32, #tpu.memory_space<vmem>> -> memref<1x12288xf32, #tpu.memory_space<vmem>>
      %dma_start3A_178 = tpu.memref_squeeze %dma_start3A_177 : memref<1x12288xf32, #tpu.memory_space<vmem>> -> memref<12288xf32, #tpu.memory_space<vmem>>
      %dma_start3A_179 = arith.constant 4096 : i32
      %dma_start3A_180 = tpu.memref_slice %dma_start3A_178[%dma_start3A_179] : memref<12288xf32, #tpu.memory_space<vmem>> -> memref<4096xf32, #tpu.memory_space<vmem>>
      tpu.enqueue_dma source(%dma_start3A_180 : memref<4096xf32, #tpu.memory_space<vmem>>) target(%dma_start3A_175 : memref<4096xf32, #tpu.memory_space<hbm>>) target_semaphore(%arg15 : memref<!tpu.dma_semaphore, #tpu.memory_space<semaphore_mem>>)
      %dma_start3A_181 = arith.constant 0 : i32
      %dma_start3A_182 = arith.constant 0 : i32
      %dma_start3A_183 = tpu.memref_slice %arg11[%dma_start3A_181, %dma_start3A_182] : memref<2x12288xf32, #tpu.memory_space<vmem>> -> memref<1x12288xf32, #tpu.memory_space<vmem>>
      %dma_start3A_184 = tpu.memref_squeeze %dma_start3A_183 : memref<1x12288xf32, #tpu.memory_space<vmem>> -> memref<12288xf32, #tpu.memory_space<vmem>>
      %dma_start3A_185 = arith.constant 8192 : i32
      %dma_start3A_186 = tpu.memref_slice %dma_start3A_184[%dma_start3A_185] : memref<12288xf32, #tpu.memory_space<vmem>> -> memref<4096xf32, #tpu.memory_space<vmem>>
      %dma_start3A_187 = tpu.memref_slice %arg7[%add3A_89] : memref<2097152xf32, #tpu.memory_space<hbm>> -> memref<4096xf32, #tpu.memory_space<hbm>>
      %dma_start3A_188 = tpu.memref_slice %arg7[%add3A_89] : memref<2097152xf32, #tpu.memory_space<hbm>> -> memref<4096xf32, #tpu.memory_space<hbm>>
      %dma_start3A_189 = arith.constant 0 : i32
      %dma_start3A_190 = tpu.memref_slice %arg11[%dma_start3A_181, %dma_start3A_189] : memref<2x12288xf32, #tpu.memory_space<vmem>> -> memref<1x12288xf32, #tpu.memory_space<vmem>>
      %dma_start3A_191 = tpu.memref_squeeze %dma_start3A_190 : memref<1x12288xf32, #tpu.memory_space<vmem>> -> memref<12288xf32, #tpu.memory_space<vmem>>
      %dma_start3A_192 = arith.constant 8192 : i32
      %dma_start3A_193 = tpu.memref_slice %dma_start3A_191[%dma_start3A_192] : memref<12288xf32, #tpu.memory_space<vmem>> -> memref<4096xf32, #tpu.memory_space<vmem>>
      tpu.enqueue_dma source(%dma_start3A_193 : memref<4096xf32, #tpu.memory_space<vmem>>) target(%dma_start3A_188 : memref<4096xf32, #tpu.memory_space<hbm>>) target_semaphore(%arg15 : memref<!tpu.dma_semaphore, #tpu.memory_space<semaphore_mem>>)
      %mul3A_194 = arith.constant 2 : i32
      %mul3A_195 = arith.muli %mul3A_194, %scan3A_84 : i32
      %add3A_196 = arith.constant 1 : i32
      %add3A_197 = arith.addi %mul3A_195, %add3A_196 : i32
      %mul3A_198 = arith.constant 4096 : i32
      %mul3A_199 = arith.muli %add3A_197, %mul3A_198 : i32
      %add3A_200 = arith.addi %mul3A_2, %mul3A_199 : i32
      %ge3A_201 = arith.constant 1 : i32
      %ge3A_202 = arith.cmpi sge, %scan3A_84, %ge3A_201 : i32
      %convert_element_type3A_203 = arith.extui %ge3A_202 : i1 to i32
      %cond3A_204 = arith.constant 1 : i32
      %cond3A_205 = arith.constant 0 : i32
      %cond3A_206 = arith.cmpi ne, %convert_element_type3A_203, %cond3A_205 : i32
      scf.if %cond3A_206 {
        %dma_wait3A_287 = arith.constant 0 : i32
        %dma_wait3A_288 = tpu.memref_slice %arg11[%cond3A_204, %dma_wait3A_287] : memref<2x12288xf32, #tpu.memory_space<vmem>> -> memref<1x12288xf32, #tpu.memory_space<vmem>>
        %dma_wait3A_289 = tpu.memref_squeeze %dma_wait3A_288 : memref<1x12288xf32, #tpu.memory_space<vmem>> -> memref<12288xf32, #tpu.memory_space<vmem>>
        %dma_wait3A_290 = arith.constant 0 : i32
        %dma_wait3A_291 = tpu.memref_slice %dma_wait3A_289[%dma_wait3A_290] : memref<12288xf32, #tpu.memory_space<vmem>> -> memref<4096xf32, #tpu.memory_space<vmem>>
        %dma_wait3A_292 = tpu.memref_slice %arg5[%mul3A_2] : memref<2097152xf32, #tpu.memory_space<hbm>> -> memref<4096xf32, #tpu.memory_space<hbm>>
        %dma_wait3A_293 = tpu.memref_slice %arg5[%mul3A_2] : memref<2097152xf32, #tpu.memory_space<hbm>> -> memref<4096xf32, #tpu.memory_space<hbm>>
        %dma_wait3A_294 = arith.constant 0 : i32
        %dma_wait3A_295 = tpu.memref_slice %arg11[%cond3A_204, %dma_wait3A_294] : memref<2x12288xf32, #tpu.memory_space<vmem>> -> memref<1x12288xf32, #tpu.memory_space<vmem>>
        %dma_wait3A_296 = tpu.memref_squeeze %dma_wait3A_295 : memref<1x12288xf32, #tpu.memory_space<vmem>> -> memref<12288xf32, #tpu.memory_space<vmem>>
        %dma_wait3A_297 = arith.constant 0 : i32
        %dma_wait3A_298 = tpu.memref_slice %dma_wait3A_296[%dma_wait3A_297] : memref<12288xf32, #tpu.memory_space<vmem>> -> memref<4096xf32, #tpu.memory_space<vmem>>
        tpu.wait_dma2 semaphore(%arg15 : memref<!tpu.dma_semaphore, #tpu.memory_space<semaphore_mem>>) src(%dma_wait3A_298 : memref<4096xf32, #tpu.memory_space<vmem>>) dst(%dma_wait3A_293 : memref<4096xf32, #tpu.memory_space<hbm>>)
        %dma_wait3A_299 = arith.constant 0 : i32
        %dma_wait3A_300 = tpu.memref_slice %arg11[%cond3A_204, %dma_wait3A_299] : memref<2x12288xf32, #tpu.memory_space<vmem>> -> memref<1x12288xf32, #tpu.memory_space<vmem>>
        %dma_wait3A_301 = tpu.memref_squeeze %dma_wait3A_300 : memref<1x12288xf32, #tpu.memory_space<vmem>> -> memref<12288xf32, #tpu.memory_space<vmem>>
        %dma_wait3A_302 = arith.constant 4096 : i32
        %dma_wait3A_303 = tpu.memref_slice %dma_wait3A_301[%dma_wait3A_302] : memref<12288xf32, #tpu.memory_space<vmem>> -> memref<4096xf32, #tpu.memory_space<vmem>>
        %dma_wait3A_304 = tpu.memref_slice %arg5[%mul3A_2] : memref<2097152xf32, #tpu.memory_space<hbm>> -> memref<4096xf32, #tpu.memory_space<hbm>>
        %dma_wait3A_305 = tpu.memref_slice %arg5[%mul3A_2] : memref<2097152xf32, #tpu.memory_space<hbm>> -> memref<4096xf32, #tpu.memory_space<hbm>>
        %dma_wait3A_306 = arith.constant 0 : i32
        %dma_wait3A_307 = tpu.memref_slice %arg11[%cond3A_204, %dma_wait3A_306] : memref<2x12288xf32, #tpu.memory_space<vmem>> -> memref<1x12288xf32, #tpu.memory_space<vmem>>
        %dma_wait3A_308 = tpu.memref_squeeze %dma_wait3A_307 : memref<1x12288xf32, #tpu.memory_space<vmem>> -> memref<12288xf32, #tpu.memory_space<vmem>>
        %dma_wait3A_309 = arith.constant 4096 : i32
        %dma_wait3A_310 = tpu.memref_slice %dma_wait3A_308[%dma_wait3A_309] : memref<12288xf32, #tpu.memory_space<vmem>> -> memref<4096xf32, #tpu.memory_space<vmem>>
        tpu.wait_dma2 semaphore(%arg15 : memref<!tpu.dma_semaphore, #tpu.memory_space<semaphore_mem>>) src(%dma_wait3A_310 : memref<4096xf32, #tpu.memory_space<vmem>>) dst(%dma_wait3A_305 : memref<4096xf32, #tpu.memory_space<hbm>>)
        %dma_wait3A_311 = arith.constant 0 : i32
        %dma_wait3A_312 = tpu.memref_slice %arg11[%cond3A_204, %dma_wait3A_311] : memref<2x12288xf32, #tpu.memory_space<vmem>> -> memref<1x12288xf32, #tpu.memory_space<vmem>>
        %dma_wait3A_313 = tpu.memref_squeeze %dma_wait3A_312 : memref<1x12288xf32, #tpu.memory_space<vmem>> -> memref<12288xf32, #tpu.memory_space<vmem>>
        %dma_wait3A_314 = arith.constant 8192 : i32
        %dma_wait3A_315 = tpu.memref_slice %dma_wait3A_313[%dma_wait3A_314] : memref<12288xf32, #tpu.memory_space<vmem>> -> memref<4096xf32, #tpu.memory_space<vmem>>
        %dma_wait3A_316 = tpu.memref_slice %arg5[%mul3A_2] : memref<2097152xf32, #tpu.memory_space<hbm>> -> memref<4096xf32, #tpu.memory_space<hbm>>
        %dma_wait3A_317 = tpu.memref_slice %arg5[%mul3A_2] : memref<2097152xf32, #tpu.memory_space<hbm>> -> memref<4096xf32, #tpu.memory_space<hbm>>
        %dma_wait3A_318 = arith.constant 0 : i32
        %dma_wait3A_319 = tpu.memref_slice %arg11[%cond3A_204, %dma_wait3A_318] : memref<2x12288xf32, #tpu.memory_space<vmem>> -> memref<1x12288xf32, #tpu.memory_space<vmem>>
        %dma_wait3A_320 = tpu.memref_squeeze %dma_wait3A_319 : memref<1x12288xf32, #tpu.memory_space<vmem>> -> memref<12288xf32, #tpu.memory_space<vmem>>
        %dma_wait3A_321 = arith.constant 8192 : i32
        %dma_wait3A_322 = tpu.memref_slice %dma_wait3A_320[%dma_wait3A_321] : memref<12288xf32, #tpu.memory_space<vmem>> -> memref<4096xf32, #tpu.memory_space<vmem>>
        tpu.wait_dma2 semaphore(%arg15 : memref<!tpu.dma_semaphore, #tpu.memory_space<semaphore_mem>>) src(%dma_wait3A_322 : memref<4096xf32, #tpu.memory_space<vmem>>) dst(%dma_wait3A_317 : memref<4096xf32, #tpu.memory_space<hbm>>)
      } else {
      }
      %dma_wait3A_207 = arith.constant 1 : i32
      %dma_wait3A_208 = arith.constant 0 : i32
      %dma_wait3A_209 = tpu.memref_slice %arg8[%dma_wait3A_207, %dma_wait3A_208] : memref<2x4096xf32, #tpu.memory_space<vmem>> -> memref<1x4096xf32, #tpu.memory_space<vmem>>
      %dma_wait3A_210 = tpu.memref_squeeze %dma_wait3A_209 : memref<1x4096xf32, #tpu.memory_space<vmem>> -> memref<4096xf32, #tpu.memory_space<vmem>>
      %dma_wait3A_211 = tpu.memref_slice %arg2[%mul3A_2] : memref<2097152xf32, #tpu.memory_space<hbm>> -> memref<4096xf32, #tpu.memory_space<hbm>>
      %dma_wait3A_212 = arith.constant 0 : i32
      %dma_wait3A_213 = tpu.memref_slice %arg8[%dma_wait3A_207, %dma_wait3A_212] : memref<2x4096xf32, #tpu.memory_space<vmem>> -> memref<1x4096xf32, #tpu.memory_space<vmem>>
      %dma_wait3A_214 = tpu.memref_squeeze %dma_wait3A_213 : memref<1x4096xf32, #tpu.memory_space<vmem>> -> memref<4096xf32, #tpu.memory_space<vmem>>
      %dma_wait3A_215 = tpu.memref_slice %arg2[%mul3A_2] : memref<2097152xf32, #tpu.memory_space<hbm>> -> memref<4096xf32, #tpu.memory_space<hbm>>
      tpu.wait_dma2 semaphore(%arg13 : memref<!tpu.dma_semaphore, #tpu.memory_space<semaphore_mem>>) src(%dma_wait3A_215 : memref<4096xf32, #tpu.memory_space<hbm>>) dst(%dma_wait3A_214 : memref<4096xf32, #tpu.memory_space<vmem>>)
      %dma_wait3A_216 = arith.constant 1 : i32
      %dma_wait3A_217 = arith.constant 0 : i32
      %dma_wait3A_218 = tpu.memref_slice %arg9[%dma_wait3A_216, %dma_wait3A_217] : memref<2x4096xf32, #tpu.memory_space<vmem>> -> memref<1x4096xf32, #tpu.memory_space<vmem>>
      %dma_wait3A_219 = tpu.memref_squeeze %dma_wait3A_218 : memref<1x4096xf32, #tpu.memory_space<vmem>> -> memref<4096xf32, #tpu.memory_space<vmem>>
      %dma_wait3A_220 = tpu.memref_slice %arg3[%mul3A_2] : memref<2097152xf32, #tpu.memory_space<hbm>> -> memref<4096xf32, #tpu.memory_space<hbm>>
      %dma_wait3A_221 = arith.constant 0 : i32
      %dma_wait3A_222 = tpu.memref_slice %arg9[%dma_wait3A_216, %dma_wait3A_221] : memref<2x4096xf32, #tpu.memory_space<vmem>> -> memref<1x4096xf32, #tpu.memory_space<vmem>>
      %dma_wait3A_223 = tpu.memref_squeeze %dma_wait3A_222 : memref<1x4096xf32, #tpu.memory_space<vmem>> -> memref<4096xf32, #tpu.memory_space<vmem>>
      %dma_wait3A_224 = tpu.memref_slice %arg3[%mul3A_2] : memref<2097152xf32, #tpu.memory_space<hbm>> -> memref<4096xf32, #tpu.memory_space<hbm>>
      tpu.wait_dma2 semaphore(%arg13 : memref<!tpu.dma_semaphore, #tpu.memory_space<semaphore_mem>>) src(%dma_wait3A_224 : memref<4096xf32, #tpu.memory_space<hbm>>) dst(%dma_wait3A_223 : memref<4096xf32, #tpu.memory_space<vmem>>)
      %scan3A_225 = arith.constant 0 : i32
      %scan3A_226 = arith.constant 1 : i32
      %scan3A_227 = arith.constant 1 : i32
      %scan3A_228 = arith.constant 0 : i32
      %scan3A_229 = arith.constant 32 : i32
      %scan3A_230 = arith.addi %scan3A_228, %scan3A_229 : i32
      %scan3A_231 = arith.constant 1 : i32
      scf.for %scan3A_287 = %scan3A_228 to %scan3A_230 step %scan3A_231  : i32 {
        %mul3A_288 = arith.constant 128 : i32
        %mul3A_289 = arith.muli %mul3A_288, %scan3A_287 : i32
        %add3A_290 = arith.constant 0 : i32
        %add3A_291 = arith.addi %mul3A_289, %add3A_290 : i32
        %get3A = arith.constant 1 : i32
        %get3A_292 = arith.index_cast %get3A : i32 to index
        %get3A_293 = arith.index_cast %add3A_291 : i32 to index
        %get3A_294 = tpu.vector_load %arg8[%get3A_292, %get3A_293] {strides = array<i32>} : memref<2x4096xf32, #tpu.memory_space<vmem>>, vector<1x16xf32>,
        %get3A_295 = vector.shape_cast %get3A_294 : vector<1x16xf32> to vector<16xf32>
        %convert_element_type3A_296 = arith.fptosi %get3A_295 : vector<16xf32> to vector<16xi32>
        %get3A_297 = arith.constant 1 : i32
        %get3A_298 = arith.index_cast %get3A_297 : i32 to index
        %get3A_299 = arith.index_cast %add3A_291 : i32 to index
        %get3A_300 = tpu.vector_load %arg9[%get3A_298, %get3A_299] {strides = array<i32>} : memref<2x4096xf32, #tpu.memory_space<vmem>>, vector<1x16xf32>,
        %get3A_301 = vector.shape_cast %get3A_300 : vector<1x16xf32> to vector<16xf32>
        %convert_element_type3A_302 = arith.fptosi %get3A_301 : vector<16xf32> to vector<16xi32>
        %max3A = arith.constant 0 : i32
        %max3A_303 = vector.broadcast %max3A : i32 to vector<16xi32>
        %max3A_304 = arith.maxsi %convert_element_type3A_296, %max3A_303 : vector<16xi32>
        %min3A = arith.constant 511 : i32
        %min3A_305 = vector.broadcast %min3A : i32 to vector<16xi32>
        %min3A_306 = arith.minsi %max3A_304, %min3A_305 : vector<16xi32>
        %max3A_307 = arith.constant 0 : i32
        %max3A_308 = vector.broadcast %max3A_307 : i32 to vector<16xi32>
        %max3A_309 = arith.maxsi %convert_element_type3A_302, %max3A_308 : vector<16xi32>
        %min3A_310 = arith.constant 511 : i32
        %min3A_311 = vector.broadcast %min3A_310 : i32 to vector<16xi32>
        %min3A_312 = arith.minsi %max3A_309, %min3A_311 : vector<16xi32>
        %mul3A_313 = arith.constant 512 : i32
        %mul3A_314 = vector.broadcast %mul3A_313 : i32 to vector<16xi32>
        %mul3A_315 = arith.muli %min3A_306, %mul3A_314 : vector<16xi32>
        %add3A_316 = arith.addi %mul3A_315, %min3A_312 : vector<16xi32>
        %swap3A = arith.constant 0 : i32
        %swap3A_317 = tpu.memref_slice %arg10[%scan3A_226, %swap3A] : memref<2x12288xi32, #tpu.memory_space<vmem>> -> memref<1x12288xi32, #tpu.memory_space<vmem>>
        %swap3A_318 = tpu.memref_squeeze %swap3A_317 : memref<1x12288xi32, #tpu.memory_space<vmem>> -> memref<12288xi32, #tpu.memory_space<vmem>>
        %swap3A_319 = arith.index_cast %add3A_291 : i32 to index
        %swap3A_320 = tpu.vector_load %swap3A_318[%swap3A_319] {strides = array<i32>} : memref<12288xi32, #tpu.memory_space<vmem>>, vector<16xi32>,
        %swap3A_321 = vector.shape_cast %swap3A_320 : vector<16xi32> to vector<16xi32>
        %swap3A_322 = vector.shape_cast %add3A_316 : vector<16xi32> to vector<16xi32>
        tpu.vector_store %swap3A_318[%swap3A_319], %swap3A_322 {strides = array<i32>} : memref<12288xi32, #tpu.memory_space<vmem>>, vector<16xi32>,
        %add3A_323 = arith.constant 262144 : i32
        %add3A_324 = vector.broadcast %add3A_323 : i32 to vector<16xi32>
        %add3A_325 = arith.addi %add3A_316, %add3A_324 : vector<16xi32>
        %add3A_326 = arith.constant 4096 : i32
        %add3A_327 = arith.addi %add3A_326, %add3A_291 : i32
        %swap3A_328 = arith.constant 0 : i32
        %swap3A_329 = tpu.memref_slice %arg10[%scan3A_226, %swap3A_328] : memref<2x12288xi32, #tpu.memory_space<vmem>> -> memref<1x12288xi32, #tpu.memory_space<vmem>>
        %swap3A_330 = tpu.memref_squeeze %swap3A_329 : memref<1x12288xi32, #tpu.memory_space<vmem>> -> memref<12288xi32, #tpu.memory_space<vmem>>
        %swap3A_331 = arith.index_cast %add3A_327 : i32 to index
        %swap3A_332 = tpu.vector_load %swap3A_330[%swap3A_331] {strides = array<i32>} : memref<12288xi32, #tpu.memory_space<vmem>>, vector<16xi32>,
        %swap3A_333 = vector.shape_cast %swap3A_332 : vector<16xi32> to vector<16xi32>
        %swap3A_334 = vector.shape_cast %add3A_325 : vector<16xi32> to vector<16xi32>
        tpu.vector_store %swap3A_330[%swap3A_331], %swap3A_334 {strides = array<i32>} : memref<12288xi32, #tpu.memory_space<vmem>>, vector<16xi32>,
        %add3A_335 = arith.constant 524288 : i32
        %add3A_336 = vector.broadcast %add3A_335 : i32 to vector<16xi32>
        %add3A_337 = arith.addi %add3A_316, %add3A_336 : vector<16xi32>
        %add3A_338 = arith.constant 8192 : i32
        %add3A_339 = arith.addi %add3A_338, %add3A_291 : i32
        %swap3A_340 = arith.constant 0 : i32
        %swap3A_341 = tpu.memref_slice %arg10[%scan3A_226, %swap3A_340] : memref<2x12288xi32, #tpu.memory_space<vmem>> -> memref<1x12288xi32, #tpu.memory_space<vmem>>
        %swap3A_342 = tpu.memref_squeeze %swap3A_341 : memref<1x12288xi32, #tpu.memory_space<vmem>> -> memref<12288xi32, #tpu.memory_space<vmem>>
        %swap3A_343 = arith.index_cast %add3A_339 : i32 to index
        %swap3A_344 = tpu.vector_load %swap3A_342[%swap3A_343] {strides = array<i32>} : memref<12288xi32, #tpu.memory_space<vmem>>, vector<16xi32>,
        %swap3A_345 = vector.shape_cast %swap3A_344 : vector<16xi32> to vector<16xi32>
        %swap3A_346 = vector.shape_cast %add3A_337 : vector<16xi32> to vector<16xi32>
        tpu.vector_store %swap3A_342[%swap3A_343], %swap3A_346 {strides = array<i32>} : memref<12288xi32, #tpu.memory_space<vmem>>, vector<16xi32>,
        %mul3A_347 = arith.constant 128 : i32
        %mul3A_348 = arith.muli %mul3A_347, %scan3A_287 : i32
        %add3A_349 = arith.constant 16 : i32
        %add3A_350 = arith.addi %mul3A_348, %add3A_349 : i32
        %get3A_351 = arith.constant 1 : i32
        %get3A_352 = arith.index_cast %get3A_351 : i32 to index
        %get3A_353 = arith.index_cast %add3A_350 : i32 to index
        %get3A_354 = tpu.vector_load %arg8[%get3A_352, %get3A_353] {strides = array<i32>} : memref<2x4096xf32, #tpu.memory_space<vmem>>, vector<1x16xf32>,
        %get3A_355 = vector.shape_cast %get3A_354 : vector<1x16xf32> to vector<16xf32>
        %convert_element_type3A_356 = arith.fptosi %get3A_355 : vector<16xf32> to vector<16xi32>
        %get3A_357 = arith.constant 1 : i32
        %get3A_358 = arith.index_cast %get3A_357 : i32 to index
        %get3A_359 = arith.index_cast %add3A_350 : i32 to index
        %get3A_360 = tpu.vector_load %arg9[%get3A_358, %get3A_359] {strides = array<i32>} : memref<2x4096xf32, #tpu.memory_space<vmem>>, vector<1x16xf32>,
        %get3A_361 = vector.shape_cast %get3A_360 : vector<1x16xf32> to vector<16xf32>
        %convert_element_type3A_362 = arith.fptosi %get3A_361 : vector<16xf32> to vector<16xi32>
        %max3A_363 = arith.constant 0 : i32
        %max3A_364 = vector.broadcast %max3A_363 : i32 to vector<16xi32>
        %max3A_365 = arith.maxsi %convert_element_type3A_356, %max3A_364 : vector<16xi32>
        %min3A_366 = arith.constant 511 : i32
        %min3A_367 = vector.broadcast %min3A_366 : i32 to vector<16xi32>
        %min3A_368 = arith.minsi %max3A_365, %min3A_367 : vector<16xi32>
        %max3A_369 = arith.constant 0 : i32
        %max3A_370 = vector.broadcast %max3A_369 : i32 to vector<16xi32>
        %max3A_371 = arith.maxsi %convert_element_type3A_362, %max3A_370 : vector<16xi32>
        %min3A_372 = arith.constant 511 : i32
        %min3A_373 = vector.broadcast %min3A_372 : i32 to vector<16xi32>
        %min3A_374 = arith.minsi %max3A_371, %min3A_373 : vector<16xi32>
        %mul3A_375 = arith.constant 512 : i32
        %mul3A_376 = vector.broadcast %mul3A_375 : i32 to vector<16xi32>
        %mul3A_377 = arith.muli %min3A_368, %mul3A_376 : vector<16xi32>
        %add3A_378 = arith.addi %mul3A_377, %min3A_374 : vector<16xi32>
        %swap3A_379 = arith.constant 0 : i32
        %swap3A_380 = tpu.memref_slice %arg10[%scan3A_226, %swap3A_379] : memref<2x12288xi32, #tpu.memory_space<vmem>> -> memref<1x12288xi32, #tpu.memory_space<vmem>>
        %swap3A_381 = tpu.memref_squeeze %swap3A_380 : memref<1x12288xi32, #tpu.memory_space<vmem>> -> memref<12288xi32, #tpu.memory_space<vmem>>
        %swap3A_382 = arith.index_cast %add3A_350 : i32 to index
        %swap3A_383 = tpu.vector_load %swap3A_381[%swap3A_382] {strides = array<i32>} : memref<12288xi32, #tpu.memory_space<vmem>>, vector<16xi32>,
        %swap3A_384 = vector.shape_cast %swap3A_383 : vector<16xi32> to vector<16xi32>
        %swap3A_385 = vector.shape_cast %add3A_378 : vector<16xi32> to vector<16xi32>
        tpu.vector_store %swap3A_381[%swap3A_382], %swap3A_385 {strides = array<i32>} : memref<12288xi32, #tpu.memory_space<vmem>>, vector<16xi32>,
        %add3A_386 = arith.constant 262144 : i32
        %add3A_387 = vector.broadcast %add3A_386 : i32 to vector<16xi32>
        %add3A_388 = arith.addi %add3A_378, %add3A_387 : vector<16xi32>
        %add3A_389 = arith.constant 4096 : i32
        %add3A_390 = arith.addi %add3A_389, %add3A_350 : i32
        %swap3A_391 = arith.constant 0 : i32
        %swap3A_392 = tpu.memref_slice %arg10[%scan3A_226, %swap3A_391] : memref<2x12288xi32, #tpu.memory_space<vmem>> -> memref<1x12288xi32, #tpu.memory_space<vmem>>
        %swap3A_393 = tpu.memref_squeeze %swap3A_392 : memref<1x12288xi32, #tpu.memory_space<vmem>> -> memref<12288xi32, #tpu.memory_space<vmem>>
        %swap3A_394 = arith.index_cast %add3A_390 : i32 to index
        %swap3A_395 = tpu.vector_load %swap3A_393[%swap3A_394] {strides = array<i32>} : memref<12288xi32, #tpu.memory_space<vmem>>, vector<16xi32>,
        %swap3A_396 = vector.shape_cast %swap3A_395 : vector<16xi32> to vector<16xi32>
        %swap3A_397 = vector.shape_cast %add3A_388 : vector<16xi32> to vector<16xi32>
        tpu.vector_store %swap3A_393[%swap3A_394], %swap3A_397 {strides = array<i32>} : memref<12288xi32, #tpu.memory_space<vmem>>, vector<16xi32>,
        %add3A_398 = arith.constant 524288 : i32
        %add3A_399 = vector.broadcast %add3A_398 : i32 to vector<16xi32>
        %add3A_400 = arith.addi %add3A_378, %add3A_399 : vector<16xi32>
        %add3A_401 = arith.constant 8192 : i32
        %add3A_402 = arith.addi %add3A_401, %add3A_350 : i32
        %swap3A_403 = arith.constant 0 : i32
        %swap3A_404 = tpu.memref_slice %arg10[%scan3A_226, %swap3A_403] : memref<2x12288xi32, #tpu.memory_space<vmem>> -> memref<1x12288xi32, #tpu.memory_space<vmem>>
        %swap3A_405 = tpu.memref_squeeze %swap3A_404 : memref<1x12288xi32, #tpu.memory_space<vmem>> -> memref<12288xi32, #tpu.memory_space<vmem>>
        %swap3A_406 = arith.index_cast %add3A_402 : i32 to index
        %swap3A_407 = tpu.vector_load %swap3A_405[%swap3A_406] {strides = array<i32>} : memref<12288xi32, #tpu.memory_space<vmem>>, vector<16xi32>,
        %swap3A_408 = vector.shape_cast %swap3A_407 : vector<16xi32> to vector<16xi32>
        %swap3A_409 = vector.shape_cast %add3A_400 : vector<16xi32> to vector<16xi32>
        tpu.vector_store %swap3A_405[%swap3A_406], %swap3A_409 {strides = array<i32>} : memref<12288xi32, #tpu.memory_space<vmem>>, vector<16xi32>,
        %mul3A_410 = arith.constant 128 : i32
        %mul3A_411 = arith.muli %mul3A_410, %scan3A_287 : i32
        %add3A_412 = arith.constant 32 : i32
        %add3A_413 = arith.addi %mul3A_411, %add3A_412 : i32
        %get3A_414 = arith.constant 1 : i32
        %get3A_415 = arith.index_cast %get3A_414 : i32 to index
        %get3A_416 = arith.index_cast %add3A_413 : i32 to index
        %get3A_417 = tpu.vector_load %arg8[%get3A_415, %get3A_416] {strides = array<i32>} : memref<2x4096xf32, #tpu.memory_space<vmem>>, vector<1x16xf32>,
        %get3A_418 = vector.shape_cast %get3A_417 : vector<1x16xf32> to vector<16xf32>
        %convert_element_type3A_419 = arith.fptosi %get3A_418 : vector<16xf32> to vector<16xi32>
        %get3A_420 = arith.constant 1 : i32
        %get3A_421 = arith.index_cast %get3A_420 : i32 to index
        %get3A_422 = arith.index_cast %add3A_413 : i32 to index
        %get3A_423 = tpu.vector_load %arg9[%get3A_421, %get3A_422] {strides = array<i32>} : memref<2x4096xf32, #tpu.memory_space<vmem>>, vector<1x16xf32>,
        %get3A_424 = vector.shape_cast %get3A_423 : vector<1x16xf32> to vector<16xf32>
        %convert_element_type3A_425 = arith.fptosi %get3A_424 : vector<16xf32> to vector<16xi32>
        %max3A_426 = arith.constant 0 : i32
        %max3A_427 = vector.broadcast %max3A_426 : i32 to vector<16xi32>
        %max3A_428 = arith.maxsi %convert_element_type3A_419, %max3A_427 : vector<16xi32>
        %min3A_429 = arith.constant 511 : i32
        %min3A_430 = vector.broadcast %min3A_429 : i32 to vector<16xi32>
        %min3A_431 = arith.minsi %max3A_428, %min3A_430 : vector<16xi32>
        %max3A_432 = arith.constant 0 : i32
        %max3A_433 = vector.broadcast %max3A_432 : i32 to vector<16xi32>
        %max3A_434 = arith.maxsi %convert_element_type3A_425, %max3A_433 : vector<16xi32>
        %min3A_435 = arith.constant 511 : i32
        %min3A_436 = vector.broadcast %min3A_435 : i32 to vector<16xi32>
        %min3A_437 = arith.minsi %max3A_434, %min3A_436 : vector<16xi32>
        %mul3A_438 = arith.constant 512 : i32
        %mul3A_439 = vector.broadcast %mul3A_438 : i32 to vector<16xi32>
        %mul3A_440 = arith.muli %min3A_431, %mul3A_439 : vector<16xi32>
        %add3A_441 = arith.addi %mul3A_440, %min3A_437 : vector<16xi32>
        %swap3A_442 = arith.constant 0 : i32
        %swap3A_443 = tpu.memref_slice %arg10[%scan3A_226, %swap3A_442] : memref<2x12288xi32, #tpu.memory_space<vmem>> -> memref<1x12288xi32, #tpu.memory_space<vmem>>
        %swap3A_444 = tpu.memref_squeeze %swap3A_443 : memref<1x12288xi32, #tpu.memory_space<vmem>> -> memref<12288xi32, #tpu.memory_space<vmem>>
        %swap3A_445 = arith.index_cast %add3A_413 : i32 to index
        %swap3A_446 = tpu.vector_load %swap3A_444[%swap3A_445] {strides = array<i32>} : memref<12288xi32, #tpu.memory_space<vmem>>, vector<16xi32>,
        %swap3A_447 = vector.shape_cast %swap3A_446 : vector<16xi32> to vector<16xi32>
        %swap3A_448 = vector.shape_cast %add3A_441 : vector<16xi32> to vector<16xi32>
        tpu.vector_store %swap3A_444[%swap3A_445], %swap3A_448 {strides = array<i32>} : memref<12288xi32, #tpu.memory_space<vmem>>, vector<16xi32>,
        %add3A_449 = arith.constant 262144 : i32
        %add3A_450 = vector.broadcast %add3A_449 : i32 to vector<16xi32>
        %add3A_451 = arith.addi %add3A_441, %add3A_450 : vector<16xi32>
        %add3A_452 = arith.constant 4096 : i32
        %add3A_453 = arith.addi %add3A_452, %add3A_413 : i32
        %swap3A_454 = arith.constant 0 : i32
        %swap3A_455 = tpu.memref_slice %arg10[%scan3A_226, %swap3A_454] : memref<2x12288xi32, #tpu.memory_space<vmem>> -> memref<1x12288xi32, #tpu.memory_space<vmem>>
        %swap3A_456 = tpu.memref_squeeze %swap3A_455 : memref<1x12288xi32, #tpu.memory_space<vmem>> -> memref<12288xi32, #tpu.memory_space<vmem>>
        %swap3A_457 = arith.index_cast %add3A_453 : i32 to index
        %swap3A_458 = tpu.vector_load %swap3A_456[%swap3A_457] {strides = array<i32>} : memref<12288xi32, #tpu.memory_space<vmem>>, vector<16xi32>,
        %swap3A_459 = vector.shape_cast %swap3A_458 : vector<16xi32> to vector<16xi32>
        %swap3A_460 = vector.shape_cast %add3A_451 : vector<16xi32> to vector<16xi32>
        tpu.vector_store %swap3A_456[%swap3A_457], %swap3A_460 {strides = array<i32>} : memref<12288xi32, #tpu.memory_space<vmem>>, vector<16xi32>,
        %add3A_461 = arith.constant 524288 : i32
        %add3A_462 = vector.broadcast %add3A_461 : i32 to vector<16xi32>
        %add3A_463 = arith.addi %add3A_441, %add3A_462 : vector<16xi32>
        %add3A_464 = arith.constant 8192 : i32
        %add3A_465 = arith.addi %add3A_464, %add3A_413 : i32
        %swap3A_466 = arith.constant 0 : i32
        %swap3A_467 = tpu.memref_slice %arg10[%scan3A_226, %swap3A_466] : memref<2x12288xi32, #tpu.memory_space<vmem>> -> memref<1x12288xi32, #tpu.memory_space<vmem>>
        %swap3A_468 = tpu.memref_squeeze %swap3A_467 : memref<1x12288xi32, #tpu.memory_space<vmem>> -> memref<12288xi32, #tpu.memory_space<vmem>>
        %swap3A_469 = arith.index_cast %add3A_465 : i32 to index
        %swap3A_470 = tpu.vector_load %swap3A_468[%swap3A_469] {strides = array<i32>} : memref<12288xi32, #tpu.memory_space<vmem>>, vector<16xi32>,
        %swap3A_471 = vector.shape_cast %swap3A_470 : vector<16xi32> to vector<16xi32>
        %swap3A_472 = vector.shape_cast %add3A_463 : vector<16xi32> to vector<16xi32>
        tpu.vector_store %swap3A_468[%swap3A_469], %swap3A_472 {strides = array<i32>} : memref<12288xi32, #tpu.memory_space<vmem>>, vector<16xi32>,
        %mul3A_473 = arith.constant 128 : i32
        %mul3A_474 = arith.muli %mul3A_473, %scan3A_287 : i32
        %add3A_475 = arith.constant 48 : i32
        %add3A_476 = arith.addi %mul3A_474, %add3A_475 : i32
        %get3A_477 = arith.constant 1 : i32
        %get3A_478 = arith.index_cast %get3A_477 : i32 to index
        %get3A_479 = arith.index_cast %add3A_476 : i32 to index
        %get3A_480 = tpu.vector_load %arg8[%get3A_478, %get3A_479] {strides = array<i32>} : memref<2x4096xf32, #tpu.memory_space<vmem>>, vector<1x16xf32>,
        %get3A_481 = vector.shape_cast %get3A_480 : vector<1x16xf32> to vector<16xf32>
        %convert_element_type3A_482 = arith.fptosi %get3A_481 : vector<16xf32> to vector<16xi32>
        %get3A_483 = arith.constant 1 : i32
        %get3A_484 = arith.index_cast %get3A_483 : i32 to index
        %get3A_485 = arith.index_cast %add3A_476 : i32 to index
        %get3A_486 = tpu.vector_load %arg9[%get3A_484, %get3A_485] {strides = array<i32>} : memref<2x4096xf32, #tpu.memory_space<vmem>>, vector<1x16xf32>,
        %get3A_487 = vector.shape_cast %get3A_486 : vector<1x16xf32> to vector<16xf32>
        %convert_element_type3A_488 = arith.fptosi %get3A_487 : vector<16xf32> to vector<16xi32>
        %max3A_489 = arith.constant 0 : i32
        %max3A_490 = vector.broadcast %max3A_489 : i32 to vector<16xi32>
        %max3A_491 = arith.maxsi %convert_element_type3A_482, %max3A_490 : vector<16xi32>
        %min3A_492 = arith.constant 511 : i32
        %min3A_493 = vector.broadcast %min3A_492 : i32 to vector<16xi32>
        %min3A_494 = arith.minsi %max3A_491, %min3A_493 : vector<16xi32>
        %max3A_495 = arith.constant 0 : i32
        %max3A_496 = vector.broadcast %max3A_495 : i32 to vector<16xi32>
        %max3A_497 = arith.maxsi %convert_element_type3A_488, %max3A_496 : vector<16xi32>
        %min3A_498 = arith.constant 511 : i32
        %min3A_499 = vector.broadcast %min3A_498 : i32 to vector<16xi32>
        %min3A_500 = arith.minsi %max3A_497, %min3A_499 : vector<16xi32>
        %mul3A_501 = arith.constant 512 : i32
        %mul3A_502 = vector.broadcast %mul3A_501 : i32 to vector<16xi32>
        %mul3A_503 = arith.muli %min3A_494, %mul3A_502 : vector<16xi32>
        %add3A_504 = arith.addi %mul3A_503, %min3A_500 : vector<16xi32>
        %swap3A_505 = arith.constant 0 : i32
        %swap3A_506 = tpu.memref_slice %arg10[%scan3A_226, %swap3A_505] : memref<2x12288xi32, #tpu.memory_space<vmem>> -> memref<1x12288xi32, #tpu.memory_space<vmem>>
        %swap3A_507 = tpu.memref_squeeze %swap3A_506 : memref<1x12288xi32, #tpu.memory_space<vmem>> -> memref<12288xi32, #tpu.memory_space<vmem>>
        %swap3A_508 = arith.index_cast %add3A_476 : i32 to index
        %swap3A_509 = tpu.vector_load %swap3A_507[%swap3A_508] {strides = array<i32>} : memref<12288xi32, #tpu.memory_space<vmem>>, vector<16xi32>,
        %swap3A_510 = vector.shape_cast %swap3A_509 : vector<16xi32> to vector<16xi32>
        %swap3A_511 = vector.shape_cast %add3A_504 : vector<16xi32> to vector<16xi32>
        tpu.vector_store %swap3A_507[%swap3A_508], %swap3A_511 {strides = array<i32>} : memref<12288xi32, #tpu.memory_space<vmem>>, vector<16xi32>,
        %add3A_512 = arith.constant 262144 : i32
        %add3A_513 = vector.broadcast %add3A_512 : i32 to vector<16xi32>
        %add3A_514 = arith.addi %add3A_504, %add3A_513 : vector<16xi32>
        %add3A_515 = arith.constant 4096 : i32
        %add3A_516 = arith.addi %add3A_515, %add3A_476 : i32
        %swap3A_517 = arith.constant 0 : i32
        %swap3A_518 = tpu.memref_slice %arg10[%scan3A_226, %swap3A_517] : memref<2x12288xi32, #tpu.memory_space<vmem>> -> memref<1x12288xi32, #tpu.memory_space<vmem>>
        %swap3A_519 = tpu.memref_squeeze %swap3A_518 : memref<1x12288xi32, #tpu.memory_space<vmem>> -> memref<12288xi32, #tpu.memory_space<vmem>>
        %swap3A_520 = arith.index_cast %add3A_516 : i32 to index
        %swap3A_521 = tpu.vector_load %swap3A_519[%swap3A_520] {strides = array<i32>} : memref<12288xi32, #tpu.memory_space<vmem>>, vector<16xi32>,
        %swap3A_522 = vector.shape_cast %swap3A_521 : vector<16xi32> to vector<16xi32>
        %swap3A_523 = vector.shape_cast %add3A_514 : vector<16xi32> to vector<16xi32>
        tpu.vector_store %swap3A_519[%swap3A_520], %swap3A_523 {strides = array<i32>} : memref<12288xi32, #tpu.memory_space<vmem>>, vector<16xi32>,
        %add3A_524 = arith.constant 524288 : i32
        %add3A_525 = vector.broadcast %add3A_524 : i32 to vector<16xi32>
        %add3A_526 = arith.addi %add3A_504, %add3A_525 : vector<16xi32>
        %add3A_527 = arith.constant 8192 : i32
        %add3A_528 = arith.addi %add3A_527, %add3A_476 : i32
        %swap3A_529 = arith.constant 0 : i32
        %swap3A_530 = tpu.memref_slice %arg10[%scan3A_226, %swap3A_529] : memref<2x12288xi32, #tpu.memory_space<vmem>> -> memref<1x12288xi32, #tpu.memory_space<vmem>>
        %swap3A_531 = tpu.memref_squeeze %swap3A_530 : memref<1x12288xi32, #tpu.memory_space<vmem>> -> memref<12288xi32, #tpu.memory_space<vmem>>
        %swap3A_532 = arith.index_cast %add3A_528 : i32 to index
        %swap3A_533 = tpu.vector_load %swap3A_531[%swap3A_532] {strides = array<i32>} : memref<12288xi32, #tpu.memory_space<vmem>>, vector<16xi32>,
        %swap3A_534 = vector.shape_cast %swap3A_533 : vector<16xi32> to vector<16xi32>
        %swap3A_535 = vector.shape_cast %add3A_526 : vector<16xi32> to vector<16xi32>
        tpu.vector_store %swap3A_531[%swap3A_532], %swap3A_535 {strides = array<i32>} : memref<12288xi32, #tpu.memory_space<vmem>>, vector<16xi32>,
        %mul3A_536 = arith.constant 128 : i32
        %mul3A_537 = arith.muli %mul3A_536, %scan3A_287 : i32
        %add3A_538 = arith.constant 64 : i32
        %add3A_539 = arith.addi %mul3A_537, %add3A_538 : i32
        %get3A_540 = arith.constant 1 : i32
        %get3A_541 = arith.index_cast %get3A_540 : i32 to index
        %get3A_542 = arith.index_cast %add3A_539 : i32 to index
        %get3A_543 = tpu.vector_load %arg8[%get3A_541, %get3A_542] {strides = array<i32>} : memref<2x4096xf32, #tpu.memory_space<vmem>>, vector<1x16xf32>,
        %get3A_544 = vector.shape_cast %get3A_543 : vector<1x16xf32> to vector<16xf32>
        %convert_element_type3A_545 = arith.fptosi %get3A_544 : vector<16xf32> to vector<16xi32>
        %get3A_546 = arith.constant 1 : i32
        %get3A_547 = arith.index_cast %get3A_546 : i32 to index
        %get3A_548 = arith.index_cast %add3A_539 : i32 to index
        %get3A_549 = tpu.vector_load %arg9[%get3A_547, %get3A_548] {strides = array<i32>} : memref<2x4096xf32, #tpu.memory_space<vmem>>, vector<1x16xf32>,
        %get3A_550 = vector.shape_cast %get3A_549 : vector<1x16xf32> to vector<16xf32>
        %convert_element_type3A_551 = arith.fptosi %get3A_550 : vector<16xf32> to vector<16xi32>
        %max3A_552 = arith.constant 0 : i32
        %max3A_553 = vector.broadcast %max3A_552 : i32 to vector<16xi32>
        %max3A_554 = arith.maxsi %convert_element_type3A_545, %max3A_553 : vector<16xi32>
        %min3A_555 = arith.constant 511 : i32
        %min3A_556 = vector.broadcast %min3A_555 : i32 to vector<16xi32>
        %min3A_557 = arith.minsi %max3A_554, %min3A_556 : vector<16xi32>
        %max3A_558 = arith.constant 0 : i32
        %max3A_559 = vector.broadcast %max3A_558 : i32 to vector<16xi32>
        %max3A_560 = arith.maxsi %convert_element_type3A_551, %max3A_559 : vector<16xi32>
        %min3A_561 = arith.constant 511 : i32
        %min3A_562 = vector.broadcast %min3A_561 : i32 to vector<16xi32>
        %min3A_563 = arith.minsi %max3A_560, %min3A_562 : vector<16xi32>
        %mul3A_564 = arith.constant 512 : i32
        %mul3A_565 = vector.broadcast %mul3A_564 : i32 to vector<16xi32>
        %mul3A_566 = arith.muli %min3A_557, %mul3A_565 : vector<16xi32>
        %add3A_567 = arith.addi %mul3A_566, %min3A_563 : vector<16xi32>
        %swap3A_568 = arith.constant 0 : i32
        %swap3A_569 = tpu.memref_slice %arg10[%scan3A_226, %swap3A_568] : memref<2x12288xi32, #tpu.memory_space<vmem>> -> memref<1x12288xi32, #tpu.memory_space<vmem>>
        %swap3A_570 = tpu.memref_squeeze %swap3A_569 : memref<1x12288xi32, #tpu.memory_space<vmem>> -> memref<12288xi32, #tpu.memory_space<vmem>>
        %swap3A_571 = arith.index_cast %add3A_539 : i32 to index
        %swap3A_572 = tpu.vector_load %swap3A_570[%swap3A_571] {strides = array<i32>} : memref<12288xi32, #tpu.memory_space<vmem>>, vector<16xi32>,
        %swap3A_573 = vector.shape_cast %swap3A_572 : vector<16xi32> to vector<16xi32>
        %swap3A_574 = vector.shape_cast %add3A_567 : vector<16xi32> to vector<16xi32>
        tpu.vector_store %swap3A_570[%swap3A_571], %swap3A_574 {strides = array<i32>} : memref<12288xi32, #tpu.memory_space<vmem>>, vector<16xi32>,
        %add3A_575 = arith.constant 262144 : i32
        %add3A_576 = vector.broadcast %add3A_575 : i32 to vector<16xi32>
        %add3A_577 = arith.addi %add3A_567, %add3A_576 : vector<16xi32>
        %add3A_578 = arith.constant 4096 : i32
        %add3A_579 = arith.addi %add3A_578, %add3A_539 : i32
        %swap3A_580 = arith.constant 0 : i32
        %swap3A_581 = tpu.memref_slice %arg10[%scan3A_226, %swap3A_580] : memref<2x12288xi32, #tpu.memory_space<vmem>> -> memref<1x12288xi32, #tpu.memory_space<vmem>>
        %swap3A_582 = tpu.memref_squeeze %swap3A_581 : memref<1x12288xi32, #tpu.memory_space<vmem>> -> memref<12288xi32, #tpu.memory_space<vmem>>
        %swap3A_583 = arith.index_cast %add3A_579 : i32 to index
        %swap3A_584 = tpu.vector_load %swap3A_582[%swap3A_583] {strides = array<i32>} : memref<12288xi32, #tpu.memory_space<vmem>>, vector<16xi32>,
        %swap3A_585 = vector.shape_cast %swap3A_584 : vector<16xi32> to vector<16xi32>
        %swap3A_586 = vector.shape_cast %add3A_577 : vector<16xi32> to vector<16xi32>
        tpu.vector_store %swap3A_582[%swap3A_583], %swap3A_586 {strides = array<i32>} : memref<12288xi32, #tpu.memory_space<vmem>>, vector<16xi32>,
        %add3A_587 = arith.constant 524288 : i32
        %add3A_588 = vector.broadcast %add3A_587 : i32 to vector<16xi32>
        %add3A_589 = arith.addi %add3A_567, %add3A_588 : vector<16xi32>
        %add3A_590 = arith.constant 8192 : i32
        %add3A_591 = arith.addi %add3A_590, %add3A_539 : i32
        %swap3A_592 = arith.constant 0 : i32
        %swap3A_593 = tpu.memref_slice %arg10[%scan3A_226, %swap3A_592] : memref<2x12288xi32, #tpu.memory_space<vmem>> -> memref<1x12288xi32, #tpu.memory_space<vmem>>
        %swap3A_594 = tpu.memref_squeeze %swap3A_593 : memref<1x12288xi32, #tpu.memory_space<vmem>> -> memref<12288xi32, #tpu.memory_space<vmem>>
        %swap3A_595 = arith.index_cast %add3A_591 : i32 to index
        %swap3A_596 = tpu.vector_load %swap3A_594[%swap3A_595] {strides = array<i32>} : memref<12288xi32, #tpu.memory_space<vmem>>, vector<16xi32>,
        %swap3A_597 = vector.shape_cast %swap3A_596 : vector<16xi32> to vector<16xi32>
        %swap3A_598 = vector.shape_cast %add3A_589 : vector<16xi32> to vector<16xi32>
        tpu.vector_store %swap3A_594[%swap3A_595], %swap3A_598 {strides = array<i32>} : memref<12288xi32, #tpu.memory_space<vmem>>, vector<16xi32>,
        %mul3A_599 = arith.constant 128 : i32
        %mul3A_600 = arith.muli %mul3A_599, %scan3A_287 : i32
        %add3A_601 = arith.constant 80 : i32
        %add3A_602 = arith.addi %mul3A_600, %add3A_601 : i32
        %get3A_603 = arith.constant 1 : i32
        %get3A_604 = arith.index_cast %get3A_603 : i32 to index
        %get3A_605 = arith.index_cast %add3A_602 : i32 to index
        %get3A_606 = tpu.vector_load %arg8[%get3A_604, %get3A_605] {strides = array<i32>} : memref<2x4096xf32, #tpu.memory_space<vmem>>, vector<1x16xf32>,
        %get3A_607 = vector.shape_cast %get3A_606 : vector<1x16xf32> to vector<16xf32>
        %convert_element_type3A_608 = arith.fptosi %get3A_607 : vector<16xf32> to vector<16xi32>
        %get3A_609 = arith.constant 1 : i32
        %get3A_610 = arith.index_cast %get3A_609 : i32 to index
        %get3A_611 = arith.index_cast %add3A_602 : i32 to index
        %get3A_612 = tpu.vector_load %arg9[%get3A_610, %get3A_611] {strides = array<i32>} : memref<2x4096xf32, #tpu.memory_space<vmem>>, vector<1x16xf32>,
        %get3A_613 = vector.shape_cast %get3A_612 : vector<1x16xf32> to vector<16xf32>
        %convert_element_type3A_614 = arith.fptosi %get3A_613 : vector<16xf32> to vector<16xi32>
        %max3A_615 = arith.constant 0 : i32
        %max3A_616 = vector.broadcast %max3A_615 : i32 to vector<16xi32>
        %max3A_617 = arith.maxsi %convert_element_type3A_608, %max3A_616 : vector<16xi32>
        %min3A_618 = arith.constant 511 : i32
        %min3A_619 = vector.broadcast %min3A_618 : i32 to vector<16xi32>
        %min3A_620 = arith.minsi %max3A_617, %min3A_619 : vector<16xi32>
        %max3A_621 = arith.constant 0 : i32
        %max3A_622 = vector.broadcast %max3A_621 : i32 to vector<16xi32>
        %max3A_623 = arith.maxsi %convert_element_type3A_614, %max3A_622 : vector<16xi32>
        %min3A_624 = arith.constant 511 : i32
        %min3A_625 = vector.broadcast %min3A_624 : i32 to vector<16xi32>
        %min3A_626 = arith.minsi %max3A_623, %min3A_625 : vector<16xi32>
        %mul3A_627 = arith.constant 512 : i32
        %mul3A_628 = vector.broadcast %mul3A_627 : i32 to vector<16xi32>
        %mul3A_629 = arith.muli %min3A_620, %mul3A_628 : vector<16xi32>
        %add3A_630 = arith.addi %mul3A_629, %min3A_626 : vector<16xi32>
        %swap3A_631 = arith.constant 0 : i32
        %swap3A_632 = tpu.memref_slice %arg10[%scan3A_226, %swap3A_631] : memref<2x12288xi32, #tpu.memory_space<vmem>> -> memref<1x12288xi32, #tpu.memory_space<vmem>>
        %swap3A_633 = tpu.memref_squeeze %swap3A_632 : memref<1x12288xi32, #tpu.memory_space<vmem>> -> memref<12288xi32, #tpu.memory_space<vmem>>
        %swap3A_634 = arith.index_cast %add3A_602 : i32 to index
        %swap3A_635 = tpu.vector_load %swap3A_633[%swap3A_634] {strides = array<i32>} : memref<12288xi32, #tpu.memory_space<vmem>>, vector<16xi32>,
        %swap3A_636 = vector.shape_cast %swap3A_635 : vector<16xi32> to vector<16xi32>
        %swap3A_637 = vector.shape_cast %add3A_630 : vector<16xi32> to vector<16xi32>
        tpu.vector_store %swap3A_633[%swap3A_634], %swap3A_637 {strides = array<i32>} : memref<12288xi32, #tpu.memory_space<vmem>>, vector<16xi32>,
        %add3A_638 = arith.constant 262144 : i32
        %add3A_639 = vector.broadcast %add3A_638 : i32 to vector<16xi32>
        %add3A_640 = arith.addi %add3A_630, %add3A_639 : vector<16xi32>
        %add3A_641 = arith.constant 4096 : i32
        %add3A_642 = arith.addi %add3A_641, %add3A_602 : i32
        %swap3A_643 = arith.constant 0 : i32
        %swap3A_644 = tpu.memref_slice %arg10[%scan3A_226, %swap3A_643] : memref<2x12288xi32, #tpu.memory_space<vmem>> -> memref<1x12288xi32, #tpu.memory_space<vmem>>
        %swap3A_645 = tpu.memref_squeeze %swap3A_644 : memref<1x12288xi32, #tpu.memory_space<vmem>> -> memref<12288xi32, #tpu.memory_space<vmem>>
        %swap3A_646 = arith.index_cast %add3A_642 : i32 to index
        %swap3A_647 = tpu.vector_load %swap3A_645[%swap3A_646] {strides = array<i32>} : memref<12288xi32, #tpu.memory_space<vmem>>, vector<16xi32>,
        %swap3A_648 = vector.shape_cast %swap3A_647 : vector<16xi32> to vector<16xi32>
        %swap3A_649 = vector.shape_cast %add3A_640 : vector<16xi32> to vector<16xi32>
        tpu.vector_store %swap3A_645[%swap3A_646], %swap3A_649 {strides = array<i32>} : memref<12288xi32, #tpu.memory_space<vmem>>, vector<16xi32>,
        %add3A_650 = arith.constant 524288 : i32
        %add3A_651 = vector.broadcast %add3A_650 : i32 to vector<16xi32>
        %add3A_652 = arith.addi %add3A_630, %add3A_651 : vector<16xi32>
        %add3A_653 = arith.constant 8192 : i32
        %add3A_654 = arith.addi %add3A_653, %add3A_602 : i32
        %swap3A_655 = arith.constant 0 : i32
        %swap3A_656 = tpu.memref_slice %arg10[%scan3A_226, %swap3A_655] : memref<2x12288xi32, #tpu.memory_space<vmem>> -> memref<1x12288xi32, #tpu.memory_space<vmem>>
        %swap3A_657 = tpu.memref_squeeze %swap3A_656 : memref<1x12288xi32, #tpu.memory_space<vmem>> -> memref<12288xi32, #tpu.memory_space<vmem>>
        %swap3A_658 = arith.index_cast %add3A_654 : i32 to index
        %swap3A_659 = tpu.vector_load %swap3A_657[%swap3A_658] {strides = array<i32>} : memref<12288xi32, #tpu.memory_space<vmem>>, vector<16xi32>,
        %swap3A_660 = vector.shape_cast %swap3A_659 : vector<16xi32> to vector<16xi32>
        %swap3A_661 = vector.shape_cast %add3A_652 : vector<16xi32> to vector<16xi32>
        tpu.vector_store %swap3A_657[%swap3A_658], %swap3A_661 {strides = array<i32>} : memref<12288xi32, #tpu.memory_space<vmem>>, vector<16xi32>,
        %mul3A_662 = arith.constant 128 : i32
        %mul3A_663 = arith.muli %mul3A_662, %scan3A_287 : i32
        %add3A_664 = arith.constant 96 : i32
        %add3A_665 = arith.addi %mul3A_663, %add3A_664 : i32
        %get3A_666 = arith.constant 1 : i32
        %get3A_667 = arith.index_cast %get3A_666 : i32 to index
        %get3A_668 = arith.index_cast %add3A_665 : i32 to index
        %get3A_669 = tpu.vector_load %arg8[%get3A_667, %get3A_668] {strides = array<i32>} : memref<2x4096xf32, #tpu.memory_space<vmem>>, vector<1x16xf32>,
        %get3A_670 = vector.shape_cast %get3A_669 : vector<1x16xf32> to vector<16xf32>
        %convert_element_type3A_671 = arith.fptosi %get3A_670 : vector<16xf32> to vector<16xi32>
        %get3A_672 = arith.constant 1 : i32
        %get3A_673 = arith.index_cast %get3A_672 : i32 to index
        %get3A_674 = arith.index_cast %add3A_665 : i32 to index
        %get3A_675 = tpu.vector_load %arg9[%get3A_673, %get3A_674] {strides = array<i32>} : memref<2x4096xf32, #tpu.memory_space<vmem>>, vector<1x16xf32>,
        %get3A_676 = vector.shape_cast %get3A_675 : vector<1x16xf32> to vector<16xf32>
        %convert_element_type3A_677 = arith.fptosi %get3A_676 : vector<16xf32> to vector<16xi32>
        %max3A_678 = arith.constant 0 : i32
        %max3A_679 = vector.broadcast %max3A_678 : i32 to vector<16xi32>
        %max3A_680 = arith.maxsi %convert_element_type3A_671, %max3A_679 : vector<16xi32>
        %min3A_681 = arith.constant 511 : i32
        %min3A_682 = vector.broadcast %min3A_681 : i32 to vector<16xi32>
        %min3A_683 = arith.minsi %max3A_680, %min3A_682 : vector<16xi32>
        %max3A_684 = arith.constant 0 : i32
        %max3A_685 = vector.broadcast %max3A_684 : i32 to vector<16xi32>
        %max3A_686 = arith.maxsi %convert_element_type3A_677, %max3A_685 : vector<16xi32>
        %min3A_687 = arith.constant 511 : i32
        %min3A_688 = vector.broadcast %min3A_687 : i32 to vector<16xi32>
        %min3A_689 = arith.minsi %max3A_686, %min3A_688 : vector<16xi32>
        %mul3A_690 = arith.constant 512 : i32
        %mul3A_691 = vector.broadcast %mul3A_690 : i32 to vector<16xi32>
        %mul3A_692 = arith.muli %min3A_683, %mul3A_691 : vector<16xi32>
        %add3A_693 = arith.addi %mul3A_692, %min3A_689 : vector<16xi32>
        %swap3A_694 = arith.constant 0 : i32
        %swap3A_695 = tpu.memref_slice %arg10[%scan3A_226, %swap3A_694] : memref<2x12288xi32, #tpu.memory_space<vmem>> -> memref<1x12288xi32, #tpu.memory_space<vmem>>
        %swap3A_696 = tpu.memref_squeeze %swap3A_695 : memref<1x12288xi32, #tpu.memory_space<vmem>> -> memref<12288xi32, #tpu.memory_space<vmem>>
        %swap3A_697 = arith.index_cast %add3A_665 : i32 to index
        %swap3A_698 = tpu.vector_load %swap3A_696[%swap3A_697] {strides = array<i32>} : memref<12288xi32, #tpu.memory_space<vmem>>, vector<16xi32>,
        %swap3A_699 = vector.shape_cast %swap3A_698 : vector<16xi32> to vector<16xi32>
        %swap3A_700 = vector.shape_cast %add3A_693 : vector<16xi32> to vector<16xi32>
        tpu.vector_store %swap3A_696[%swap3A_697], %swap3A_700 {strides = array<i32>} : memref<12288xi32, #tpu.memory_space<vmem>>, vector<16xi32>,
        %add3A_701 = arith.constant 262144 : i32
        %add3A_702 = vector.broadcast %add3A_701 : i32 to vector<16xi32>
        %add3A_703 = arith.addi %add3A_693, %add3A_702 : vector<16xi32>
        %add3A_704 = arith.constant 4096 : i32
        %add3A_705 = arith.addi %add3A_704, %add3A_665 : i32
        %swap3A_706 = arith.constant 0 : i32
        %swap3A_707 = tpu.memref_slice %arg10[%scan3A_226, %swap3A_706] : memref<2x12288xi32, #tpu.memory_space<vmem>> -> memref<1x12288xi32, #tpu.memory_space<vmem>>
        %swap3A_708 = tpu.memref_squeeze %swap3A_707 : memref<1x12288xi32, #tpu.memory_space<vmem>> -> memref<12288xi32, #tpu.memory_space<vmem>>
        %swap3A_709 = arith.index_cast %add3A_705 : i32 to index
        %swap3A_710 = tpu.vector_load %swap3A_708[%swap3A_709] {strides = array<i32>} : memref<12288xi32, #tpu.memory_space<vmem>>, vector<16xi32>,
        %swap3A_711 = vector.shape_cast %swap3A_710 : vector<16xi32> to vector<16xi32>
        %swap3A_712 = vector.shape_cast %add3A_703 : vector<16xi32> to vector<16xi32>
        tpu.vector_store %swap3A_708[%swap3A_709], %swap3A_712 {strides = array<i32>} : memref<12288xi32, #tpu.memory_space<vmem>>, vector<16xi32>,
        %add3A_713 = arith.constant 524288 : i32
        %add3A_714 = vector.broadcast %add3A_713 : i32 to vector<16xi32>
        %add3A_715 = arith.addi %add3A_693, %add3A_714 : vector<16xi32>
        %add3A_716 = arith.constant 8192 : i32
        %add3A_717 = arith.addi %add3A_716, %add3A_665 : i32
        %swap3A_718 = arith.constant 0 : i32
        %swap3A_719 = tpu.memref_slice %arg10[%scan3A_226, %swap3A_718] : memref<2x12288xi32, #tpu.memory_space<vmem>> -> memref<1x12288xi32, #tpu.memory_space<vmem>>
        %swap3A_720 = tpu.memref_squeeze %swap3A_719 : memref<1x12288xi32, #tpu.memory_space<vmem>> -> memref<12288xi32, #tpu.memory_space<vmem>>
        %swap3A_721 = arith.index_cast %add3A_717 : i32 to index
        %swap3A_722 = tpu.vector_load %swap3A_720[%swap3A_721] {strides = array<i32>} : memref<12288xi32, #tpu.memory_space<vmem>>, vector<16xi32>,
        %swap3A_723 = vector.shape_cast %swap3A_722 : vector<16xi32> to vector<16xi32>
        %swap3A_724 = vector.shape_cast %add3A_715 : vector<16xi32> to vector<16xi32>
        tpu.vector_store %swap3A_720[%swap3A_721], %swap3A_724 {strides = array<i32>} : memref<12288xi32, #tpu.memory_space<vmem>>, vector<16xi32>,
        %mul3A_725 = arith.constant 128 : i32
        %mul3A_726 = arith.muli %mul3A_725, %scan3A_287 : i32
        %add3A_727 = arith.constant 112 : i32
        %add3A_728 = arith.addi %mul3A_726, %add3A_727 : i32
        %get3A_729 = arith.constant 1 : i32
        %get3A_730 = arith.index_cast %get3A_729 : i32 to index
        %get3A_731 = arith.index_cast %add3A_728 : i32 to index
        %get3A_732 = tpu.vector_load %arg8[%get3A_730, %get3A_731] {strides = array<i32>} : memref<2x4096xf32, #tpu.memory_space<vmem>>, vector<1x16xf32>,
        %get3A_733 = vector.shape_cast %get3A_732 : vector<1x16xf32> to vector<16xf32>
        %convert_element_type3A_734 = arith.fptosi %get3A_733 : vector<16xf32> to vector<16xi32>
        %get3A_735 = arith.constant 1 : i32
        %get3A_736 = arith.index_cast %get3A_735 : i32 to index
        %get3A_737 = arith.index_cast %add3A_728 : i32 to index
        %get3A_738 = tpu.vector_load %arg9[%get3A_736, %get3A_737] {strides = array<i32>} : memref<2x4096xf32, #tpu.memory_space<vmem>>, vector<1x16xf32>,
        %get3A_739 = vector.shape_cast %get3A_738 : vector<1x16xf32> to vector<16xf32>
        %convert_element_type3A_740 = arith.fptosi %get3A_739 : vector<16xf32> to vector<16xi32>
        %max3A_741 = arith.constant 0 : i32
        %max3A_742 = vector.broadcast %max3A_741 : i32 to vector<16xi32>
        %max3A_743 = arith.maxsi %convert_element_type3A_734, %max3A_742 : vector<16xi32>
        %min3A_744 = arith.constant 511 : i32
        %min3A_745 = vector.broadcast %min3A_744 : i32 to vector<16xi32>
        %min3A_746 = arith.minsi %max3A_743, %min3A_745 : vector<16xi32>
        %max3A_747 = arith.constant 0 : i32
        %max3A_748 = vector.broadcast %max3A_747 : i32 to vector<16xi32>
        %max3A_749 = arith.maxsi %convert_element_type3A_740, %max3A_748 : vector<16xi32>
        %min3A_750 = arith.constant 511 : i32
        %min3A_751 = vector.broadcast %min3A_750 : i32 to vector<16xi32>
        %min3A_752 = arith.minsi %max3A_749, %min3A_751 : vector<16xi32>
        %mul3A_753 = arith.constant 512 : i32
        %mul3A_754 = vector.broadcast %mul3A_753 : i32 to vector<16xi32>
        %mul3A_755 = arith.muli %min3A_746, %mul3A_754 : vector<16xi32>
        %add3A_756 = arith.addi %mul3A_755, %min3A_752 : vector<16xi32>
        %swap3A_757 = arith.constant 0 : i32
        %swap3A_758 = tpu.memref_slice %arg10[%scan3A_226, %swap3A_757] : memref<2x12288xi32, #tpu.memory_space<vmem>> -> memref<1x12288xi32, #tpu.memory_space<vmem>>
        %swap3A_759 = tpu.memref_squeeze %swap3A_758 : memref<1x12288xi32, #tpu.memory_space<vmem>> -> memref<12288xi32, #tpu.memory_space<vmem>>
        %swap3A_760 = arith.index_cast %add3A_728 : i32 to index
        %swap3A_761 = tpu.vector_load %swap3A_759[%swap3A_760] {strides = array<i32>} : memref<12288xi32, #tpu.memory_space<vmem>>, vector<16xi32>,
        %swap3A_762 = vector.shape_cast %swap3A_761 : vector<16xi32> to vector<16xi32>
        %swap3A_763 = vector.shape_cast %add3A_756 : vector<16xi32> to vector<16xi32>
        tpu.vector_store %swap3A_759[%swap3A_760], %swap3A_763 {strides = array<i32>} : memref<12288xi32, #tpu.memory_space<vmem>>, vector<16xi32>,
        %add3A_764 = arith.constant 262144 : i32
        %add3A_765 = vector.broadcast %add3A_764 : i32 to vector<16xi32>
        %add3A_766 = arith.addi %add3A_756, %add3A_765 : vector<16xi32>
        %add3A_767 = arith.constant 4096 : i32
        %add3A_768 = arith.addi %add3A_767, %add3A_728 : i32
        %swap3A_769 = arith.constant 0 : i32
        %swap3A_770 = tpu.memref_slice %arg10[%scan3A_226, %swap3A_769] : memref<2x12288xi32, #tpu.memory_space<vmem>> -> memref<1x12288xi32, #tpu.memory_space<vmem>>
        %swap3A_771 = tpu.memref_squeeze %swap3A_770 : memref<1x12288xi32, #tpu.memory_space<vmem>> -> memref<12288xi32, #tpu.memory_space<vmem>>
        %swap3A_772 = arith.index_cast %add3A_768 : i32 to index
        %swap3A_773 = tpu.vector_load %swap3A_771[%swap3A_772] {strides = array<i32>} : memref<12288xi32, #tpu.memory_space<vmem>>, vector<16xi32>,
        %swap3A_774 = vector.shape_cast %swap3A_773 : vector<16xi32> to vector<16xi32>
        %swap3A_775 = vector.shape_cast %add3A_766 : vector<16xi32> to vector<16xi32>
        tpu.vector_store %swap3A_771[%swap3A_772], %swap3A_775 {strides = array<i32>} : memref<12288xi32, #tpu.memory_space<vmem>>, vector<16xi32>,
        %add3A_776 = arith.constant 524288 : i32
        %add3A_777 = vector.broadcast %add3A_776 : i32 to vector<16xi32>
        %add3A_778 = arith.addi %add3A_756, %add3A_777 : vector<16xi32>
        %add3A_779 = arith.constant 8192 : i32
        %add3A_780 = arith.addi %add3A_779, %add3A_728 : i32
        %swap3A_781 = arith.constant 0 : i32
        %swap3A_782 = tpu.memref_slice %arg10[%scan3A_226, %swap3A_781] : memref<2x12288xi32, #tpu.memory_space<vmem>> -> memref<1x12288xi32, #tpu.memory_space<vmem>>
        %swap3A_783 = tpu.memref_squeeze %swap3A_782 : memref<1x12288xi32, #tpu.memory_space<vmem>> -> memref<12288xi32, #tpu.memory_space<vmem>>
        %swap3A_784 = arith.index_cast %add3A_780 : i32 to index
        %swap3A_785 = tpu.vector_load %swap3A_783[%swap3A_784] {strides = array<i32>} : memref<12288xi32, #tpu.memory_space<vmem>>, vector<16xi32>,
        %swap3A_786 = vector.shape_cast %swap3A_785 : vector<16xi32> to vector<16xi32>
        %swap3A_787 = vector.shape_cast %add3A_778 : vector<16xi32> to vector<16xi32>
        tpu.vector_store %swap3A_783[%swap3A_784], %swap3A_787 {strides = array<i32>} : memref<12288xi32, #tpu.memory_space<vmem>>, vector<16xi32>,
        %mul3A_788 = arith.constant 128 : i32
        %mul3A_789 = arith.muli %mul3A_788, %scan3A_287 : i32
        %add3A_790 = arith.constant 0 : i32
        %add3A_791 = arith.addi %add3A_790, %mul3A_789 : i32
        %dma_start3A_792 = arith.constant 0 : i32
        %dma_start3A_793 = tpu.memref_slice %arg11[%scan3A_227, %dma_start3A_792] : memref<2x12288xf32, #tpu.memory_space<vmem>> -> memref<1x12288xf32, #tpu.memory_space<vmem>>
        %dma_start3A_794 = tpu.memref_squeeze %dma_start3A_793 : memref<1x12288xf32, #tpu.memory_space<vmem>> -> memref<12288xf32, #tpu.memory_space<vmem>>
        %dma_start3A_795 = tpu.memref_slice %dma_start3A_794[%add3A_791] : memref<12288xf32, #tpu.memory_space<vmem>> -> memref<128xf32, #tpu.memory_space<vmem>>
        %dma_start3A_796 = arith.constant 0 : i32
        %dma_start3A_797 = tpu.memref_slice %arg10[%scan3A_226, %dma_start3A_796] : memref<2x12288xi32, #tpu.memory_space<vmem>> -> memref<1x12288xi32, #tpu.memory_space<vmem>>
        %dma_start3A_798 = tpu.memref_squeeze %dma_start3A_797 : memref<1x12288xi32, #tpu.memory_space<vmem>> -> memref<12288xi32, #tpu.memory_space<vmem>>
        %dma_start3A_799 = tpu.memref_slice %dma_start3A_798[%add3A_791] : memref<12288xi32, #tpu.memory_space<vmem>> -> memref<128xi32, #tpu.memory_space<vmem>>
        %dma_start3A_800 = arith.constant 0 : i32
        %dma_start3A_801 = tpu.memref_slice %arg12[%dma_start3A_800] : memref<786432xf32, #tpu.memory_space<vmem_shared>> -> memref<786432xf32, #tpu.memory_space<vmem_shared>>
        tpu.enqueue_indirect_dma source(%dma_start3A_801 : memref<786432xf32, #tpu.memory_space<vmem_shared>>) target(%dma_start3A_795 : memref<128xf32, #tpu.memory_space<vmem>>) offsets(%dma_start3A_799 : memref<128xi32, #tpu.memory_space<vmem>>) semaphore(%arg14 : memref<!tpu.dma_semaphore, #tpu.memory_space<semaphore_mem>>)
        %mul3A_802 = arith.constant 128 : i32
        %mul3A_803 = arith.muli %mul3A_802, %scan3A_287 : i32
        %add3A_804 = arith.constant 4096 : i32
        %add3A_805 = arith.addi %add3A_804, %mul3A_803 : i32
        %dma_start3A_806 = arith.constant 0 : i32
        %dma_start3A_807 = tpu.memref_slice %arg11[%scan3A_227, %dma_start3A_806] : memref<2x12288xf32, #tpu.memory_space<vmem>> -> memref<1x12288xf32, #tpu.memory_space<vmem>>
        %dma_start3A_808 = tpu.memref_squeeze %dma_start3A_807 : memref<1x12288xf32, #tpu.memory_space<vmem>> -> memref<12288xf32, #tpu.memory_space<vmem>>
        %dma_start3A_809 = tpu.memref_slice %dma_start3A_808[%add3A_805] : memref<12288xf32, #tpu.memory_space<vmem>> -> memref<128xf32, #tpu.memory_space<vmem>>
        %dma_start3A_810 = arith.constant 0 : i32
        %dma_start3A_811 = tpu.memref_slice %arg10[%scan3A_226, %dma_start3A_810] : memref<2x12288xi32, #tpu.memory_space<vmem>> -> memref<1x12288xi32, #tpu.memory_space<vmem>>
        %dma_start3A_812 = tpu.memref_squeeze %dma_start3A_811 : memref<1x12288xi32, #tpu.memory_space<vmem>> -> memref<12288xi32, #tpu.memory_space<vmem>>
        %dma_start3A_813 = tpu.memref_slice %dma_start3A_812[%add3A_805] : memref<12288xi32, #tpu.memory_space<vmem>> -> memref<128xi32, #tpu.memory_space<vmem>>
        %dma_start3A_814 = arith.constant 0 : i32
        %dma_start3A_815 = tpu.memref_slice %arg12[%dma_start3A_814] : memref<786432xf32, #tpu.memory_space<vmem_shared>> -> memref<786432xf32, #tpu.memory_space<vmem_shared>>
        tpu.enqueue_indirect_dma source(%dma_start3A_815 : memref<786432xf32, #tpu.memory_space<vmem_shared>>) target(%dma_start3A_809 : memref<128xf32, #tpu.memory_space<vmem>>) offsets(%dma_start3A_813 : memref<128xi32, #tpu.memory_space<vmem>>) semaphore(%arg14 : memref<!tpu.dma_semaphore, #tpu.memory_space<semaphore_mem>>)
        %mul3A_816 = arith.constant 128 : i32
        %mul3A_817 = arith.muli %mul3A_816, %scan3A_287 : i32
        %add3A_818 = arith.constant 8192 : i32
        %add3A_819 = arith.addi %add3A_818, %mul3A_817 : i32
        %dma_start3A_820 = arith.constant 0 : i32
        %dma_start3A_821 = tpu.memref_slice %arg11[%scan3A_227, %dma_start3A_820] : memref<2x12288xf32, #tpu.memory_space<vmem>> -> memref<1x12288xf32, #tpu.memory_space<vmem>>
        %dma_start3A_822 = tpu.memref_squeeze %dma_start3A_821 : memref<1x12288xf32, #tpu.memory_space<vmem>> -> memref<12288xf32, #tpu.memory_space<vmem>>
        %dma_start3A_823 = tpu.memref_slice %dma_start3A_822[%add3A_819] : memref<12288xf32, #tpu.memory_space<vmem>> -> memref<128xf32, #tpu.memory_space<vmem>>
        %dma_start3A_824 = arith.constant 0 : i32
        %dma_start3A_825 = tpu.memref_slice %arg10[%scan3A_226, %dma_start3A_824] : memref<2x12288xi32, #tpu.memory_space<vmem>> -> memref<1x12288xi32, #tpu.memory_space<vmem>>
        %dma_start3A_826 = tpu.memref_squeeze %dma_start3A_825 : memref<1x12288xi32, #tpu.memory_space<vmem>> -> memref<12288xi32, #tpu.memory_space<vmem>>
        %dma_start3A_827 = tpu.memref_slice %dma_start3A_826[%add3A_819] : memref<12288xi32, #tpu.memory_space<vmem>> -> memref<128xi32, #tpu.memory_space<vmem>>
        %dma_start3A_828 = arith.constant 0 : i32
        %dma_start3A_829 = tpu.memref_slice %arg12[%dma_start3A_828] : memref<786432xf32, #tpu.memory_space<vmem_shared>> -> memref<786432xf32, #tpu.memory_space<vmem_shared>>
        tpu.enqueue_indirect_dma source(%dma_start3A_829 : memref<786432xf32, #tpu.memory_space<vmem_shared>>) target(%dma_start3A_823 : memref<128xf32, #tpu.memory_space<vmem>>) offsets(%dma_start3A_827 : memref<128xi32, #tpu.memory_space<vmem>>) semaphore(%arg14 : memref<!tpu.dma_semaphore, #tpu.memory_space<semaphore_mem>>)
      }
      %scan3A_232 = arith.constant 32 : i32
      %lt3A = arith.constant 7 : i32
      %lt3A_233 = arith.cmpi slt, %scan3A_84, %lt3A : i32
      %convert_element_type3A_234 = arith.extui %lt3A_233 : i1 to i32
      %cond3A_235 = arith.constant 0 : i32
      %cond3A_236 = arith.cmpi ne, %convert_element_type3A_234, %cond3A_235 : i32
      scf.if %cond3A_236 {
        %mul3A_287 = arith.constant 2 : i32
        %mul3A_288 = arith.muli %mul3A_287, %scan3A_84 : i32
        %add3A_289 = arith.constant 2 : i32
        %add3A_290 = arith.addi %mul3A_288, %add3A_289 : i32
        %mul3A_291 = arith.constant 4096 : i32
        %mul3A_292 = arith.muli %add3A_290, %mul3A_291 : i32
        %add3A_293 = arith.addi %mul3A_2, %mul3A_292 : i32
        %dma_start3A_294 = arith.constant 0 : i32
        %dma_start3A_295 = arith.constant 0 : i32
        %dma_start3A_296 = tpu.memref_slice %arg8[%dma_start3A_294, %dma_start3A_295] : memref<2x4096xf32, #tpu.memory_space<vmem>> -> memref<1x4096xf32, #tpu.memory_space<vmem>>
        %dma_start3A_297 = tpu.memref_squeeze %dma_start3A_296 : memref<1x4096xf32, #tpu.memory_space<vmem>> -> memref<4096xf32, #tpu.memory_space<vmem>>
        %dma_start3A_298 = tpu.memref_slice %arg2[%add3A_293] : memref<2097152xf32, #tpu.memory_space<hbm>> -> memref<4096xf32, #tpu.memory_space<hbm>>
        %dma_start3A_299 = arith.constant 0 : i32
        %dma_start3A_300 = tpu.memref_slice %arg8[%dma_start3A_294, %dma_start3A_299] : memref<2x4096xf32, #tpu.memory_space<vmem>> -> memref<1x4096xf32, #tpu.memory_space<vmem>>
        %dma_start3A_301 = tpu.memref_squeeze %dma_start3A_300 : memref<1x4096xf32, #tpu.memory_space<vmem>> -> memref<4096xf32, #tpu.memory_space<vmem>>
        %dma_start3A_302 = tpu.memref_slice %arg2[%add3A_293] : memref<2097152xf32, #tpu.memory_space<hbm>> -> memref<4096xf32, #tpu.memory_space<hbm>>
        tpu.enqueue_dma source(%dma_start3A_302 : memref<4096xf32, #tpu.memory_space<hbm>>) target(%dma_start3A_301 : memref<4096xf32, #tpu.memory_space<vmem>>) target_semaphore(%arg13 : memref<!tpu.dma_semaphore, #tpu.memory_space<semaphore_mem>>)
        %dma_start3A_303 = arith.constant 0 : i32
        %dma_start3A_304 = arith.constant 0 : i32
        %dma_start3A_305 = tpu.memref_slice %arg9[%dma_start3A_303, %dma_start3A_304] : memref<2x4096xf32, #tpu.memory_space<vmem>> -> memref<1x4096xf32, #tpu.memory_space<vmem>>
        %dma_start3A_306 = tpu.memref_squeeze %dma_start3A_305 : memref<1x4096xf32, #tpu.memory_space<vmem>> -> memref<4096xf32, #tpu.memory_space<vmem>>
        %dma_start3A_307 = tpu.memref_slice %arg3[%add3A_293] : memref<2097152xf32, #tpu.memory_space<hbm>> -> memref<4096xf32, #tpu.memory_space<hbm>>
        %dma_start3A_308 = arith.constant 0 : i32
        %dma_start3A_309 = tpu.memref_slice %arg9[%dma_start3A_303, %dma_start3A_308] : memref<2x4096xf32, #tpu.memory_space<vmem>> -> memref<1x4096xf32, #tpu.memory_space<vmem>>
        %dma_start3A_310 = tpu.memref_squeeze %dma_start3A_309 : memref<1x4096xf32, #tpu.memory_space<vmem>> -> memref<4096xf32, #tpu.memory_space<vmem>>
        %dma_start3A_311 = tpu.memref_slice %arg3[%add3A_293] : memref<2097152xf32, #tpu.memory_space<hbm>> -> memref<4096xf32, #tpu.memory_space<hbm>>
        tpu.enqueue_dma source(%dma_start3A_311 : memref<4096xf32, #tpu.memory_space<hbm>>) target(%dma_start3A_310 : memref<4096xf32, #tpu.memory_space<vmem>>) target_semaphore(%arg13 : memref<!tpu.dma_semaphore, #tpu.memory_space<semaphore_mem>>)
      } else {
      }
      %dma_wait3A_237 = arith.constant 1 : i32
      %dma_wait3A_238 = arith.constant 0 : i32
      %dma_wait3A_239 = tpu.memref_slice %arg11[%dma_wait3A_237, %dma_wait3A_238] : memref<2x12288xf32, #tpu.memory_space<vmem>> -> memref<1x12288xf32, #tpu.memory_space<vmem>>
      %dma_wait3A_240 = tpu.memref_squeeze %dma_wait3A_239 : memref<1x12288xf32, #tpu.memory_space<vmem>> -> memref<12288xf32, #tpu.memory_space<vmem>>
      %dma_wait3A_241 = arith.constant 0 : i32
      %dma_wait3A_242 = tpu.memref_slice %arg4[%dma_wait3A_241] : memref<786432xf32, #tpu.memory_space<hbm>> -> memref<12288xf32, #tpu.memory_space<hbm>>
      %dma_wait3A_243 = arith.constant 0 : i32
      %dma_wait3A_244 = tpu.memref_slice %arg11[%dma_wait3A_237, %dma_wait3A_243] : memref<2x12288xf32, #tpu.memory_space<vmem>> -> memref<1x12288xf32, #tpu.memory_space<vmem>>
      %dma_wait3A_245 = tpu.memref_squeeze %dma_wait3A_244 : memref<1x12288xf32, #tpu.memory_space<vmem>> -> memref<12288xf32, #tpu.memory_space<vmem>>
      %dma_wait3A_246 = arith.constant 0 : i32
      %dma_wait3A_247 = tpu.memref_slice %arg4[%dma_wait3A_246] : memref<786432xf32, #tpu.memory_space<hbm>> -> memref<12288xf32, #tpu.memory_space<hbm>>
      tpu.wait_dma2 semaphore(%arg14 : memref<!tpu.dma_semaphore, #tpu.memory_space<semaphore_mem>>) src(%dma_wait3A_247 : memref<12288xf32, #tpu.memory_space<hbm>>) dst(%dma_wait3A_245 : memref<12288xf32, #tpu.memory_space<vmem>>)
      %dma_start3A_248 = arith.constant 1 : i32
      %dma_start3A_249 = arith.constant 0 : i32
      %dma_start3A_250 = tpu.memref_slice %arg11[%dma_start3A_248, %dma_start3A_249] : memref<2x12288xf32, #tpu.memory_space<vmem>> -> memref<1x12288xf32, #tpu.memory_space<vmem>>
      %dma_start3A_251 = tpu.memref_squeeze %dma_start3A_250 : memref<1x12288xf32, #tpu.memory_space<vmem>> -> memref<12288xf32, #tpu.memory_space<vmem>>
      %dma_start3A_252 = arith.constant 0 : i32
      %dma_start3A_253 = tpu.memref_slice %dma_start3A_251[%dma_start3A_252] : memref<12288xf32, #tpu.memory_space<vmem>> -> memref<4096xf32, #tpu.memory_space<vmem>>
      %dma_start3A_254 = tpu.memref_slice %arg5[%add3A_200] : memref<2097152xf32, #tpu.memory_space<hbm>> -> memref<4096xf32, #tpu.memory_space<hbm>>
      %dma_start3A_255 = tpu.memref_slice %arg5[%add3A_200] : memref<2097152xf32, #tpu.memory_space<hbm>> -> memref<4096xf32, #tpu.memory_space<hbm>>
      %dma_start3A_256 = arith.constant 0 : i32
      %dma_start3A_257 = tpu.memref_slice %arg11[%dma_start3A_248, %dma_start3A_256] : memref<2x12288xf32, #tpu.memory_space<vmem>> -> memref<1x12288xf32, #tpu.memory_space<vmem>>
      %dma_start3A_258 = tpu.memref_squeeze %dma_start3A_257 : memref<1x12288xf32, #tpu.memory_space<vmem>> -> memref<12288xf32, #tpu.memory_space<vmem>>
      %dma_start3A_259 = arith.constant 0 : i32
      %dma_start3A_260 = tpu.memref_slice %dma_start3A_258[%dma_start3A_259] : memref<12288xf32, #tpu.memory_space<vmem>> -> memref<4096xf32, #tpu.memory_space<vmem>>
      tpu.enqueue_dma source(%dma_start3A_260 : memref<4096xf32, #tpu.memory_space<vmem>>) target(%dma_start3A_255 : memref<4096xf32, #tpu.memory_space<hbm>>) target_semaphore(%arg15 : memref<!tpu.dma_semaphore, #tpu.memory_space<semaphore_mem>>)
      %dma_start3A_261 = arith.constant 1 : i32
      %dma_start3A_262 = arith.constant 0 : i32
      %dma_start3A_263 = tpu.memref_slice %arg11[%dma_start3A_261, %dma_start3A_262] : memref<2x12288xf32, #tpu.memory_space<vmem>> -> memref<1x12288xf32, #tpu.memory_space<vmem>>
      %dma_start3A_264 = tpu.memref_squeeze %dma_start3A_263 : memref<1x12288xf32, #tpu.memory_space<vmem>> -> memref<12288xf32, #tpu.memory_space<vmem>>
      %dma_start3A_265 = arith.constant 4096 : i32
      %dma_start3A_266 = tpu.memref_slice %dma_start3A_264[%dma_start3A_265] : memref<12288xf32, #tpu.memory_space<vmem>> -> memref<4096xf32, #tpu.memory_space<vmem>>
      %dma_start3A_267 = tpu.memref_slice %arg6[%add3A_200] : memref<2097152xf32, #tpu.memory_space<hbm>> -> memref<4096xf32, #tpu.memory_space<hbm>>
      %dma_start3A_268 = tpu.memref_slice %arg6[%add3A_200] : memref<2097152xf32, #tpu.memory_space<hbm>> -> memref<4096xf32, #tpu.memory_space<hbm>>
      %dma_start3A_269 = arith.constant 0 : i32
      %dma_start3A_270 = tpu.memref_slice %arg11[%dma_start3A_261, %dma_start3A_269] : memref<2x12288xf32, #tpu.memory_space<vmem>> -> memref<1x12288xf32, #tpu.memory_space<vmem>>
      %dma_start3A_271 = tpu.memref_squeeze %dma_start3A_270 : memref<1x12288xf32, #tpu.memory_space<vmem>> -> memref<12288xf32, #tpu.memory_space<vmem>>
      %dma_start3A_272 = arith.constant 4096 : i32
      %dma_start3A_273 = tpu.memref_slice %dma_start3A_271[%dma_start3A_272] : memref<12288xf32, #tpu.memory_space<vmem>> -> memref<4096xf32, #tpu.memory_space<vmem>>
      tpu.enqueue_dma source(%dma_start3A_273 : memref<4096xf32, #tpu.memory_space<vmem>>) target(%dma_start3A_268 : memref<4096xf32, #tpu.memory_space<hbm>>) target_semaphore(%arg15 : memref<!tpu.dma_semaphore, #tpu.memory_space<semaphore_mem>>)
      %dma_start3A_274 = arith.constant 1 : i32
      %dma_start3A_275 = arith.constant 0 : i32
      %dma_start3A_276 = tpu.memref_slice %arg11[%dma_start3A_274, %dma_start3A_275] : memref<2x12288xf32, #tpu.memory_space<vmem>> -> memref<1x12288xf32, #tpu.memory_space<vmem>>
      %dma_start3A_277 = tpu.memref_squeeze %dma_start3A_276 : memref<1x12288xf32, #tpu.memory_space<vmem>> -> memref<12288xf32, #tpu.memory_space<vmem>>
      %dma_start3A_278 = arith.constant 8192 : i32
      %dma_start3A_279 = tpu.memref_slice %dma_start3A_277[%dma_start3A_278] : memref<12288xf32, #tpu.memory_space<vmem>> -> memref<4096xf32, #tpu.memory_space<vmem>>
      %dma_start3A_280 = tpu.memref_slice %arg7[%add3A_200] : memref<2097152xf32, #tpu.memory_space<hbm>> -> memref<4096xf32, #tpu.memory_space<hbm>>
      %dma_start3A_281 = tpu.memref_slice %arg7[%add3A_200] : memref<2097152xf32, #tpu.memory_space<hbm>> -> memref<4096xf32, #tpu.memory_space<hbm>>
      %dma_start3A_282 = arith.constant 0 : i32
      %dma_start3A_283 = tpu.memref_slice %arg11[%dma_start3A_274, %dma_start3A_282] : memref<2x12288xf32, #tpu.memory_space<vmem>> -> memref<1x12288xf32, #tpu.memory_space<vmem>>
      %dma_start3A_284 = tpu.memref_squeeze %dma_start3A_283 : memref<1x12288xf32, #tpu.memory_space<vmem>> -> memref<12288xf32, #tpu.memory_space<vmem>>
      %dma_start3A_285 = arith.constant 8192 : i32
      %dma_start3A_286 = tpu.memref_slice %dma_start3A_284[%dma_start3A_285] : memref<12288xf32, #tpu.memory_space<vmem>> -> memref<4096xf32, #tpu.memory_space<vmem>>
      tpu.enqueue_dma source(%dma_start3A_286 : memref<4096xf32, #tpu.memory_space<vmem>>) target(%dma_start3A_281 : memref<4096xf32, #tpu.memory_space<hbm>>) target_semaphore(%arg15 : memref<!tpu.dma_semaphore, #tpu.memory_space<semaphore_mem>>)
    }
    %scan3A_30 = arith.constant 8 : i32
    %dma_wait3A = arith.constant 0 : i32
    %dma_wait3A_31 = arith.constant 0 : i32
    %dma_wait3A_32 = tpu.memref_slice %arg11[%dma_wait3A, %dma_wait3A_31] : memref<2x12288xf32, #tpu.memory_space<vmem>> -> memref<1x4096xf32, #tpu.memory_space<vmem>>
    %dma_wait3A_33 = tpu.memref_squeeze %dma_wait3A_32 : memref<1x4096xf32, #tpu.memory_space<vmem>> -> memref<4096xf32, #tpu.memory_space<vmem>>
    %dma_wait3A_34 = tpu.memref_slice %arg5[%mul3A_2] : memref<2097152xf32, #tpu.memory_space<hbm>> -> memref<4096xf32, #tpu.memory_space<hbm>>
    %dma_wait3A_35 = tpu.memref_slice %arg5[%mul3A_2] : memref<2097152xf32, #tpu.memory_space<hbm>> -> memref<4096xf32, #tpu.memory_space<hbm>>
    %dma_wait3A_36 = arith.constant 0 : i32
    %dma_wait3A_37 = tpu.memref_slice %arg11[%dma_wait3A, %dma_wait3A_36] : memref<2x12288xf32, #tpu.memory_space<vmem>> -> memref<1x4096xf32, #tpu.memory_space<vmem>>
    %dma_wait3A_38 = tpu.memref_squeeze %dma_wait3A_37 : memref<1x4096xf32, #tpu.memory_space<vmem>> -> memref<4096xf32, #tpu.memory_space<vmem>>
    tpu.wait_dma2 semaphore(%arg15 : memref<!tpu.dma_semaphore, #tpu.memory_space<semaphore_mem>>) src(%dma_wait3A_38 : memref<4096xf32, #tpu.memory_space<vmem>>) dst(%dma_wait3A_35 : memref<4096xf32, #tpu.memory_space<hbm>>)
    %dma_wait3A_39 = arith.constant 0 : i32
    %dma_wait3A_40 = arith.constant 4096 : i32
    %dma_wait3A_41 = tpu.memref_slice %arg11[%dma_wait3A_39, %dma_wait3A_40] : memref<2x12288xf32, #tpu.memory_space<vmem>> -> memref<1x4096xf32, #tpu.memory_space<vmem>>
    %dma_wait3A_42 = tpu.memref_squeeze %dma_wait3A_41 : memref<1x4096xf32, #tpu.memory_space<vmem>> -> memref<4096xf32, #tpu.memory_space<vmem>>
    %dma_wait3A_43 = tpu.memref_slice %arg5[%mul3A_2] : memref<2097152xf32, #tpu.memory_space<hbm>> -> memref<4096xf32, #tpu.memory_space<hbm>>
    %dma_wait3A_44 = tpu.memref_slice %arg5[%mul3A_2] : memref<2097152xf32, #tpu.memory_space<hbm>> -> memref<4096xf32, #tpu.memory_space<hbm>>
    %dma_wait3A_45 = arith.constant 4096 : i32
    %dma_wait3A_46 = tpu.memref_slice %arg11[%dma_wait3A_39, %dma_wait3A_45] : memref<2x12288xf32, #tpu.memory_space<vmem>> -> memref<1x4096xf32, #tpu.memory_space<vmem>>
    %dma_wait3A_47 = tpu.memref_squeeze %dma_wait3A_46 : memref<1x4096xf32, #tpu.memory_space<vmem>> -> memref<4096xf32, #tpu.memory_space<vmem>>
    tpu.wait_dma2 semaphore(%arg15 : memref<!tpu.dma_semaphore, #tpu.memory_space<semaphore_mem>>) src(%dma_wait3A_47 : memref<4096xf32, #tpu.memory_space<vmem>>) dst(%dma_wait3A_44 : memref<4096xf32, #tpu.memory_space<hbm>>)
    %dma_wait3A_48 = arith.constant 0 : i32
    %dma_wait3A_49 = arith.constant 8192 : i32
    %dma_wait3A_50 = tpu.memref_slice %arg11[%dma_wait3A_48, %dma_wait3A_49] : memref<2x12288xf32, #tpu.memory_space<vmem>> -> memref<1x4096xf32, #tpu.memory_space<vmem>>
    %dma_wait3A_51 = tpu.memref_squeeze %dma_wait3A_50 : memref<1x4096xf32, #tpu.memory_space<vmem>> -> memref<4096xf32, #tpu.memory_space<vmem>>
    %dma_wait3A_52 = tpu.memref_slice %arg5[%mul3A_2] : memref<2097152xf32, #tpu.memory_space<hbm>> -> memref<4096xf32, #tpu.memory_space<hbm>>
    %dma_wait3A_53 = tpu.memref_slice %arg5[%mul3A_2] : memref<2097152xf32, #tpu.memory_space<hbm>> -> memref<4096xf32, #tpu.memory_space<hbm>>
    %dma_wait3A_54 = arith.constant 8192 : i32
    %dma_wait3A_55 = tpu.memref_slice %arg11[%dma_wait3A_48, %dma_wait3A_54] : memref<2x12288xf32, #tpu.memory_space<vmem>> -> memref<1x4096xf32, #tpu.memory_space<vmem>>
    %dma_wait3A_56 = tpu.memref_squeeze %dma_wait3A_55 : memref<1x4096xf32, #tpu.memory_space<vmem>> -> memref<4096xf32, #tpu.memory_space<vmem>>
    tpu.wait_dma2 semaphore(%arg15 : memref<!tpu.dma_semaphore, #tpu.memory_space<semaphore_mem>>) src(%dma_wait3A_56 : memref<4096xf32, #tpu.memory_space<vmem>>) dst(%dma_wait3A_53 : memref<4096xf32, #tpu.memory_space<hbm>>)
    %dma_wait3A_57 = arith.constant 1 : i32
    %dma_wait3A_58 = arith.constant 0 : i32
    %dma_wait3A_59 = tpu.memref_slice %arg11[%dma_wait3A_57, %dma_wait3A_58] : memref<2x12288xf32, #tpu.memory_space<vmem>> -> memref<1x4096xf32, #tpu.memory_space<vmem>>
    %dma_wait3A_60 = tpu.memref_squeeze %dma_wait3A_59 : memref<1x4096xf32, #tpu.memory_space<vmem>> -> memref<4096xf32, #tpu.memory_space<vmem>>
    %dma_wait3A_61 = tpu.memref_slice %arg5[%mul3A_2] : memref<2097152xf32, #tpu.memory_space<hbm>> -> memref<4096xf32, #tpu.memory_space<hbm>>
    %dma_wait3A_62 = tpu.memref_slice %arg5[%mul3A_2] : memref<2097152xf32, #tpu.memory_space<hbm>> -> memref<4096xf32, #tpu.memory_space<hbm>>
    %dma_wait3A_63 = arith.constant 0 : i32
    %dma_wait3A_64 = tpu.memref_slice %arg11[%dma_wait3A_57, %dma_wait3A_63] : memref<2x12288xf32, #tpu.memory_space<vmem>> -> memref<1x4096xf32, #tpu.memory_space<vmem>>
    %dma_wait3A_65 = tpu.memref_squeeze %dma_wait3A_64 : memref<1x4096xf32, #tpu.memory_space<vmem>> -> memref<4096xf32, #tpu.memory_space<vmem>>
    tpu.wait_dma2 semaphore(%arg15 : memref<!tpu.dma_semaphore, #tpu.memory_space<semaphore_mem>>) src(%dma_wait3A_65 : memref<4096xf32, #tpu.memory_space<vmem>>) dst(%dma_wait3A_62 : memref<4096xf32, #tpu.memory_space<hbm>>)
    %dma_wait3A_66 = arith.constant 1 : i32
    %dma_wait3A_67 = arith.constant 4096 : i32
    %dma_wait3A_68 = tpu.memref_slice %arg11[%dma_wait3A_66, %dma_wait3A_67] : memref<2x12288xf32, #tpu.memory_space<vmem>> -> memref<1x4096xf32, #tpu.memory_space<vmem>>
    %dma_wait3A_69 = tpu.memref_squeeze %dma_wait3A_68 : memref<1x4096xf32, #tpu.memory_space<vmem>> -> memref<4096xf32, #tpu.memory_space<vmem>>
    %dma_wait3A_70 = tpu.memref_slice %arg5[%mul3A_2] : memref<2097152xf32, #tpu.memory_space<hbm>> -> memref<4096xf32, #tpu.memory_space<hbm>>
    %dma_wait3A_71 = tpu.memref_slice %arg5[%mul3A_2] : memref<2097152xf32, #tpu.memory_space<hbm>> -> memref<4096xf32, #tpu.memory_space<hbm>>
    %dma_wait3A_72 = arith.constant 4096 : i32
    %dma_wait3A_73 = tpu.memref_slice %arg11[%dma_wait3A_66, %dma_wait3A_72] : memref<2x12288xf32, #tpu.memory_space<vmem>> -> memref<1x4096xf32, #tpu.memory_space<vmem>>
    %dma_wait3A_74 = tpu.memref_squeeze %dma_wait3A_73 : memref<1x4096xf32, #tpu.memory_space<vmem>> -> memref<4096xf32, #tpu.memory_space<vmem>>
    tpu.wait_dma2 semaphore(%arg15 : memref<!tpu.dma_semaphore, #tpu.memory_space<semaphore_mem>>) src(%dma_wait3A_74 : memref<4096xf32, #tpu.memory_space<vmem>>) dst(%dma_wait3A_71 : memref<4096xf32, #tpu.memory_space<hbm>>)
    %dma_wait3A_75 = arith.constant 1 : i32
    %dma_wait3A_76 = arith.constant 8192 : i32
    %dma_wait3A_77 = tpu.memref_slice %arg11[%dma_wait3A_75, %dma_wait3A_76] : memref<2x12288xf32, #tpu.memory_space<vmem>> -> memref<1x4096xf32, #tpu.memory_space<vmem>>
    %dma_wait3A_78 = tpu.memref_squeeze %dma_wait3A_77 : memref<1x4096xf32, #tpu.memory_space<vmem>> -> memref<4096xf32, #tpu.memory_space<vmem>>
    %dma_wait3A_79 = tpu.memref_slice %arg5[%mul3A_2] : memref<2097152xf32, #tpu.memory_space<hbm>> -> memref<4096xf32, #tpu.memory_space<hbm>>
    %dma_wait3A_80 = tpu.memref_slice %arg5[%mul3A_2] : memref<2097152xf32, #tpu.memory_space<hbm>> -> memref<4096xf32, #tpu.memory_space<hbm>>
    %dma_wait3A_81 = arith.constant 8192 : i32
    %dma_wait3A_82 = tpu.memref_slice %arg11[%dma_wait3A_75, %dma_wait3A_81] : memref<2x12288xf32, #tpu.memory_space<vmem>> -> memref<1x4096xf32, #tpu.memory_space<vmem>>
    %dma_wait3A_83 = tpu.memref_squeeze %dma_wait3A_82 : memref<1x4096xf32, #tpu.memory_space<vmem>> -> memref<4096xf32, #tpu.memory_space<vmem>>
    tpu.wait_dma2 semaphore(%arg15 : memref<!tpu.dma_semaphore, #tpu.memory_space<semaphore_mem>>) src(%dma_wait3A_83 : memref<4096xf32, #tpu.memory_space<vmem>>) dst(%dma_wait3A_80 : memref<4096xf32, #tpu.memory_space<hbm>>)
    return
  }
}

</mosaic_0001>

<sc_bundles>
// kernel: kernel.3.cloned.1.call-start
scs
__scs_entry_jumppad:
0x0: {  	(pc) =	sbr.rel $0x88, $3  }
0x1: {  	(tag) =	ssettag $0x0;
	lr =	simm.s32 $0x1  }
0x2: {  	[smem:$0x3F9F] =	sst lr;
	_ =	strace $0xD0000000  }
0x3: {  	_ = 	snop  }
0x4: {  	_ = 	snop  }
0x5: {  	_ = 	snop  }
0x6: {  	_ = 	snop  }
0x7: {  	_ = 	snop  }
__scs_overlays_trampoline_lowered:
0x8: {  	[smem:$0x3FAE] =	sst s0  }
0x9: {  	[smem:$0x3FAF] =	sst s1  }
0xa: {  	[smem:$0x3FB0] =	sst s2  }
0xb: {  	[smem:$0x3FB1] =	sst s3  }
0xc: {  	[smem:$0x3FB2] =	sst s4  }
0xd: {  	[smem:$0x3FB3] =	sst s5  }
0xe: {  	[smem:$0x3FB4] =	sst s6  }
0xf: {  	[smem:$0x3FB5] =	sst s7  }
0x10: {  	[smem:$0x3FB6] =	sst s8  }
0x11: {  	[smem:$0x3FB7] =	sst s9;
	s0 =	simm.s32 @!p0 $0x0  }
0x12: {  	s1 =	sld [smem:$0x3F9D];
	s0 =	simm.s32 @p0 $0x1  }
0x13: {  	[smem:$0x3FB8] =	sst s0;
	s0 =	simm.s32 @!p1 $0x0  }
0x14: {  	s2 =	sld [smem:$0x3F9C];
	s0 =	simm.s32 @p1 $0x1  }
0x15: {  	[smem:$0x3FB9] =	sst s0;
	s0 =	simm.s32 @!p2 $0x0  }
0x16: {  	s3 =	sld [smem:$0x3FDB];
	s0 =	simm.s32 @p2 $0x1  }
0x17: {  	s4 =	simm.s32 $0x1BF5;
	[smem:$0x3FBB] =	sst s0  }
0x18: {  	s0 =	sld [smem:$0x3F9E];
	_ =	swait.ge [sflag:s4], $0x0  }
0x19: {  	s7 =	sld [smem:$0x3F9F]  }
0x1a: {  	s8 =	sadd.s32 $0xFFFFE003, lr  }
0x1b: {  	s9 =	sadd.s32 $0xFFFFFEF7, lr;
	s5 =	simm.s32 $0xFFFFFFFF;
	p2 =	slt.u32 s8, $0xFFFFF086  }
0x1c: {  	p1 =	slt.u32 s9, $0xF7A;
	s5 =	simm.s32 @!p2 $0x0  }
0x1d: {  	s5 =	simm.s32 @p1 $0x1;
	p0 =	seq.s32 s7, s2  }
0x1e: {  	s7 =	smul.u32 @!p0 $0xF7A, s2;
	p2 =	seq.s32 @!p0 s5, $0x0  }
0x1f: {  	s9 =	smul.u32 $0xF7A, s1;
	s8 =	simm.s32 @!p0 $0x1BF5;
	p2 =	por !p2, p0  }
0x20: {  	[sflag:s8] =	ssyncset.s32 @!p0 $0xFFFFF086;
	s6 =	sadd.s32 @!p0 s3, s7;
	s7 =	simm.s32 @!p0 $0x108  }
0x21: {  	s3 =	sadd.s32 s3, s9;
	s6 =	sadd.s32 @!p0 $0x88, s6;
	s7 =	simm.s32 @p2 $0x1082  }
0x22: {  	[simem:s7], [sflag:s8] =	dma.local @!p0 [hbm:s6], $0xF7A  }
0x23: {  	s9 =	sor.u32 $0xD0000000, s2;
	s6 =	simm.s32 $0x108;
	_ =	swait.ge @!p0 [sflag:s8], $0x0  }
0x24: {  	s3 =	sadd.s32 $0x88, s3;
	s6 =	simm.s32 @!p1 $0x1082;
	[sflag:s4] =	ssyncset.s32 $0xFFFFF086  }
0x25: {  	[simem:s6], [sflag:s4] =	dma.local [hbm:s3], $0xF7A  }
0x26: {  	[smem:$0x3F9F] =	sst s1;
	(tag) =	ssettag s2;
	_ =	strace s9  }
0x27: {  	s1 =	sld [smem:$0x3FAF]  }
0x28: {  	s2 =	sld [smem:$0x3FB0]  }
0x29: {  	s4 =	sld [smem:$0x3FB2]  }
0x2a: {  	p0 =	seq.s32 s5, $0x0;
	s5 =	sld [smem:$0x3FB3]  }
0x2b: {  	s6 =	sld [smem:$0x3FB4]  }
0x2c: {  	s7 =	sld [smem:$0x3FB5]  }
0x2d: {  	s3 =	simm.s32 $0x108;
	s8 =	sld [smem:$0x3FB6]  }
0x2e: {  	s3 =	simm.s32 @!p0 $0x1082;
	s9 =	sld [smem:$0x3FB7]  }
0x2f: {  	lr =	sadd.s32 s0, s3;
	s0 =	sld [smem:$0x3FAE]  }
0x30: {  	s3 =	sld [smem:$0x3FB1]  }
0x31: {  	[smem:$0x3FBA] =	sst s10  }
0x32: {  	s10 =	sld [smem:$0x3FB8];
	_ =	sdelay $0x3  }
0x33: {  	p0 =	seq.s32 s10, $0x1;
	s10 =	sld [smem:$0x3FBA];
	_ =	sdelay $0x3  }
0x34: {  	[smem:$0x3FBA] =	sst s10  }
0x35: {  	s10 =	sld [smem:$0x3FB9];
	_ =	sdelay $0x3  }
0x36: {  	p1 =	seq.s32 s10, $0x1;
	s10 =	sld [smem:$0x3FBA];
	_ =	sdelay $0x3  }
0x37: {  	[smem:$0x3FBA] =	sst s10  }
0x38: {  	s10 =	sld [smem:$0x3FBB]  }
0x39: {  	_ = 	snop;
	(pc) =	sbr.ind lr, $3  }
0x3a: {  	_ = 	snop  }
0x3b: {  	_ = 	snop  }
0x3c: {  	p2 =	seq.s32 s10, $0x1;
	s10 =	sld [smem:$0x3FBA]  }
0x3d: {  	_ =	shalt  }
0x3e: {  	_ =	shalt  }
0x3f: {  	_ =	shalt  }
0x40: {  	_ =	shalt  }
0x41: {  	_ =	shalt  }
0x42: {  	_ =	shalt  }
0x43: {  	_ =	shalt  }
0x44: {  	_ =	shalt  }
0x45: {  	_ =	shalt  }
0x46: {  	_ =	shalt  }
0x47: {  	_ =	shalt  }
0x48: {  	_ =	shalt  }
0x49: {  	_ =	shalt  }
0x4a: {  	_ =	shalt  }
0x4b: {  	_ =	shalt  }
0x4c: {  	_ =	shalt  }
0x4d: {  	_ =	shalt  }
0x4e: {  	_ =	shalt  }
0x4f: {  	_ =	shalt  }
0x50: {  	_ =	shalt  }
0x51: {  	_ =	shalt  }
0x52: {  	_ =	shalt  }
0x53: {  	_ =	shalt  }
0x54: {  	_ =	shalt  }
0x55: {  	_ =	shalt  }
0x56: {  	_ =	shalt  }
0x57: {  	_ =	shalt  }
0x58: {  	_ =	shalt  }
0x59: {  	_ =	shalt  }
0x5a: {  	_ =	shalt  }
0x5b: {  	_ =	shalt  }
0x5c: {  	_ =	shalt  }
0x5d: {  	_ =	shalt  }
0x5e: {  	_ =	shalt  }
0x5f: {  	_ =	shalt  }
0x60: {  	_ =	shalt  }
0x61: {  	_ =	shalt  }
0x62: {  	_ =	shalt  }
0x63: {  	_ =	shalt  }
0x64: {  	_ =	shalt  }
0x65: {  	_ =	shalt  }
0x66: {  	_ =	shalt  }
0x67: {  	_ =	shalt  }
0x68: {  	_ =	shalt  }
0x69: {  	_ =	shalt  }
0x6a: {  	_ =	shalt  }
0x6b: {  	_ =	shalt  }
0x6c: {  	_ =	shalt  }
0x6d: {  	_ =	shalt  }
0x6e: {  	_ =	shalt  }
0x6f: {  	_ =	shalt  }
0x70: {  	_ =	shalt  }
0x71: {  	_ =	shalt  }
0x72: {  	_ =	shalt  }
0x73: {  	_ =	shalt  }
0x74: {  	_ =	shalt  }
0x75: {  	_ =	shalt  }
0x76: {  	_ =	shalt  }
0x77: {  	_ =	shalt  }
0x78: {  	_ =	shalt  }
0x79: {  	_ =	shalt  }
0x7a: {  	_ =	shalt  }
0x7b: {  	_ =	shalt  }
0x7c: {  	_ =	shalt  }
0x7d: {  	_ =	shalt  }
0x7e: {  	_ =	shalt  }
0x7f: {  	_ =	shalt  }
0x80: {  	_ =	shalt  }
0x81: {  	_ =	shalt  }
0x82: {  	_ =	shalt  }
0x83: {  	_ =	shalt  }
0x84: {  	_ =	shalt  }
0x85: {  	_ =	shalt  }
0x86: {  	_ =	shalt  }
0x87: {  	_ =	shalt  }
.Lfunc_end0:
.L_simem_size_0:
called_computation_lowered:
.L_overlay_start_0:
0x88: {  	s2 =	sld [smem:$0x3FD9]  }
0x89: {  	s3 =	sld [smem:$0x3FFE];
	_ =	sdelay $0x1  }
0x8a: {  	s1 =	srdreg.scid  }
0x8b: {  	s0 =	sand.u32 $0x1, s1  }
0x8c: {  	s17 =	sshll.u32 s0, $0xA;
	s2 =	sadd.s32 s3, s2  }
0x8d: {  	s2 =	sadd.s32 s2, s17  }
0x8e: {  	[smem:$0x3FC6] =	sst s2  }
0x8f: {  	_ = 	snop  }
0x90: {  	s2 =	sld [smem:$0x3FD0];
	(tm) =	ssettm $0x1  }
0x91: {  	s18 =	sld [smem:$0x3FFB];
	_ =	sdelay $0x3  }
0x92: {  	_ =	strace s18  }
0x93: {  	s3 =	sld [smem:$0x3FFC];
	_ =	sdelay $0x3  }
0x94: {  	_ =	strace s3  }
0x95: {  	s3 =	sld [smem:$0x3FFD];
	_ =	sdelay $0x3  }
0x96: {  	_ =	strace s3  }
0x97: {  	_ =	strace $0x8FFFFFFF  }
0x98: {  	s19 =	sld [smem:$0x3FDB];
	_ =	sdelay $0x1  }
0x99: {  	s4 =	simm.s32 $_scs_section_size  }
0x9a: {  	s5 =	simm.s32 $_size__tile_overlayer_lowered;
	s6 =	simm.s32 $_tile_overlayer_lowered  }
0x9b: {  	s22 =	simm.s32 $0x1BFF;
	s21 =	sshll.u32 s6, $0x1;
	s3 =	sadd.s32 s4, s19  }
0x9c: {  	s7 =	simm.s32 $0x0;
	s20 =	sshll.u32 s5, $0x1;
	s5 =	sadd.s32 s21, s3  }
0x9d: {  	[timem:s7], [sflag:s22] =	dma.local [hbm:s5], s20  }
0x9e: {  	_ =	swait.ge [sflag:s22], s20  }
0x9f: {  	s4 =	ssub.s32 $0x0, s20;
	[sflag:s22] =	ssyncset.done $0x0  }
0xa0: {  	[sflag:s22] =	ssyncadd.s32 s4;
	_ =	sdelay $0x1  }
0xa1: {  	s23 =	simm.s32 $0x1B8B  }
0xa2: {  	_ =	swait.ge [sflag:s23], $0x1  }
0xa3: {  	[sflag:s23] =	ssyncset.done $0x0  }
0xa4: {  	s25 =	simm.s32 $0x1B8E;
	s24 =	sld [smem:$0x3FFE];
	[sflag:s23] =	ssyncadd.s32 $0xFFFFFFFF  }
0xa5: {  	s26 =	simm.s32 $execute0_lowered;
	[smem:$0x3FD2] =	sst s25  }
0xa6: {  	s5 =	sshll.u32 s26, $0x1;
	_ =	strace $0x80000046;
	[dreg:$0x1] =	wrdreg $0xFFFFFFFF  }
0xa7: {  	s28 =	simm.s32 $_size_execute0_lowered;
	s3 =	sadd.s32 s3, s5;
	[dreg:$0x0] =	wrdreg $0x0  }
0xa8: {  	s5 =	sshll.u32 s28, $0x1;
	[dreg:$0x2] =	wrdreg s3  }
0xa9: {  	[dreg:$0x3] =	wrdreg s5  }
0xaa: {  	[dreg:$0x4] =	wrdreg $0xC0  }
0xab: {  	_ =	task [dreg:s7], $0x5FFFF  }
0xac: {  	[dreg:$0x1] =	wrdreg $0xFFFFFFFF  }
0xad: {  	[dreg:$0x0] =	wrdreg $0x60  }
0xae: {  	[dreg:$0x2] =	wrdreg s24  }
0xaf: {  	[dreg:$0x3] =	wrdreg s2  }
0xb0: {  	[dreg:$0x4] =	wrdreg $0x100000  }
0xb1: {  	[dreg:$0x5] =	wrdreg $0x9  }
0xb2: {  	_ =	task.clear_ibuf [dreg:s7], $0x6FFFF;
	_ =	strace $0x90000046  }
0xb3: {  	s29 =	simm.s32 $0x9;
	_ =	strace $0x80000048  }
0xb4: {  	_ =	swait.ge [sflag:s29], $0x1  }
0xb5: {  	[sflag:s29] =	ssyncadd.s32 $0xFFFFFFFF  }
0xb6: {  	_ =	strace $0x90000048  }
0xb7: {  	_ =	sfence  }
0xb8: {  	s30 =	sld [smem:$0x0];
	_ =	sdelay $0x2  }
0xb9: {  	s31 =	sshll.u32 s1, $0xD;
	s1 =	sshrl.u32 s1, $0x2  }
0xba: {  	s3 =	sand.u32 $0x4000, s31;
	s1 =	sadd.s32 s1, s30  }
0xbb: {  	s0 =	sor.u32 s3, s0;
	s1 =	sshll.u32 s1, $0x11  }
0xbc: {  	s0 =	sor.u32 s1, s0  }
0xbd: {  	s0 =	sadd.s32 $0x8F2B, s0  }
0xbe: {  	[sflag:s0] =	ssyncadd.remote.s32 $0x1  }
0xbf: {  	_ =	sfence.sel $0xFFFF  }
0xc0: {  	[dreg:$0x0] =	wrdreg $0xFFFFFFFF;
	(pc) =	sbr.abs _section_cstart, $3  }
0xc1: {  	[dreg:$0x1] =	wrdreg $0xFFFFFFFF  }
0xc2: {  	_ =	task.clear_ibuf [dreg:s7], $0x2FFFF;
	_ =	strace $0x9FFFFFFF  }
0xc3: {  	(tm) =	ssettm $0x7FFFFFFF  }
tec
execute0_lowered:
.L_overlay_start_1:
0x0: {  	(tag) =	ssettag $0x1  }
0x1: {  	s0 =	rddreg [dreg:$0x0]  }
0x2: {  	s2 =	rddreg [dreg:$0x1]  }
0x3: {  	s3 =	rddreg [dreg:$0x2]  }
0x4: {  	s4 =	simm.s32 $0x0;
	s13 =	stileid.u32;
	s7 =	srdreg.scid  }
0x5: {  	s19 =	simm.s32 $0x1;
	s20 =	simm.s32 $0x80;
	s28 =	simm.s32 $0xD000  }
0x6: {  	s29 =	simm.s32 $0xE000;
	s30 =	simm.s32 $0xF000;
	s31 =	simm.s32 $0x3  }
0x7: {  	[smem:$0x7FF] =	sst s4;
	s1 =	smul.u32 $0xC000, s13;
	s5 =	sadd.s32 $0x18A00, s0  }
0x8: {  	s9 =	sand.u32 $0x1, s7;
	s7 =	sadd.s32 $0x98A00, s0;
	s8 =	sadd.s32 $0xD8A00, s0  }
0x9: {  	s12 =	sshll.u32 s13, $0x11;
	s22 =	sshll.u32 s13, $0x6;
	_ =	strace $0x80000047  }
0xa: {  	s21 =	ssub.s32 $0x2, s9;
	s9 =	sshll.u32 s9, $0x10;
	s6 =	sshrl.u32 s1, $0x3  }
0xb: {  	s11 =	sshrl.u32 s21, $0x1;
	s9 =	sor.u32 s9, s12;
	s1 =	sadd.s32 s1, s3  }
0xc: {  	s10 =	sadd.s32 s6, s0;
	s6 =	sadd.s32 $0x58A00, s0;
	s0 =	ssub.s32 s21, s11  }
0xd: {  	s23 =	sshrl.u32 s9, $0x3;
	s14 =	sor.u32 $0x2000, s9;
	s26 =	sshrl.u32 s1, $0x3  }
0xe: {  	s21 =	simm.s32 $0x1000;
	s10 =	sadd.s32 $0xA00, s10;
	[dreg:$0x9] =	wrdreg s26  }
0xf: {  	s1 =	simm.s32 $0x0;
	s24 =	sadd.s32 s5, s23;
	[dreg:$0x4] =	wrdreg s10  }
0x10: {  	s25 =	sadd.s32 s2, s23;
	s0 =	smax.u32 s0, $0x1;
	[dreg:$0x6] =	wrdreg s24  }
0x11: {  	s23 =	simm.s32 $0x2;
	s26 =	simm.s32 $0xC000;
	[dreg:$0x7] =	wrdreg s25  }
0x12: {  	s10 =	sor.u32 $0x1C04, s22;
	[dreg:$0x8] =	wrdreg s0;
	s22 =	simm.s32 $0x3000  }
0x13: {  	s24 =	simm.s32 $0xA000;
	s25 =	simm.s32 $0xB000;
	[dreg:$0x5] =	wrdreg s10  }
.LBB2_1:
0x14: {  	[dreg:$0xa] =	wrdreg s1  }
0x15: {  	s0 =	rddreg [dreg:$0x4]  }
0x16: {  	s13 =	rddreg [dreg:$0x5]  }
0x17: {  	s10 =	rddreg [dreg:$0x9];
	s15 =	simm.s32 $0x4  }
0x18: {  	[spmem:s10], [sflag:s13] =	dma.local [hbm:s0], $0x1800  }
0x19: {  	_ =	swait.ge [sflag:s15], $0x1800  }
0x1a: {  	[sflag:s15] =	ssyncset.done $0x0  }
0x1b: {  	[sflag:s15] =	ssyncadd.s32 $0xFFFFE800  }
0x1c: {  	[bflag:$0x0] =	sbarrier.arrive $0xFFFF  }
0x1d: {  	s16 =	rddreg [dreg:$0x6]  }
0x1e: {  	[tilespmem:s4], [sflag:$0x1] =	stream.linear.gather [hbm4b:s16+s4], $0x1000, $0x38;
	[tilespmem:$0x1C000] =	vst v63  }
0x1f: {  	s18 =	simm.s32 $0x2000;
	s1 =	simm.s32 $0x0;
	s17 =	rddreg [dreg:$0x7]  }
0x20: {  	[tilespmem:s18], [sflag:$0x1] =	stream.linear.gather [hbm4b:s17+s4], $0x1000, $0x38;
	[tilespmem:$0x1C000] =	vst v63  }
.LBB2_2:
0x21: {  	p0 =	seq.s32 s1, $0x0  }
0x22: {  	s10 =	simm.s32 @!p0 $0x3  }
0x23: {  	_ =	swait.ge @!p0 [sflag:s10], $0x1000  }
0x24: {  	[sflag:s10] =	ssyncset.done @!p0 $0x0  }
0x25: {  	[sflag:s10] =	ssyncadd.s32 @!p0 $0xFFFFF000  }
0x26: {  	_ =	swait.ge @!p0 [sflag:s10], $0x1000  }
0x27: {  	[sflag:s10] =	ssyncset.done @!p0 $0x0  }
0x28: {  	[sflag:s10] =	ssyncadd.s32 @!p0 $0xFFFFF000  }
0x29: {  	_ =	swait.ge @!p0 [sflag:s10], $0x1000  }
0x2a: {  	[sflag:s10] =	ssyncset.done @!p0 $0x0  }
0x2b: {  	[sflag:s10] =	ssyncadd.s32 @!p0 $0xFFFFF000  }
0x2c: {  	_ =	swait.ge [sflag:s19], $0x1000  }
0x2d: {  	[sflag:s19] =	ssyncset.done $0x0  }
0x2e: {  	[sflag:s19] =	ssyncadd.s32 $0xFFFFF000  }
0x2f: {  	_ =	swait.ge [sflag:s19], $0x1000  }
0x30: {  	[sflag:s19] =	ssyncset.done $0x0  }
0x31: {  	s12 =	simm.s32 $0x0;
	[sflag:s19] =	ssyncadd.s32 $0xFFFFF000  }
0x32: {  	v0 =	vld [tilespmem:s12+$0x2010]  }
0x33: {  	v1 =	vld [tilespmem:s12+$0x10]  }
0x34: {  	v2 =	vld [tilespmem:s12+$0x2030]  }
0x35: {  	v3 =	vld [tilespmem:s12+$0x2060]  }
0x36: {  	v4 =	vld [tilespmem:s12+$0x30]  }
0x37: {  	v5 =	vld [tilespmem:s12+$0x60]  }
0x38: {  	v6 =	vld [tilespmem:s12+$0x0]  }
0x39: {  	v7 =	vld [tilespmem:s12+$0x2000]  }
0x3a: {  	v10 =	vld [tilespmem:s12+$0x50]  }
0x3b: {  	v13 =	vld [tilespmem:s12+$0x40]  }
0x3c: {  	v58 =	vld [tilespmem:s12+$0x2040];
	v0 =	vtrunc.f32 v0  }
0x3d: {  	v1 =	vtrunc.f32 v1;
	v2 =	vtrunc.f32 v2  }
0x3e: {  	v4 =	vtrunc.f32 v4;
	v5 =	vtrunc.f32 v5  }
0x3f: {  	v3 =	vtrunc.f32 v3;
	v6 =	vtrunc.f32 v6  }
0x40: {  	v7 =	vtrunc.f32 v7;
	v10 =	vtrunc.f32 v10  }
0x41: {  	v60 =	vtrunc.f32 v13;
	v62 =	vtrunc.f32 v58  }
0x42: {  	v0 =	vcvt.f32.s32 v0;
	v1 =	vcvt.f32.s32 v1  }
0x43: {  	v2 =	vcvt.f32.s32 v2;
	v3 =	vcvt.f32.s32 v3  }
0x44: {  	v6 =	vcvt.f32.s32 v6;
	v5 =	vcvt.f32.s32 v5  }
0x45: {  	v4 =	vcvt.f32.s32 v4;
	v7 =	vcvt.f32.s32 v7;
	vm0 =	vgt.s32 v1, $0x0  }
0x46: {  	vm1 =	vgt.s32 v0, $0x0;
	v1 =	vnsel vm0, $0x0, v1;
	vm0 =	vgt.s32 v2, $0x0  }
0x47: {  	v0 =	vnsel vm1, $0x0, v0;
	vm1 =	vgt.s32 v6, $0x0;
	v1 =	vmin.u32 v1, $0x1FF  }
0x48: {  	v2 =	vnsel vm0, $0x0, v2;
	v6 =	vnsel vm1, $0x0, v6;
	vm0 =	vgt.s32 v5, $0x0  }
0x49: {  	vm1 =	vgt.s32 v4, $0x0;
	v0 =	vmin.u32 v0, $0x1FF;
	v1 =	vshll.u32 v1, $0x9  }
0x4a: {  	v6 =	vmin.u32 v6, $0x1FF;
	v2 =	vmin.u32 v2, $0x1FF;
	v4 =	vnsel vm1, $0x0, v4  }
0x4b: {  	v8 =	vld [tilespmem:s12+$0x20];
	vm1 =	vgt.s32 v3, $0x0;
	v5 =	vnsel vm0, $0x0, v5;
	vm0 =	vgt.s32 v7, $0x0  }
0x4c: {  	v6 =	vshll.u32 v6, $0x9;
	v4 =	vmin.u32 v4, $0x1FF;
	v3 =	vnsel vm1, $0x0, v3  }
0x4d: {  	v9 =	vld [tilespmem:s12+$0x2020];
	v5 =	vmin.u32 v5, $0x1FF;
	v1 =	vor.u32 v0, v1;
	v4 =	vshll.u32 v4, $0x9  }
0x4e: {  	v11 =	vld [tilespmem:s12+$0x2050];
	v3 =	vmin.u32 v3, $0x1FF;
	v0 =	vor.u32 $0x80000, v1;
	v2 =	vor.u32 v2, v4  }
0x4f: {  	v4 =	vshll.u32 v5, $0x9;
	v5 =	vnsel vm0, $0x0, v7;
	v7 =	vor.u32 $0x40000, v1  }
0x50: {  	v12 =	vor.u32 $0x40000, v2;
	v3 =	vor.u32 v3, v4;
	v4 =	vtrunc.f32 v8  }
0x51: {  	[tilespmem:s12+$0x4030] =	vst v2;
	v5 =	vmin.u32 v5, $0x1FF;
	v2 =	vor.u32 $0x80000, v2;
	v57 =	vor.u32 $0x40000, v3  }
0x52: {  	[tilespmem:s12+$0x4010] =	vst v1;
	v4 =	vcvt.f32.s32 v4;
	v5 =	vor.u32 v5, v6;
	v6 =	vtrunc.f32 v9  }
0x53: {  	v14 =	vor.u32 $0x80000, v3;
	[tilespmem:s12+$0x6030] =	vst v2;
	v2 =	vtrunc.f32 v11;
	v6 =	vcvt.f32.s32 v6  }
0x54: {  	[tilespmem:s12+$0x4060] =	vst v3;
	v3 =	vcvt.f32.s32 v10;
	v11 =	vcvt.f32.s32 v62;
	vm0 =	vgt.s32 v4, $0x0  }
0x55: {  	[tilespmem:s12+$0x5010] =	vst v7;
	v1 =	vor.u32 $0x40000, v5;
	v4 =	vnsel vm0, $0x0, v4;
	vm0 =	vgt.s32 v6, $0x0  }
0x56: {  	[tilespmem:s12+$0x5000] =	vst v1;
	v1 =	vcvt.f32.s32 v2;
	v4 =	vmin.u32 v4, $0x1FF;
	v6 =	vnsel vm0, $0x0, v6  }
0x57: {  	v59 =	vld [tilespmem:s12+$0x70];
	[tilespmem:s12+$0x5030] =	vst v12;
	vm0 =	vgt.s32 v3, $0x0;
	v4 =	vshll.u32 v4, $0x9;
	v6 =	vmin.u32 v6, $0x1FF  }
0x58: {  	[tilespmem:s12+$0x4000] =	vst v5;
	vm1 =	vgt.s32 v1, $0x0;
	v2 =	vor.u32 v6, v4;
	v4 =	vcvt.f32.s32 v60  }
0x59: {  	v5 =	vor.u32 $0x80000, v5;
	[tilespmem:s12+$0x6060] =	vst v14;
	v3 =	vnsel vm0, $0x0, v3;
	v1 =	vnsel vm1, $0x0, v1;
	v6 =	vld [tilespmem:s12+$0x2070]  }
0x5a: {  	[tilespmem:s12+$0x4020] =	vst v2;
	v61 =	vor.u32 $0x40000, v2;
	v2 =	vor.u32 $0x80000, v2;
	vm0 =	vgt.s32 v4, $0x0  }
0x5b: {  	v1 =	vmin.u32 v1, $0x1FF;
	[tilespmem:s12+$0x6020] =	vst v2;
	v2 =	vmin.u32 v3, $0x1FF;
	v3 =	vnsel vm0, $0x0, v4  }
0x5c: {  	[tilespmem:s12+$0x5060] =	vst v57;
	v4 =	vtrunc.f32 v59;
	vm0 =	vgt.s32 v11, $0x0;
	v2 =	vshll.u32 v2, $0x9  }
0x5d: {  	[tilespmem:s12+$0x6000] =	vst v5;
	v2 =	vor.u32 v1, v2;
	v4 =	vcvt.f32.s32 v4;
	v1 =	vnsel vm0, $0x0, v11  }
0x5e: {  	[tilespmem:s12+$0x5020] =	vst v61;
	v3 =	vmin.u32 v3, $0x1FF;
	v5 =	vtrunc.f32 v6;
	v6 =	vor.u32 $0x40000, v2  }
0x5f: {  	[tilespmem:s12+$0x4050] =	vst v2;
	v63 =	vmin.u32 v1, $0x1FF;
	v3 =	vshll.u32 v3, $0x9;
	vm0 =	vgt.s32 v4, $0x0  }
0x60: {  	[tilespmem:s12+$0x5050] =	vst v6;
	v1 =	vcvt.f32.s32 v5;
	v3 =	vor.u32 v63, v3;
	v4 =	vnsel vm0, $0x0, v4  }
0x61: {  	s18 =	sshll.u32 s1, $0xD;
	s13 =	simm.s32 $0x200;
	v5 =	vor.u32 $0x80000, v2;
	[tilespmem:s12+$0x4040] =	vst v3;
	v2 =	vor.u32 $0x40000, v3;
	v4 =	vmin.u32 v4, $0x1FF  }
0x62: {  	s11 =	simm.s32 $0x400;
	s15 =	simm.s32 $0x600;
	s10 =	sor.u32 s9, s18;
	v3 =	vor.u32 $0x80000, v3;
	[tilespmem:s12+$0x6050] =	vst v5;
	vm0 =	vgt.s32 v1, $0x0;
	v4 =	vshll.u32 v4, $0x9  }
.LBB2_3:
0x63: {  	p1 =	sne.s32 s15, $0x3E00;
	[tilespmem:s12+$0x6010] =	vst v0;
	v0 =	vnsel vm0, $0x0, v1;
	s16 =	smov.u32 s15;
	s15 =	sadd.s32 $0x200, s15  }
0x64: {  	[tilespmem:s12+$0x6040] =	vst v3;
	v0 =	vmin.u32 v0, $0x1FF  }
0x65: {  	[tilespmem:s12+$0x5040] =	vst v2;
	v0 =	vor.u32 v0, v4  }
0x66: {  	[tilespmem:s12+$0x4070] =	vst v0;
	v1 =	vor.u32 $0x40000, v0;
	v0 =	vor.u32 $0x80000, v0  }
0x67: {  	[tilespmem:s12+$0x6070] =	vst v0  }
0x68: {  	s17 =	sadd.s32 $0x4000, s12;
	s0 =	sadd.s32 $0xA000, s12;
	[tilespmem:s12+$0x5070] =	vst v1  }
0x69: {  	[tilespmem:s0], [sflag:$0x2] =	stream.indirect.gather [spmem:s3], $0x1, s17, s20, $0xb8;
	[tilespmem:$0x1C000] =	vst v63  }
0x6a: {  	s0 =	sadd.s32 $0x5000, s12;
	s17 =	sadd.s32 $0xB000, s12  }
0x6b: {  	[tilespmem:s17], [sflag:$0x2] =	stream.indirect.gather [spmem:s3], $0x1, s0, s20, $0xb8;
	[tilespmem:$0x1C000] =	vst v63  }
0x6c: {  	s0 =	sadd.s32 $0x6000, s12;
	s17 =	sadd.s32 $0xC000, s12;
	s12 =	sshra.s32 s13, $0x2  }
0x6d: {  	[tilespmem:s17], [sflag:$0x2] =	stream.indirect.gather [spmem:s3], $0x1, s0, s20, $0xb8;
	[tilespmem:$0x1C000] =	vst v63  }
0x6e: {  	s13 =	smov.u32 s11;
	s11 =	smov.u32 s16;
	v0 =	vld [tilespmem:s12+$0x2010]  }
0x6f: {  	v1 =	vld [tilespmem:s12+$0x10]  }
0x70: {  	v2 =	vld [tilespmem:s12+$0x2030]  }
0x71: {  	v3 =	vld [tilespmem:s12+$0x2060]  }
0x72: {  	v4 =	vld [tilespmem:s12+$0x30]  }
0x73: {  	v0 =	vtrunc.f32 v0;
	v5 =	vld [tilespmem:s12+$0x60]  }
0x74: {  	v6 =	vld [tilespmem:s12+$0x0];
	v1 =	vtrunc.f32 v1;
	v0 =	vcvt.f32.s32 v0  }
0x75: {  	v1 =	vcvt.f32.s32 v1;
	v2 =	vtrunc.f32 v2  }
0x76: {  	v7 =	vld [tilespmem:s12+$0x2000];
	v2 =	vcvt.f32.s32 v2  }
0x77: {  	vm1 =	vgt.s32 v0, $0x0;
	vm0 =	vgt.s32 v1, $0x0;
	v4 =	vtrunc.f32 v4  }
0x78: {  	v3 =	vtrunc.f32 v3;
	v1 =	vnsel vm0, $0x0, v1;
	v5 =	vtrunc.f32 v5  }
0x79: {  	v3 =	vcvt.f32.s32 v3;
	v6 =	vtrunc.f32 v6;
	v1 =	vmin.u32 v1, $0x1FF  }
0x7a: {  	vm0 =	vgt.s32 v2, $0x0;
	v6 =	vcvt.f32.s32 v6;
	v1 =	vshll.u32 v1, $0x9  }
0x7b: {  	v0 =	vnsel vm1, $0x0, v0;
	v2 =	vnsel vm0, $0x0, v2;
	v5 =	vcvt.f32.s32 v5  }
0x7c: {  	v4 =	vcvt.f32.s32 v4;
	v7 =	vtrunc.f32 v7;
	vm0 =	vgt.s32 v6, $0x0  }
0x7d: {  	v7 =	vcvt.f32.s32 v7;
	v6 =	vnsel vm0, $0x0, v6;
	vm0 =	vgt.s32 v5, $0x0  }
0x7e: {  	vm1 =	vgt.s32 v3, $0x0;
	v2 =	vmin.u32 v2, $0x1FF;
	v6 =	vmin.u32 v6, $0x1FF  }
0x7f: {  	v3 =	vnsel vm1, $0x0, v3;
	v5 =	vnsel vm0, $0x0, v5;
	v6 =	vshll.u32 v6, $0x9  }
0x80: {  	v0 =	vmin.u32 v0, $0x1FF;
	v3 =	vmin.u32 v3, $0x1FF;
	v5 =	vmin.u32 v5, $0x1FF;
	v8 =	vld [tilespmem:s12+$0x20]  }
0x81: {  	vm1 =	vgt.s32 v4, $0x0;
	vm0 =	vgt.s32 v7, $0x0;
	v5 =	vshll.u32 v5, $0x9;
	v9 =	vld [tilespmem:s12+$0x2020]  }
0x82: {  	v1 =	vor.u32 v0, v1;
	v0 =	vnsel vm1, $0x0, v4;
	v7 =	vnsel vm0, $0x0, v7  }
0x83: {  	v4 =	vor.u32 $0x40000, v1;
	v10 =	vmin.u32 v0, $0x1FF;
	v3 =	vor.u32 v3, v5  }
0x84: {  	v0 =	vor.u32 $0x80000, v1;
	v11 =	vor.u32 $0x40000, v3;
	v12 =	vor.u32 $0x80000, v3;
	v5 =	vld [tilespmem:s12+$0x50]  }
0x85: {  	v10 =	vshll.u32 v10, $0x9;
	v7 =	vmin.u32 v7, $0x1FF;
	v8 =	vtrunc.f32 v8;
	v13 =	vld [tilespmem:s12+$0x2050]  }
0x86: {  	v2 =	vor.u32 v2, v10;
	v6 =	vor.u32 v7, v6;
	v7 =	vcvt.f32.s32 v8  }
0x87: {  	v10 =	vor.u32 $0x40000, v2;
	v8 =	vor.u32 $0x40000, v6;
	v9 =	vtrunc.f32 v9;
	[tilespmem:s12+$0x4030] =	vst v2;
	v14 =	vld [tilespmem:s12+$0x40]  }
0x88: {  	v15 =	vor.u32 $0x80000, v6;
	v9 =	vcvt.f32.s32 v9;
	vm0 =	vgt.s32 v7, $0x0;
	[tilespmem:s12+$0x5030] =	vst v10;
	v10 =	vld [tilespmem:s12+$0x2040]  }
0x89: {  	v2 =	vor.u32 $0x80000, v2;
	[tilespmem:s12+$0x4010] =	vst v1;
	v1 =	vnsel vm0, $0x0, v7;
	v5 =	vtrunc.f32 v5  }
0x8a: {  	vm0 =	vgt.s32 v9, $0x0;
	[tilespmem:s12+$0x4000] =	vst v6;
	v1 =	vmin.u32 v1, $0x1FF;
	v6 =	vtrunc.f32 v13;
	v7 =	vld [tilespmem:s12+$0x70]  }
0x8b: {  	v9 =	vnsel vm0, $0x0, v9;
	v1 =	vshll.u32 v1, $0x9;
	[tilespmem:s12+$0x6030] =	vst v2;
	v2 =	vcvt.f32.s32 v5  }
0x8c: {  	v5 =	vmin.u32 v9, $0x1FF;
	v6 =	vcvt.f32.s32 v6;
	v9 =	vtrunc.f32 v14;
	[tilespmem:s12+$0x4060] =	vst v3  }
0x8d: {  	v1 =	vor.u32 v5, v1;
	[tilespmem:s12+$0x5000] =	vst v8;
	v3 =	vcvt.f32.s32 v9;
	vm0 =	vgt.s32 v2, $0x0;
	v5 =	vld [tilespmem:s12+$0x2070]  }
0x8e: {  	v8 =	vor.u32 $0x40000, v1;
	v9 =	vtrunc.f32 v10;
	[tilespmem:s12+$0x4020] =	vst v1;
	v1 =	vor.u32 $0x80000, v1  }
0x8f: {  	v9 =	vcvt.f32.s32 v9;
	v2 =	vnsel vm0, $0x0, v2;
	vm0 =	vgt.s32 v6, $0x0;
	[tilespmem:s12+$0x6060] =	vst v12  }
0x90: {  	vm1 =	vgt.s32 v3, $0x0;
	[tilespmem:s12+$0x6020] =	vst v1;
	v1 =	vmin.u32 v2, $0x1FF;
	v2 =	vnsel vm0, $0x0, v6  }
0x91: {  	v3 =	vnsel vm1, $0x0, v3;
	v6 =	vtrunc.f32 v7;
	[tilespmem:s12+$0x6000] =	vst v15;
	v2 =	vmin.u32 v2, $0x1FF  }
0x92: {  	vm0 =	vgt.s32 v9, $0x0;
	v1 =	vshll.u32 v1, $0x9;
	[tilespmem:s12+$0x5020] =	vst v8;
	v5 =	vtrunc.f32 v5  }
0x93: {  	v7 =	vnsel vm0, $0x0, v9;
	v6 =	vcvt.f32.s32 v6;
	v2 =	vor.u32 v2, v1;
	[tilespmem:s12+$0x5060] =	vst v11  }
.Ltmp0:
0x94: {  	v1 =	vmin.u32 v3, $0x1FF;
	v3 =	vmin.u32 v7, $0x1FF;
	v7 =	vor.u32 $0x40000, v2;
	[tilespmem:s12+$0x4050] =	vst v2;
	(pc) =	sbr.rel @p1 .LBB2_3-.Ltmp0, $4  }
0x95: {  	v8 =	vshll.u32 v1, $0x9;
	v1 =	vcvt.f32.s32 v5;
	vm0 =	vgt.s32 v6, $0x0;
	[tilespmem:s12+$0x5050] =	vst v7  }
0x96: {  	v3 =	vor.u32 v3, v8;
	v5 =	vnsel vm0, $0x0, v6;
	[tilespmem:s12+$0x5010] =	vst v4;
	v4 =	vor.u32 $0x80000, v2  }
0x97: {  	v5 =	vmin.u32 v5, $0x1FF;
	v2 =	vor.u32 $0x40000, v3;
	[tilespmem:s12+$0x4040] =	vst v3;
	v3 =	vor.u32 $0x80000, v3  }
0x98: {  	vm0 =	vgt.s32 v1, $0x0;
	[tilespmem:s12+$0x6050] =	vst v4;
	v4 =	vshll.u32 v5, $0x9  }
0x99: {  	[tilespmem:s12+$0x6010] =	vst v0;
	v0 =	vnsel vm0, $0x0, v1  }
0x9a: {  	[tilespmem:s12+$0x6040] =	vst v3;
	v0 =	vmin.u32 v0, $0x1FF  }
0x9b: {  	[tilespmem:s12+$0x5040] =	vst v2;
	v0 =	vor.u32 v0, v4  }
0x9c: {  	[tilespmem:s12+$0x4070] =	vst v0;
	v1 =	vor.u32 $0x80000, v0  }
0x9d: {  	v0 =	vor.u32 $0x40000, v0;
	[tilespmem:s12+$0x6070] =	vst v1  }
0x9e: {  	s0 =	sadd.s32 $0x4000, s12;
	s15 =	sadd.s32 $0xA000, s12;
	[tilespmem:s12+$0x5070] =	vst v0  }
0x9f: {  	[tilespmem:s15], [sflag:$0x2] =	stream.indirect.gather [spmem:s3], $0x1, s0, s20, $0xb8;
	[tilespmem:$0x1C000] =	vst v63  }
0xa0: {  	s16 =	sadd.s32 $0xB000, s12;
	s15 =	sadd.s32 $0x5000, s12  }
0xa1: {  	[tilespmem:s16], [sflag:$0x2] =	stream.indirect.gather [spmem:s3], $0x1, s15, s20, $0xb8;
	[tilespmem:$0x1C000] =	vst v63  }
0xa2: {  	s13 =	sshra.s32 s13, $0x2;
	s17 =	sadd.s32 $0x6000, s12;
	s15 =	sadd.s32 $0xC000, s12  }
0xa3: {  	[tilespmem:s15], [sflag:$0x2] =	stream.indirect.gather [spmem:s3], $0x1, s17, s20, $0xb8;
	[tilespmem:$0x1C000] =	vst v63  }
0xa4: {  	v0 =	vld [tilespmem:s13+$0x2010]  }
0xa5: {  	v1 =	vld [tilespmem:s13+$0x10]  }
0xa6: {  	v2 =	vld [tilespmem:s13+$0x2030]  }
0xa7: {  	v3 =	vld [tilespmem:s13+$0x2060]  }
0xa8: {  	v4 =	vld [tilespmem:s13+$0x30]  }
0xa9: {  	v5 =	vld [tilespmem:s13+$0x60]  }
0xaa: {  	v6 =	vld [tilespmem:s13+$0x0]  }
0xab: {  	v7 =	vld [tilespmem:s13+$0x2000]  }
0xac: {  	v8 =	vld [tilespmem:s13+$0x20]  }
0xad: {  	v12 =	vld [tilespmem:s13+$0x2050]  }
0xae: {  	v14 =	vld [tilespmem:s13+$0x2040];
	v0 =	vtrunc.f32 v0  }
0xaf: {  	v1 =	vtrunc.f32 v1;
	v2 =	vtrunc.f32 v2  }
0xb0: {  	v4 =	vtrunc.f32 v4;
	v5 =	vtrunc.f32 v5  }
0xb1: {  	v3 =	vtrunc.f32 v3;
	v6 =	vtrunc.f32 v6  }
0xb2: {  	v7 =	vtrunc.f32 v7;
	v8 =	vtrunc.f32 v8  }
0xb3: {  	v36 =	vtrunc.f32 v12;
	v37 =	vtrunc.f32 v14  }
0xb4: {  	v0 =	vcvt.f32.s32 v0;
	v1 =	vcvt.f32.s32 v1  }
0xb5: {  	v2 =	vcvt.f32.s32 v2;
	v3 =	vcvt.f32.s32 v3  }
0xb6: {  	v6 =	vcvt.f32.s32 v6;
	v5 =	vcvt.f32.s32 v5  }
0xb7: {  	v4 =	vcvt.f32.s32 v4;
	v7 =	vcvt.f32.s32 v7  }
0xb8: {  	v8 =	vcvt.f32.s32 v8;
	vm0 =	vgt.s32 v1, $0x0;
	vm1 =	vgt.s32 v0, $0x0  }
0xb9: {  	v1 =	vnsel vm0, $0x0, v1;
	vm0 =	vgt.s32 v2, $0x0;
	v0 =	vnsel vm1, $0x0, v0  }
0xba: {  	vm1 =	vgt.s32 v3, $0x0;
	v1 =	vmin.u32 v1, $0x1FF;
	v2 =	vnsel vm0, $0x0, v2  }
0xbb: {  	vm0 =	vgt.s32 v6, $0x0;
	v3 =	vnsel vm1, $0x0, v3;
	v0 =	vmin.u32 v0, $0x1FF  }
0xbc: {  	vm1 =	vgt.s32 v4, $0x0;
	v1 =	vshll.u32 v1, $0x9;
	v6 =	vnsel vm0, $0x0, v6  }
0xbd: {  	vm0 =	vgt.s32 v5, $0x0;
	v2 =	vmin.u32 v2, $0x1FF;
	v3 =	vmin.u32 v3, $0x1FF  }
0xbe: {  	v6 =	vmin.u32 v6, $0x1FF;
	v5 =	vnsel vm0, $0x0, v5;
	vm0 =	vgt.s32 v7, $0x0  }
0xbf: {  	v9 =	vld [tilespmem:s13+$0x2020];
	v0 =	vor.u32 v0, v1;
	v1 =	vnsel vm1, $0x0, v4;
	v6 =	vshll.u32 v6, $0x9  }
0xc0: {  	v5 =	vmin.u32 v5, $0x1FF;
	v7 =	vnsel vm0, $0x0, v7;
	v4 =	vor.u32 $0x40000, v0  }
0xc1: {  	v1 =	vmin.u32 v1, $0x1FF;
	vm0 =	vgt.s32 v8, $0x0;
	[tilespmem:s13+$0x4010] =	vst v0;
	v0 =	vor.u32 $0x80000, v0  }
0xc2: {  	v5 =	vshll.u32 v5, $0x9;
	v1 =	vshll.u32 v1, $0x9;
	v8 =	vnsel vm0, $0x0, v8  }
0xc3: {  	[tilespmem:s13+$0x5010] =	vst v4;
	v3 =	vor.u32 v3, v5;
	v5 =	vld [tilespmem:s13+$0x50];
	v1 =	vor.u32 v2, v1;
	v2 =	vmin.u32 v7, $0x1FF  }
0xc4: {  	[tilespmem:s13+$0x6010] =	vst v0;
	v7 =	vtrunc.f32 v9;
	v10 =	vor.u32 $0x40000, v3;
	v2 =	vor.u32 v2, v6;
	v6 =	vld [tilespmem:s13+$0x40]  }
0xc5: {  	v11 =	vor.u32 $0x80000, v3;
	v34 =	vor.u32 $0x40000, v1;
	v7 =	vcvt.f32.s32 v7;
	[tilespmem:s13+$0x4060] =	vst v3;
	v3 =	vld [tilespmem:s13+$0x70]  }
0xc6: {  	[tilespmem:s13+$0x4030] =	vst v1;
	v1 =	vor.u32 $0x80000, v1;
	v35 =	vor.u32 $0x40000, v2;
	v13 =	vor.u32 $0x80000, v2  }
0xc7: {  	[tilespmem:s13+$0x4000] =	vst v2;
	v2 =	vmin.u32 v8, $0x1FF;
	v8 =	vcvt.f32.s32 v37;
	vm0 =	vgt.s32 v7, $0x0  }
0xc8: {  	[tilespmem:s13+$0x6030] =	vst v1;
	v1 =	vshll.u32 v2, $0x9;
	v7 =	vnsel vm0, $0x0, v7;
	v5 =	vtrunc.f32 v5  }
0xc9: {  	[tilespmem:s13+$0x5030] =	vst v34;
	v2 =	vcvt.f32.s32 v5;
	v5 =	vmin.u32 v7, $0x1FF;
	v6 =	vtrunc.f32 v6  }
0xca: {  	[tilespmem:s13+$0x6060] =	vst v11;
	v7 =	vcvt.f32.s32 v36;
	v3 =	vtrunc.f32 v3;
	v1 =	vor.u32 v5, v1  }
0xcb: {  	[tilespmem:s13+$0x5060] =	vst v10;
	v5 =	vcvt.f32.s32 v6;
	v6 =	vld [tilespmem:s13+$0x2070];
	v3 =	vcvt.f32.s32 v3;
	vm0 =	vgt.s32 v2, $0x0  }
0xcc: {  	[tilespmem:s13+$0x4020] =	vst v1;
	v38 =	vor.u32 $0x40000, v1;
	v1 =	vor.u32 $0x80000, v1;
	v2 =	vnsel vm0, $0x0, v2  }
0xcd: {  	vm0 =	vgt.s32 v7, $0x0;
	[tilespmem:s13+$0x6020] =	vst v1;
	vm1 =	vgt.s32 v5, $0x0;
	v1 =	vmin.u32 v2, $0x1FF  }
0xce: {  	[tilespmem:s13+$0x5000] =	vst v35;
	v2 =	vnsel vm0, $0x0, v7;
	v5 =	vnsel vm1, $0x0, v5;
	vm0 =	vgt.s32 v8, $0x0  }
0xcf: {  	[tilespmem:s13+$0x6000] =	vst v13;
	v2 =	vmin.u32 v2, $0x1FF;
	v1 =	vshll.u32 v1, $0x9;
	v5 =	vmin.u32 v5, $0x1FF  }
0xd0: {  	[tilespmem:s13+$0x5020] =	vst v38;
	v6 =	vtrunc.f32 v6;
	v1 =	vor.u32 v2, v1;
	v2 =	vnsel vm0, $0x0, v8  }
0xd1: {  	v5 =	vshll.u32 v5, $0x9;
	[tilespmem:s13+$0x4050] =	vst v1;
	v7 =	vor.u32 $0x40000, v1;
	v6 =	vcvt.f32.s32 v6  }
0xd2: {  	vm0 =	vgt.s32 v3, $0x0;
	v2 =	vmin.u32 v2, $0x1FF;
	v1 =	vor.u32 $0x80000, v1;
	[tilespmem:s13+$0x5050] =	vst v7  }
0xd3: {  	v3 =	vnsel vm0, $0x0, v3;
	v2 =	vor.u32 v2, v5;
	[tilespmem:s13+$0x6050] =	vst v1;
	vm0 =	vgt.s32 v6, $0x0  }
0xd4: {  	v3 =	vmin.u32 v3, $0x1FF;
	[tilespmem:s13+$0x4040] =	vst v2;
	v1 =	vor.u32 $0x80000, v2;
	v0 =	vnsel vm0, $0x0, v6  }
0xd5: {  	v2 =	vor.u32 $0x40000, v2;
	v3 =	vshll.u32 v3, $0x9;
	[tilespmem:s13+$0x6040] =	vst v1;
	v0 =	vmin.u32 v0, $0x1FF  }
0xd6: {  	[tilespmem:s13+$0x5040] =	vst v2;
	v0 =	vor.u32 v0, v3  }
0xd7: {  	[tilespmem:s13+$0x4070] =	vst v0;
	v1 =	vor.u32 $0x80000, v0  }
0xd8: {  	v0 =	vor.u32 $0x40000, v0;
	[tilespmem:s13+$0x6070] =	vst v1  }
0xd9: {  	s16 =	sadd.s32 $0x4000, s13;
	s17 =	sadd.s32 $0xA000, s13;
	[tilespmem:s13+$0x5070] =	vst v0  }
0xda: {  	[tilespmem:s17], [sflag:$0x2] =	stream.indirect.gather [spmem:s3], $0x1, s16, s20, $0xb8;
	[tilespmem:$0x1C000] =	vst v63  }
0xdb: {  	s12 =	sadd.s32 $0x5000, s13;
	s15 =	sadd.s32 $0xB000, s13  }
0xdc: {  	[tilespmem:s15], [sflag:$0x2] =	stream.indirect.gather [spmem:s3], $0x1, s12, s20, $0xb8;
	[tilespmem:$0x1C000] =	vst v63  }
0xdd: {  	s11 =	sshra.s32 s11, $0x2;
	s16 =	sadd.s32 $0x6000, s13;
	s17 =	sadd.s32 $0xC000, s13  }
0xde: {  	[tilespmem:s17], [sflag:$0x2] =	stream.indirect.gather [spmem:s3], $0x1, s16, s20, $0xb8;
	[tilespmem:$0x1C000] =	vst v63  }
0xdf: {  	v0 =	vld [tilespmem:s11+$0x2010]  }
0xe0: {  	v1 =	vld [tilespmem:s11+$0x10]  }
0xe1: {  	v2 =	vld [tilespmem:s11+$0x2030]  }
0xe2: {  	v3 =	vld [tilespmem:s11+$0x2060]  }
0xe3: {  	v4 =	vld [tilespmem:s11+$0x30]  }
0xe4: {  	v5 =	vld [tilespmem:s11+$0x60]  }
0xe5: {  	v6 =	vld [tilespmem:s11+$0x0]  }
0xe6: {  	v7 =	vld [tilespmem:s11+$0x2000]  }
0xe7: {  	v39 =	vld [tilespmem:s11+$0x20]  }
0xe8: {  	v42 =	vld [tilespmem:s11+$0x2050]  }
0xe9: {  	v46 =	vld [tilespmem:s11+$0x2040];
	v0 =	vtrunc.f32 v0  }
0xea: {  	v1 =	vtrunc.f32 v1;
	v2 =	vtrunc.f32 v2  }
0xeb: {  	v4 =	vtrunc.f32 v4;
	v5 =	vtrunc.f32 v5  }
0xec: {  	v3 =	vtrunc.f32 v3;
	v6 =	vtrunc.f32 v6  }
0xed: {  	v7 =	vtrunc.f32 v7;
	v8 =	vtrunc.f32 v39  }
0xee: {  	v47 =	vtrunc.f32 v42;
	v48 =	vtrunc.f32 v46  }
0xef: {  	v0 =	vcvt.f32.s32 v0;
	v1 =	vcvt.f32.s32 v1  }
0xf0: {  	v2 =	vcvt.f32.s32 v2;
	v3 =	vcvt.f32.s32 v3  }
0xf1: {  	v6 =	vcvt.f32.s32 v6;
	v5 =	vcvt.f32.s32 v5  }
0xf2: {  	v4 =	vcvt.f32.s32 v4;
	v7 =	vcvt.f32.s32 v7  }
0xf3: {  	v8 =	vcvt.f32.s32 v8;
	vm0 =	vgt.s32 v1, $0x0;
	vm1 =	vgt.s32 v0, $0x0  }
0xf4: {  	v1 =	vnsel vm0, $0x0, v1;
	vm0 =	vgt.s32 v2, $0x0;
	v0 =	vnsel vm1, $0x0, v0  }
0xf5: {  	vm1 =	vgt.s32 v3, $0x0;
	v1 =	vmin.u32 v1, $0x1FF;
	v2 =	vnsel vm0, $0x0, v2  }
0xf6: {  	vm0 =	vgt.s32 v6, $0x0;
	v3 =	vnsel vm1, $0x0, v3;
	v0 =	vmin.u32 v0, $0x1FF  }
0xf7: {  	vm1 =	vgt.s32 v4, $0x0;
	v1 =	vshll.u32 v1, $0x9;
	v6 =	vnsel vm0, $0x0, v6  }
0xf8: {  	vm0 =	vgt.s32 v5, $0x0;
	v2 =	vmin.u32 v2, $0x1FF;
	v3 =	vmin.u32 v3, $0x1FF  }
0xf9: {  	v6 =	vmin.u32 v6, $0x1FF;
	v5 =	vnsel vm0, $0x0, v5;
	vm0 =	vgt.s32 v7, $0x0  }
0xfa: {  	v9 =	vld [tilespmem:s11+$0x2020];
	v0 =	vor.u32 v0, v1;
	v1 =	vnsel vm1, $0x0, v4;
	v6 =	vshll.u32 v6, $0x9  }
0xfb: {  	v5 =	vmin.u32 v5, $0x1FF;
	v7 =	vnsel vm0, $0x0, v7;
	v4 =	vor.u32 $0x40000, v0  }
0xfc: {  	v1 =	vmin.u32 v1, $0x1FF;
	vm0 =	vgt.s32 v8, $0x0;
	[tilespmem:s11+$0x4010] =	vst v0;
	v0 =	vor.u32 $0x80000, v0  }
0xfd: {  	v5 =	vshll.u32 v5, $0x9;
	v1 =	vshll.u32 v1, $0x9;
	v8 =	vnsel vm0, $0x0, v8  }
0xfe: {  	[tilespmem:s11+$0x5010] =	vst v4;
	v3 =	vor.u32 v3, v5;
	v5 =	vld [tilespmem:s11+$0x50];
	v1 =	vor.u32 v2, v1;
	v2 =	vmin.u32 v7, $0x1FF  }
0xff: {  	[tilespmem:s11+$0x6010] =	vst v0;
	v7 =	vtrunc.f32 v9;
	v40 =	vor.u32 $0x40000, v3;
	v2 =	vor.u32 v2, v6;
	v6 =	vld [tilespmem:s11+$0x40]  }
0x100: {  	v41 =	vor.u32 $0x80000, v3;
	v43 =	vor.u32 $0x40000, v1;
	v7 =	vcvt.f32.s32 v7;
	[tilespmem:s11+$0x4060] =	vst v3;
	v3 =	vld [tilespmem:s11+$0x70]  }
0x101: {  	[tilespmem:s11+$0x4030] =	vst v1;
	v1 =	vor.u32 $0x80000, v1;
	v44 =	vor.u32 $0x40000, v2;
	v45 =	vor.u32 $0x80000, v2  }
0x102: {  	[tilespmem:s11+$0x4000] =	vst v2;
	v2 =	vmin.u32 v8, $0x1FF;
	v8 =	vcvt.f32.s32 v48;
	vm0 =	vgt.s32 v7, $0x0  }
0x103: {  	[tilespmem:s11+$0x6030] =	vst v1;
	v1 =	vshll.u32 v2, $0x9;
	v7 =	vnsel vm0, $0x0, v7;
	v5 =	vtrunc.f32 v5  }
0x104: {  	[tilespmem:s11+$0x5030] =	vst v43;
	v2 =	vcvt.f32.s32 v5;
	v5 =	vmin.u32 v7, $0x1FF;
	v6 =	vtrunc.f32 v6  }
0x105: {  	[tilespmem:s11+$0x6060] =	vst v41;
	v7 =	vcvt.f32.s32 v47;
	v3 =	vtrunc.f32 v3;
	v1 =	vor.u32 v5, v1  }
0x106: {  	[tilespmem:s11+$0x5060] =	vst v40;
	v5 =	vcvt.f32.s32 v6;
	v6 =	vld [tilespmem:s11+$0x2070];
	v3 =	vcvt.f32.s32 v3;
	vm0 =	vgt.s32 v2, $0x0  }
0x107: {  	[tilespmem:s11+$0x4020] =	vst v1;
	v49 =	vor.u32 $0x40000, v1;
	v1 =	vor.u32 $0x80000, v1;
	v2 =	vnsel vm0, $0x0, v2  }
0x108: {  	vm0 =	vgt.s32 v7, $0x0;
	[tilespmem:s11+$0x6020] =	vst v1;
	vm1 =	vgt.s32 v5, $0x0;
	v1 =	vmin.u32 v2, $0x1FF  }
0x109: {  	[tilespmem:s11+$0x5000] =	vst v44;
	v2 =	vnsel vm0, $0x0, v7;
	v5 =	vnsel vm1, $0x0, v5;
	vm0 =	vgt.s32 v8, $0x0  }
0x10a: {  	[tilespmem:s11+$0x6000] =	vst v45;
	v2 =	vmin.u32 v2, $0x1FF;
	v1 =	vshll.u32 v1, $0x9;
	v5 =	vmin.u32 v5, $0x1FF  }
0x10b: {  	[tilespmem:s11+$0x5020] =	vst v49;
	v6 =	vtrunc.f32 v6;
	v1 =	vor.u32 v2, v1;
	v2 =	vnsel vm0, $0x0, v8  }
0x10c: {  	v5 =	vshll.u32 v5, $0x9;
	[tilespmem:s11+$0x4050] =	vst v1;
	v7 =	vor.u32 $0x40000, v1;
	v6 =	vcvt.f32.s32 v6  }
0x10d: {  	vm0 =	vgt.s32 v3, $0x0;
	v2 =	vmin.u32 v2, $0x1FF;
	v1 =	vor.u32 $0x80000, v1;
	[tilespmem:s11+$0x5050] =	vst v7  }
0x10e: {  	v3 =	vnsel vm0, $0x0, v3;
	v2 =	vor.u32 v2, v5;
	[tilespmem:s11+$0x6050] =	vst v1;
	vm0 =	vgt.s32 v6, $0x0  }
0x10f: {  	v3 =	vmin.u32 v3, $0x1FF;
	[tilespmem:s11+$0x4040] =	vst v2;
	v1 =	vor.u32 $0x80000, v2;
	v0 =	vnsel vm0, $0x0, v6  }
0x110: {  	v2 =	vor.u32 $0x40000, v2;
	v3 =	vshll.u32 v3, $0x9;
	[tilespmem:s11+$0x6040] =	vst v1;
	v0 =	vmin.u32 v0, $0x1FF  }
0x111: {  	[tilespmem:s11+$0x5040] =	vst v2;
	v0 =	vor.u32 v0, v3  }
0x112: {  	[tilespmem:s11+$0x4070] =	vst v0;
	v1 =	vor.u32 $0x80000, v0  }
0x113: {  	v0 =	vor.u32 $0x40000, v0;
	[tilespmem:s11+$0x6070] =	vst v1  }
0x114: {  	s13 =	sadd.s32 $0xA000, s11;
	s12 =	sadd.s32 $0x4000, s11;
	[tilespmem:s11+$0x5070] =	vst v0  }
0x115: {  	[tilespmem:s13], [sflag:$0x2] =	stream.indirect.gather [spmem:s3], $0x1, s12, s20, $0xb8;
	[tilespmem:$0x1C000] =	vst v63  }
0x116: {  	s15 =	sadd.s32 $0x5000, s11;
	s16 =	sadd.s32 $0xB000, s11;
	s12 =	sshrl.u32 s10, $0x3  }
0x117: {  	[tilespmem:s16], [sflag:$0x2] =	stream.indirect.gather [spmem:s3], $0x1, s15, s20, $0xb8;
	[tilespmem:$0x1C000] =	vst v63  }
0x118: {  	s17 =	sadd.s32 $0x6000, s11;
	s11 =	sadd.s32 $0xC000, s11;
	s10 =	sor.u32 $0x200, s12  }
0x119: {  	[tilespmem:s11], [sflag:$0x2] =	stream.indirect.gather [spmem:s3], $0x1, s17, s20, $0xb8;
	[tilespmem:$0x1C000] =	vst v63  }
0x11a: {  	s13 =	sadd.s32 s5, s10  }
0x11b: {  	[tilespmem:s21], [sflag:$0x1] =	stream.linear.gather [hbm4b:s13+s4], $0x1000, $0x38;
	[tilespmem:$0x1C000] =	vst v63  }
0x11c: {  	s15 =	sadd.s32 s2, s10  }
0x11d: {  	[tilespmem:s22], [sflag:$0x1] =	stream.linear.gather [hbm4b:s15+s4], $0x1000, $0x38;
	[tilespmem:$0x1C000] =	vst v63  }
0x11e: {  	_ =	swait.ge [sflag:s23], $0x3000  }
0x11f: {  	[sflag:s23] =	ssyncset.done $0x0  }
0x120: {  	s16 =	sadd.s32 s6, s12;
	[sflag:s23] =	ssyncadd.s32 $0xFFFFD000  }
0x121: {  	[hbm4b:s16+s4] =	stream.linear.scatter [tilespmem:s24], [sflag:$0x3], $0x1000, $0x38;
	[tilespmem:$0x1C000] =	vst v63  }
0x122: {  	s17 =	sadd.s32 s7, s12  }
0x123: {  	[hbm4b:s17+s4] =	stream.linear.scatter [tilespmem:s25], [sflag:$0x3], $0x1000, $0x38;
	[tilespmem:$0x1C000] =	vst v63  }
0x124: {  	s0 =	sadd.s32 s8, s12  }
0x125: {  	[hbm4b:s0+s4] =	stream.linear.scatter [tilespmem:s26], [sflag:$0x3], $0x1000, $0x38;
	[tilespmem:$0x1C000] =	vst v63  }
0x126: {  	s0 =	simm.s32 @!p0 $0x3  }
0x127: {  	_ =	swait.ge @!p0 [sflag:s0], $0x1000  }
0x128: {  	[sflag:s0] =	ssyncset.done @!p0 $0x0  }
0x129: {  	[sflag:s0] =	ssyncadd.s32 @!p0 $0xFFFFF000  }
0x12a: {  	_ =	swait.ge @!p0 [sflag:s0], $0x1000  }
0x12b: {  	[sflag:s0] =	ssyncset.done @!p0 $0x0  }
0x12c: {  	[sflag:s0] =	ssyncadd.s32 @!p0 $0xFFFFF000  }
0x12d: {  	_ =	swait.ge @!p0 [sflag:s0], $0x1000  }
0x12e: {  	[sflag:s0] =	ssyncset.done @!p0 $0x0  }
0x12f: {  	[sflag:s0] =	ssyncadd.s32 @!p0 $0xFFFFF000  }
0x130: {  	_ =	swait.ge [sflag:s19], $0x1000  }
0x131: {  	[sflag:s19] =	ssyncset.done $0x0  }
0x132: {  	[sflag:s19] =	ssyncadd.s32 $0xFFFFF000  }
0x133: {  	_ =	swait.ge [sflag:s19], $0x1000  }
0x134: {  	[sflag:s19] =	ssyncset.done $0x0  }
0x135: {  	s12 =	simm.s32 $0x0;
	[sflag:s19] =	ssyncadd.s32 $0xFFFFF000  }
0x136: {  	v0 =	vld [tilespmem:s12+$0x3010]  }
0x137: {  	v1 =	vld [tilespmem:s12+$0x1010]  }
0x138: {  	v2 =	vld [tilespmem:s12+$0x3030]  }
0x139: {  	v3 =	vld [tilespmem:s12+$0x3060]  }
0x13a: {  	v4 =	vld [tilespmem:s12+$0x1030]  }
0x13b: {  	v5 =	vld [tilespmem:s12+$0x1060]  }
0x13c: {  	v6 =	vld [tilespmem:s12+$0x1000]  }
0x13d: {  	v7 =	vld [tilespmem:s12+$0x3000]  }
0x13e: {  	v52 =	vld [tilespmem:s12+$0x1050]  }
0x13f: {  	v55 =	vld [tilespmem:s12+$0x1040]  }
0x140: {  	v57 =	vld [tilespmem:s12+$0x3040];
	v0 =	vtrunc.f32 v0  }
0x141: {  	v1 =	vtrunc.f32 v1;
	v2 =	vtrunc.f32 v2  }
0x142: {  	v4 =	vtrunc.f32 v4;
	v5 =	vtrunc.f32 v5  }
0x143: {  	v3 =	vtrunc.f32 v3;
	v6 =	vtrunc.f32 v6  }
0x144: {  	v7 =	vtrunc.f32 v7;
	v10 =	vtrunc.f32 v52  }
0x145: {  	v60 =	vtrunc.f32 v55;
	v62 =	vtrunc.f32 v57  }
0x146: {  	v0 =	vcvt.f32.s32 v0;
	v1 =	vcvt.f32.s32 v1  }
0x147: {  	v2 =	vcvt.f32.s32 v2;
	v3 =	vcvt.f32.s32 v3  }
0x148: {  	v6 =	vcvt.f32.s32 v6;
	v5 =	vcvt.f32.s32 v5  }
0x149: {  	v4 =	vcvt.f32.s32 v4;
	v7 =	vcvt.f32.s32 v7;
	vm0 =	vgt.s32 v1, $0x0  }
0x14a: {  	v11 =	vcvt.f32.s32 v62;
	vm1 =	vgt.s32 v0, $0x0;
	v1 =	vnsel vm0, $0x0, v1  }
0x14b: {  	vm0 =	vgt.s32 v2, $0x0;
	v0 =	vnsel vm1, $0x0, v0;
	vm1 =	vgt.s32 v6, $0x0  }
0x14c: {  	v1 =	vmin.u32 v1, $0x1FF;
	v2 =	vnsel vm0, $0x0, v2;
	v6 =	vnsel vm1, $0x0, v6  }
0x14d: {  	vm0 =	vgt.s32 v5, $0x0;
	vm1 =	vgt.s32 v4, $0x0;
	v0 =	vmin.u32 v0, $0x1FF  }
0x14e: {  	v1 =	vshll.u32 v1, $0x9;
	v6 =	vmin.u32 v6, $0x1FF;
	v2 =	vmin.u32 v2, $0x1FF  }
0x14f: {  	v4 =	vnsel vm1, $0x0, v4;
	vm1 =	vgt.s32 v3, $0x0;
	v5 =	vnsel vm0, $0x0, v5  }
0x150: {  	v50 =	vld [tilespmem:s12+$0x1020];
	vm0 =	vgt.s32 v7, $0x0;
	v6 =	vshll.u32 v6, $0x9;
	v4 =	vmin.u32 v4, $0x1FF  }
0x151: {  	v51 =	vld [tilespmem:s12+$0x3020];
	v3 =	vnsel vm1, $0x0, v3;
	v5 =	vmin.u32 v5, $0x1FF;
	v1 =	vor.u32 v0, v1  }
0x152: {  	v4 =	vshll.u32 v4, $0x9;
	v3 =	vmin.u32 v3, $0x1FF;
	v0 =	vor.u32 $0x80000, v1  }
0x153: {  	v53 =	vld [tilespmem:s12+$0x3050];
	v2 =	vor.u32 v2, v4;
	v4 =	vshll.u32 v5, $0x9;
	v5 =	vnsel vm0, $0x0, v7  }
0x154: {  	v7 =	vor.u32 $0x40000, v1;
	v54 =	vor.u32 $0x40000, v2;
	v3 =	vor.u32 v3, v4  }
0x155: {  	[tilespmem:s12+$0x7030] =	vst v2;
	v4 =	vtrunc.f32 v50;
	v5 =	vmin.u32 v5, $0x1FF;
	v2 =	vor.u32 $0x80000, v2  }
0x156: {  	[tilespmem:s12+$0x7010] =	vst v1;
	v4 =	vcvt.f32.s32 v4;
	v5 =	vor.u32 v5, v6;
	v6 =	vtrunc.f32 v51  }
0x157: {  	v56 =	vor.u32 $0x40000, v3;
	v58 =	vor.u32 $0x80000, v3;
	[tilespmem:s12+$0x9030] =	vst v2;
	v6 =	vcvt.f32.s32 v6  }
0x158: {  	v2 =	vtrunc.f32 v53;
	[tilespmem:s12+$0x7060] =	vst v3;
	v3 =	vcvt.f32.s32 v10;
	vm0 =	vgt.s32 v4, $0x0  }
0x159: {  	[tilespmem:s12+$0x8010] =	vst v7;
	v1 =	vor.u32 $0x40000, v5;
	v4 =	vnsel vm0, $0x0, v4;
	vm0 =	vgt.s32 v6, $0x0  }
0x15a: {  	[tilespmem:s12+$0x8000] =	vst v1;
	v1 =	vcvt.f32.s32 v2;
	v4 =	vmin.u32 v4, $0x1FF;
	v6 =	vnsel vm0, $0x0, v6  }
0x15b: {  	v59 =	vld [tilespmem:s12+$0x1070];
	[tilespmem:s12+$0x8030] =	vst v54;
	vm0 =	vgt.s32 v3, $0x0;
	v4 =	vshll.u32 v4, $0x9;
	v6 =	vmin.u32 v6, $0x1FF  }
0x15c: {  	[tilespmem:s12+$0x7000] =	vst v5;
	vm1 =	vgt.s32 v1, $0x0;
	v2 =	vor.u32 v6, v4;
	v4 =	vcvt.f32.s32 v60  }
0x15d: {  	v5 =	vor.u32 $0x80000, v5;
	[tilespmem:s12+$0x9060] =	vst v58;
	v3 =	vnsel vm0, $0x0, v3;
	v1 =	vnsel vm1, $0x0, v1;
	v6 =	vld [tilespmem:s12+$0x3070]  }
0x15e: {  	[tilespmem:s12+$0x7020] =	vst v2;
	v61 =	vor.u32 $0x40000, v2;
	v2 =	vor.u32 $0x80000, v2;
	vm0 =	vgt.s32 v4, $0x0  }
0x15f: {  	v1 =	vmin.u32 v1, $0x1FF;
	[tilespmem:s12+$0x9020] =	vst v2;
	v2 =	vmin.u32 v3, $0x1FF;
	v3 =	vnsel vm0, $0x0, v4  }
0x160: {  	[tilespmem:s12+$0x8060] =	vst v56;
	v4 =	vtrunc.f32 v59;
	vm0 =	vgt.s32 v11, $0x0;
	v2 =	vshll.u32 v2, $0x9  }
0x161: {  	[tilespmem:s12+$0x9000] =	vst v5;
	v2 =	vor.u32 v1, v2;
	v4 =	vcvt.f32.s32 v4;
	v1 =	vnsel vm0, $0x0, v11  }
0x162: {  	[tilespmem:s12+$0x8020] =	vst v61;
	v3 =	vmin.u32 v3, $0x1FF;
	v5 =	vtrunc.f32 v6;
	v6 =	vor.u32 $0x40000, v2  }
0x163: {  	[tilespmem:s12+$0x7050] =	vst v2;
	v63 =	vmin.u32 v1, $0x1FF;
	v3 =	vshll.u32 v3, $0x9;
	vm0 =	vgt.s32 v4, $0x0  }
0x164: {  	[tilespmem:s12+$0x8050] =	vst v6;
	v1 =	vcvt.f32.s32 v5;
	v3 =	vor.u32 v63, v3;
	v4 =	vnsel vm0, $0x0, v4  }
0x165: {  	v5 =	vor.u32 $0x80000, v2;
	[tilespmem:s12+$0x7040] =	vst v3;
	v2 =	vor.u32 $0x40000, v3;
	v4 =	vmin.u32 v4, $0x1FF  }
0x166: {  	s11 =	simm.s32 $0x400;
	s13 =	simm.s32 $0x200;
	s15 =	simm.s32 $0x600;
	v3 =	vor.u32 $0x80000, v3;
	[tilespmem:s12+$0x9050] =	vst v5;
	vm0 =	vgt.s32 v1, $0x0;
	v4 =	vshll.u32 v4, $0x9  }
.LBB2_5:
0x167: {  	p0 =	sne.s32 s15, $0x3E00;
	[tilespmem:s12+$0x9010] =	vst v0;
	v0 =	vnsel vm0, $0x0, v1;
	s0 =	smov.u32 s15;
	s15 =	sadd.s32 $0x200, s15  }
0x168: {  	[tilespmem:s12+$0x9040] =	vst v3;
	v0 =	vmin.u32 v0, $0x1FF  }
0x169: {  	[tilespmem:s12+$0x8040] =	vst v2;
	v0 =	vor.u32 v0, v4  }
0x16a: {  	[tilespmem:s12+$0x7070] =	vst v0;
	v1 =	vor.u32 $0x40000, v0;
	v0 =	vor.u32 $0x80000, v0  }
0x16b: {  	[tilespmem:s12+$0x9070] =	vst v0  }
0x16c: {  	s16 =	sadd.s32 $0x7000, s12;
	s17 =	sadd.s32 $0xD000, s12;
	[tilespmem:s12+$0x8070] =	vst v1  }
0x16d: {  	[tilespmem:s17], [sflag:$0x2] =	stream.indirect.gather [spmem:s3], $0x1, s16, s20, $0xb8;
	[tilespmem:$0x1C000] =	vst v63  }
0x16e: {  	s16 =	sadd.s32 $0x8000, s12;
	s17 =	sadd.s32 $0xE000, s12  }
0x16f: {  	[tilespmem:s17], [sflag:$0x2] =	stream.indirect.gather [spmem:s3], $0x1, s16, s20, $0xb8;
	[tilespmem:$0x1C000] =	vst v63  }
0x170: {  	s16 =	sadd.s32 $0x9000, s12;
	s17 =	sadd.s32 $0xF000, s12;
	s12 =	sshra.s32 s13, $0x2  }
0x171: {  	[tilespmem:s17], [sflag:$0x2] =	stream.indirect.gather [spmem:s3], $0x1, s16, s20, $0xb8;
	[tilespmem:$0x1C000] =	vst v63  }
0x172: {  	s13 =	smov.u32 s11;
	s11 =	smov.u32 s0;
	v0 =	vld [tilespmem:s12+$0x3010]  }
0x173: {  	v1 =	vld [tilespmem:s12+$0x1010]  }
0x174: {  	v2 =	vld [tilespmem:s12+$0x3030]  }
0x175: {  	v3 =	vld [tilespmem:s12+$0x3060]  }
0x176: {  	v4 =	vld [tilespmem:s12+$0x1030]  }
0x177: {  	v0 =	vtrunc.f32 v0;
	v5 =	vld [tilespmem:s12+$0x1060]  }
0x178: {  	v6 =	vld [tilespmem:s12+$0x1000];
	v1 =	vtrunc.f32 v1;
	v0 =	vcvt.f32.s32 v0  }
0x179: {  	v1 =	vcvt.f32.s32 v1;
	v2 =	vtrunc.f32 v2  }
0x17a: {  	v7 =	vld [tilespmem:s12+$0x3000];
	v2 =	vcvt.f32.s32 v2  }
0x17b: {  	vm1 =	vgt.s32 v0, $0x0;
	vm0 =	vgt.s32 v1, $0x0;
	v4 =	vtrunc.f32 v4  }
0x17c: {  	v3 =	vtrunc.f32 v3;
	v1 =	vnsel vm0, $0x0, v1;
	v5 =	vtrunc.f32 v5  }
0x17d: {  	v3 =	vcvt.f32.s32 v3;
	v6 =	vtrunc.f32 v6;
	v1 =	vmin.u32 v1, $0x1FF  }
0x17e: {  	vm0 =	vgt.s32 v2, $0x0;
	v6 =	vcvt.f32.s32 v6;
	v1 =	vshll.u32 v1, $0x9  }
0x17f: {  	v0 =	vnsel vm1, $0x0, v0;
	v2 =	vnsel vm0, $0x0, v2;
	v5 =	vcvt.f32.s32 v5  }
0x180: {  	v4 =	vcvt.f32.s32 v4;
	v7 =	vtrunc.f32 v7;
	vm0 =	vgt.s32 v6, $0x0  }
0x181: {  	v7 =	vcvt.f32.s32 v7;
	v6 =	vnsel vm0, $0x0, v6;
	vm0 =	vgt.s32 v5, $0x0  }
0x182: {  	vm1 =	vgt.s32 v3, $0x0;
	v2 =	vmin.u32 v2, $0x1FF;
	v6 =	vmin.u32 v6, $0x1FF  }
0x183: {  	v3 =	vnsel vm1, $0x0, v3;
	v5 =	vnsel vm0, $0x0, v5;
	v6 =	vshll.u32 v6, $0x9  }
0x184: {  	v0 =	vmin.u32 v0, $0x1FF;
	v3 =	vmin.u32 v3, $0x1FF;
	v5 =	vmin.u32 v5, $0x1FF;
	v8 =	vld [tilespmem:s12+$0x1020]  }
0x185: {  	vm1 =	vgt.s32 v4, $0x0;
	vm0 =	vgt.s32 v7, $0x0;
	v5 =	vshll.u32 v5, $0x9;
	v9 =	vld [tilespmem:s12+$0x3020]  }
0x186: {  	v1 =	vor.u32 v0, v1;
	v0 =	vnsel vm1, $0x0, v4;
	v7 =	vnsel vm0, $0x0, v7  }
0x187: {  	v4 =	vor.u32 $0x40000, v1;
	v10 =	vmin.u32 v0, $0x1FF;
	v3 =	vor.u32 v3, v5  }
0x188: {  	v0 =	vor.u32 $0x80000, v1;
	v11 =	vor.u32 $0x40000, v3;
	v12 =	vor.u32 $0x80000, v3;
	v5 =	vld [tilespmem:s12+$0x1050]  }
0x189: {  	v10 =	vshll.u32 v10, $0x9;
	v7 =	vmin.u32 v7, $0x1FF;
	v8 =	vtrunc.f32 v8;
	v13 =	vld [tilespmem:s12+$0x3050]  }
0x18a: {  	v2 =	vor.u32 v2, v10;
	v6 =	vor.u32 v7, v6;
	v7 =	vcvt.f32.s32 v8  }
0x18b: {  	v10 =	vor.u32 $0x40000, v2;
	v8 =	vor.u32 $0x40000, v6;
	v9 =	vtrunc.f32 v9;
	[tilespmem:s12+$0x7030] =	vst v2;
	v14 =	vld [tilespmem:s12+$0x1040]  }
0x18c: {  	v15 =	vor.u32 $0x80000, v6;
	v9 =	vcvt.f32.s32 v9;
	vm0 =	vgt.s32 v7, $0x0;
	[tilespmem:s12+$0x8030] =	vst v10;
	v10 =	vld [tilespmem:s12+$0x3040]  }
0x18d: {  	v2 =	vor.u32 $0x80000, v2;
	[tilespmem:s12+$0x7010] =	vst v1;
	v1 =	vnsel vm0, $0x0, v7;
	v5 =	vtrunc.f32 v5  }
0x18e: {  	vm0 =	vgt.s32 v9, $0x0;
	[tilespmem:s12+$0x7000] =	vst v6;
	v1 =	vmin.u32 v1, $0x1FF;
	v6 =	vtrunc.f32 v13;
	v7 =	vld [tilespmem:s12+$0x1070]  }
0x18f: {  	v9 =	vnsel vm0, $0x0, v9;
	v1 =	vshll.u32 v1, $0x9;
	[tilespmem:s12+$0x9030] =	vst v2;
	v2 =	vcvt.f32.s32 v5  }
0x190: {  	v5 =	vmin.u32 v9, $0x1FF;
	v6 =	vcvt.f32.s32 v6;
	v9 =	vtrunc.f32 v14;
	[tilespmem:s12+$0x7060] =	vst v3  }
0x191: {  	v1 =	vor.u32 v5, v1;
	[tilespmem:s12+$0x8000] =	vst v8;
	v3 =	vcvt.f32.s32 v9;
	vm0 =	vgt.s32 v2, $0x0;
	v5 =	vld [tilespmem:s12+$0x3070]  }
0x192: {  	v8 =	vor.u32 $0x40000, v1;
	v9 =	vtrunc.f32 v10;
	[tilespmem:s12+$0x7020] =	vst v1;
	v1 =	vor.u32 $0x80000, v1  }
0x193: {  	v9 =	vcvt.f32.s32 v9;
	v2 =	vnsel vm0, $0x0, v2;
	vm0 =	vgt.s32 v6, $0x0;
	[tilespmem:s12+$0x9060] =	vst v12  }
0x194: {  	vm1 =	vgt.s32 v3, $0x0;
	[tilespmem:s12+$0x9020] =	vst v1;
	v1 =	vmin.u32 v2, $0x1FF;
	v2 =	vnsel vm0, $0x0, v6  }
0x195: {  	v3 =	vnsel vm1, $0x0, v3;
	v6 =	vtrunc.f32 v7;
	[tilespmem:s12+$0x9000] =	vst v15;
	v2 =	vmin.u32 v2, $0x1FF  }
0x196: {  	vm0 =	vgt.s32 v9, $0x0;
	v1 =	vshll.u32 v1, $0x9;
	[tilespmem:s12+$0x8020] =	vst v8;
	v5 =	vtrunc.f32 v5  }
0x197: {  	v7 =	vnsel vm0, $0x0, v9;
	v6 =	vcvt.f32.s32 v6;
	v2 =	vor.u32 v2, v1;
	[tilespmem:s12+$0x8060] =	vst v11  }
.Ltmp1:
0x198: {  	v1 =	vmin.u32 v3, $0x1FF;
	v3 =	vmin.u32 v7, $0x1FF;
	v7 =	vor.u32 $0x40000, v2;
	[tilespmem:s12+$0x7050] =	vst v2;
	(pc) =	sbr.rel @p0 .LBB2_5-.Ltmp1, $4  }
0x199: {  	v8 =	vshll.u32 v1, $0x9;
	v1 =	vcvt.f32.s32 v5;
	vm0 =	vgt.s32 v6, $0x0;
	[tilespmem:s12+$0x8050] =	vst v7  }
0x19a: {  	v3 =	vor.u32 v3, v8;
	v5 =	vnsel vm0, $0x0, v6;
	[tilespmem:s12+$0x8010] =	vst v4;
	v4 =	vor.u32 $0x80000, v2  }
0x19b: {  	v5 =	vmin.u32 v5, $0x1FF;
	v2 =	vor.u32 $0x40000, v3;
	[tilespmem:s12+$0x7040] =	vst v3;
	v3 =	vor.u32 $0x80000, v3  }
0x19c: {  	vm0 =	vgt.s32 v1, $0x0;
	[tilespmem:s12+$0x9050] =	vst v4;
	v4 =	vshll.u32 v5, $0x9  }
0x19d: {  	[tilespmem:s12+$0x9010] =	vst v0;
	v50 =	vnsel vm0, $0x0, v1  }
0x19e: {  	[tilespmem:s12+$0x9040] =	vst v3;
	v0 =	vmin.u32 v50, $0x1FF  }
0x19f: {  	[tilespmem:s12+$0x8040] =	vst v2;
	v0 =	vor.u32 v0, v4  }
0x1a0: {  	[tilespmem:s12+$0x7070] =	vst v0;
	v51 =	vor.u32 $0x80000, v0  }
0x1a1: {  	v0 =	vor.u32 $0x40000, v0;
	[tilespmem:s12+$0x9070] =	vst v51  }
0x1a2: {  	s0 =	sadd.s32 $0x7000, s12;
	s15 =	sadd.s32 $0xD000, s12;
	[tilespmem:s12+$0x8070] =	vst v0  }
0x1a3: {  	[tilespmem:s15], [sflag:$0x2] =	stream.indirect.gather [spmem:s3], $0x1, s0, s20, $0xb8;
	[tilespmem:$0x1C000] =	vst v63  }
0x1a4: {  	s16 =	sadd.s32 $0x8000, s12;
	s17 =	sadd.s32 $0xE000, s12  }
0x1a5: {  	[tilespmem:s17], [sflag:$0x2] =	stream.indirect.gather [spmem:s3], $0x1, s16, s20, $0xb8;
	[tilespmem:$0x1C000] =	vst v63  }
0x1a6: {  	s13 =	sshra.s32 s13, $0x2;
	s16 =	sadd.s32 $0x9000, s12;
	s17 =	sadd.s32 $0xF000, s12  }
0x1a7: {  	[tilespmem:s17], [sflag:$0x2] =	stream.indirect.gather [spmem:s3], $0x1, s16, s20, $0xb8;
	[tilespmem:$0x1C000] =	vst v63  }
0x1a8: {  	v0 =	vld [tilespmem:s13+$0x3010]  }
0x1a9: {  	v1 =	vld [tilespmem:s13+$0x1010]  }
0x1aa: {  	v2 =	vld [tilespmem:s13+$0x3030]  }
0x1ab: {  	v3 =	vld [tilespmem:s13+$0x3060]  }
0x1ac: {  	v52 =	vld [tilespmem:s13+$0x1030]  }
0x1ad: {  	v5 =	vld [tilespmem:s13+$0x1060]  }
0x1ae: {  	v6 =	vld [tilespmem:s13+$0x1000]  }
0x1af: {  	v7 =	vld [tilespmem:s13+$0x3000]  }
0x1b0: {  	v8 =	vld [tilespmem:s13+$0x1020]  }
0x1b1: {  	v9 =	vld [tilespmem:s13+$0x3020]  }
0x1b2: {  	v12 =	vld [tilespmem:s13+$0x3050]  }
0x1b3: {  	v14 =	vld [tilespmem:s13+$0x3040];
	v0 =	vtrunc.f32 v0;
	v1 =	vtrunc.f32 v1  }
0x1b4: {  	v2 =	vtrunc.f32 v2;
	v4 =	vtrunc.f32 v52  }
0x1b5: {  	v5 =	vtrunc.f32 v5;
	v3 =	vtrunc.f32 v3  }
0x1b6: {  	v6 =	vtrunc.f32 v6;
	v7 =	vtrunc.f32 v7  }
0x1b7: {  	v8 =	vtrunc.f32 v8;
	v57 =	vtrunc.f32 v9  }
0x1b8: {  	v62 =	vtrunc.f32 v12;
	v20 =	vtrunc.f32 v14  }
0x1b9: {  	v0 =	vcvt.f32.s32 v0;
	v1 =	vcvt.f32.s32 v1  }
0x1ba: {  	v2 =	vcvt.f32.s32 v2;
	v3 =	vcvt.f32.s32 v3  }
0x1bb: {  	v6 =	vcvt.f32.s32 v6;
	v5 =	vcvt.f32.s32 v5  }
0x1bc: {  	v4 =	vcvt.f32.s32 v4;
	v7 =	vcvt.f32.s32 v7  }
0x1bd: {  	v8 =	vcvt.f32.s32 v8;
	v17 =	vcvt.f32.s32 v62;
	vm9 =	vgt.s32 v1, $0x0  }
0x1be: {  	vm1 =	vgt.s32 v0, $0x0;
	vm10 =	vgt.s32 v2, $0x0;
	vm11 =	vgt.s32 v6, $0x0  }
0x1bf: {  	vm12 =	vgt.s32 v5, $0x0;
	vm13 =	vgt.s32 v3, $0x0;
	vm14 =	vgt.s32 v7, $0x0  }
0x1c0: {  	vm15 =	vgt.s32 v4, $0x0;
	vm4 =	vgt.s32 v8, $0x0;
	vm7 =	vgt.s32 v17, $0x0  }
0x1c1: {  	v1 =	vnsel vm9, $0x0, v1;
	v0 =	vnsel vm1, $0x0, v0;
	v2 =	vnsel vm10, $0x0, v2  }
0x1c2: {  	v6 =	vnsel vm11, $0x0, v6;
	v5 =	vnsel vm12, $0x0, v5;
	v3 =	vnsel vm13, $0x0, v3  }
0x1c3: {  	v7 =	vnsel vm14, $0x0, v7;
	v53 =	vnsel vm15, $0x0, v4;
	v8 =	vnsel vm4, $0x0, v8  }
0x1c4: {  	v23 =	vnsel vm7, $0x0, v17;
	v1 =	vmin.u32 v1, $0x1FF;
	v6 =	vmin.u32 v6, $0x1FF  }
0x1c5: {  	v55 =	vld [tilespmem:s13+$0x1050];
	v2 =	vmin.u32 v2, $0x1FF;
	v0 =	vmin.u32 v0, $0x1FF;
	v5 =	vmin.u32 v5, $0x1FF  }
0x1c6: {  	v3 =	vmin.u32 v3, $0x1FF;
	v56 =	vmin.u32 v7, $0x1FF;
	v1 =	vshll.u32 v1, $0x9  }
0x1c7: {  	v7 =	vcvt.f32.s32 v57;
	v5 =	vshll.u32 v5, $0x9;
	v0 =	vor.u32 v0, v1  }
0x1c8: {  	v16 =	vld [tilespmem:s13+$0x1070];
	v61 =	vmin.u32 v8, $0x1FF;
	v8 =	vcvt.f32.s32 v20;
	v3 =	vor.u32 v3, v5;
	[tilespmem:s13+$0x7010] =	vst v0  }
0x1c9: {  	v6 =	vshll.u32 v6, $0x9;
	v63 =	vshll.u32 v61, $0x9;
	v11 =	vor.u32 $0x80000, v3;
	[tilespmem:s13+$0x7060] =	vst v3  }
0x1ca: {  	v59 =	vld [tilespmem:s13+$0x1040];
	v1 =	vmin.u32 v53, $0x1FF;
	v5 =	vtrunc.f32 v55;
	v10 =	vor.u32 $0x40000, v3;
	[tilespmem:s13+$0x9060] =	vst v11  }
0x1cb: {  	vm5 =	vgt.s32 v7, $0x0;
	vm9 =	vgt.s32 v8, $0x0;
	v54 =	vor.u32 $0x40000, v0;
	[tilespmem:s13+$0x8060] =	vst v10  }
0x1cc: {  	v19 =	vld [tilespmem:s13+$0x3070];
	v1 =	vshll.u32 v1, $0x9;
	v7 =	vnsel vm5, $0x0, v7;
	v0 =	vor.u32 $0x80000, v0;
	[tilespmem:s13+$0x8010] =	vst v54  }
0x1cd: {  	v12 =	vcvt.f32.s32 v5;
	v3 =	vtrunc.f32 v16;
	v1 =	vor.u32 v2, v1;
	[tilespmem:s13+$0x9010] =	vst v0  }
0x1ce: {  	v24 =	vnsel vm9, $0x0, v8;
	v2 =	vor.u32 v56, v6;
	v15 =	vmin.u32 v7, $0x1FF;
	[tilespmem:s13+$0x7030] =	vst v1  }
0x1cf: {  	v6 =	vtrunc.f32 v59;
	v3 =	vcvt.f32.s32 v3;
	v58 =	vor.u32 $0x40000, v1;
	[tilespmem:s13+$0x7000] =	vst v2  }
0x1d0: {  	v60 =	vor.u32 $0x40000, v2;
	v13 =	vor.u32 $0x80000, v2;
	v1 =	vor.u32 $0x80000, v1;
	[tilespmem:s13+$0x8030] =	vst v58  }
0x1d1: {  	v18 =	vcvt.f32.s32 v6;
	vm6 =	vgt.s32 v12, $0x0;
	v6 =	vtrunc.f32 v19;
	[tilespmem:s13+$0x9030] =	vst v1  }
0x1d2: {  	[tilespmem:s13+$0x8000] =	vst v60;
	v1 =	vor.u32 v15, v63;
	v2 =	vnsel vm6, $0x0, v12;
	v6 =	vcvt.f32.s32 v6  }
0x1d3: {  	vm10 =	vgt.s32 v3, $0x0;
	[tilespmem:s13+$0x7020] =	vst v1;
	v21 =	vor.u32 $0x40000, v1;
	v1 =	vor.u32 $0x80000, v1  }
0x1d4: {  	[tilespmem:s13+$0x9000] =	vst v13;
	vm8 =	vgt.s32 v18, $0x0;
	v22 =	vmin.u32 v2, $0x1FF;
	v2 =	vmin.u32 v23, $0x1FF  }
0x1d5: {  	v3 =	vnsel vm10, $0x0, v3;
	[tilespmem:s13+$0x9020] =	vst v1;
	v5 =	vnsel vm8, $0x0, v18;
	v1 =	vshll.u32 v22, $0x9  }
0x1d6: {  	[tilespmem:s13+$0x8020] =	vst v21;
	vm11 =	vgt.s32 v6, $0x0;
	v3 =	vmin.u32 v3, $0x1FF;
	v1 =	vor.u32 v2, v1  }
0x1d7: {  	v5 =	vmin.u32 v5, $0x1FF;
	v2 =	vmin.u32 v24, $0x1FF;
	[tilespmem:s13+$0x7050] =	vst v1;
	v25 =	vor.u32 $0x40000, v1  }
0x1d8: {  	v27 =	vnsel vm11, $0x0, v6;
	v5 =	vshll.u32 v5, $0x9;
	v1 =	vor.u32 $0x80000, v1;
	[tilespmem:s13+$0x8050] =	vst v25  }
0x1d9: {  	v3 =	vshll.u32 v3, $0x9;
	v0 =	vmin.u32 v27, $0x1FF;
	v2 =	vor.u32 v2, v5;
	[tilespmem:s13+$0x9050] =	vst v1  }
0x1da: {  	v0 =	vor.u32 v0, v3;
	[tilespmem:s13+$0x7040] =	vst v2  }
0x1db: {  	v26 =	vor.u32 $0x80000, v2;
	[tilespmem:s13+$0x7070] =	vst v0  }
0x1dc: {  	v2 =	vor.u32 $0x40000, v2;
	[tilespmem:s13+$0x9040] =	vst v26  }
0x1dd: {  	v28 =	vor.u32 $0x80000, v0;
	[tilespmem:s13+$0x8040] =	vst v2  }
0x1de: {  	v0 =	vor.u32 $0x40000, v0;
	[tilespmem:s13+$0x9070] =	vst v28  }
0x1df: {  	s15 =	sadd.s32 $0xD000, s13;
	s12 =	sadd.s32 $0x7000, s13;
	[tilespmem:s13+$0x8070] =	vst v0  }
0x1e0: {  	[tilespmem:s15], [sflag:$0x2] =	stream.indirect.gather [spmem:s3], $0x1, s12, s20, $0xb8;
	[tilespmem:$0x1C000] =	vst v63  }
0x1e1: {  	s16 =	sadd.s32 $0x8000, s13;
	s17 =	sadd.s32 $0xE000, s13  }
0x1e2: {  	[tilespmem:s17], [sflag:$0x2] =	stream.indirect.gather [spmem:s3], $0x1, s16, s20, $0xb8;
	[tilespmem:$0x1C000] =	vst v63  }
0x1e3: {  	s11 =	sshra.s32 s11, $0x2;
	s12 =	sadd.s32 $0x9000, s13;
	s15 =	sadd.s32 $0xF000, s13  }
0x1e4: {  	[tilespmem:s15], [sflag:$0x2] =	stream.indirect.gather [spmem:s3], $0x1, s12, s20, $0xb8;
	[tilespmem:$0x1C000] =	vst v63  }
0x1e5: {  	v0 =	vld [tilespmem:s11+$0x3010]  }
0x1e6: {  	v1 =	vld [tilespmem:s11+$0x1010]  }
0x1e7: {  	v2 =	vld [tilespmem:s11+$0x3030]  }
0x1e8: {  	v29 =	vld [tilespmem:s11+$0x3060]  }
0x1e9: {  	v4 =	vld [tilespmem:s11+$0x1030]  }
0x1ea: {  	v30 =	vld [tilespmem:s11+$0x1060]  }
0x1eb: {  	v31 =	vld [tilespmem:s11+$0x1000]  }
0x1ec: {  	v7 =	vld [tilespmem:s11+$0x3000]  }
0x1ed: {  	v32 =	vld [tilespmem:s11+$0x1020]  }
0x1ee: {  	v9 =	vld [tilespmem:s11+$0x3020]  }
0x1ef: {  	v38 =	vld [tilespmem:s11+$0x3050]  }
0x1f0: {  	v45 =	vld [tilespmem:s11+$0x3040];
	v0 =	vtrunc.f32 v0;
	v1 =	vtrunc.f32 v1  }
0x1f1: {  	v2 =	vtrunc.f32 v2;
	v4 =	vtrunc.f32 v4  }
0x1f2: {  	v5 =	vtrunc.f32 v30;
	v3 =	vtrunc.f32 v29  }
0x1f3: {  	v6 =	vtrunc.f32 v31;
	v7 =	vtrunc.f32 v7  }
0x1f4: {  	v8 =	vtrunc.f32 v32;
	v40 =	vtrunc.f32 v9  }
0x1f5: {  	v47 =	vtrunc.f32 v38;
	v55 =	vtrunc.f32 v45  }
0x1f6: {  	v0 =	vcvt.f32.s32 v0;
	v1 =	vcvt.f32.s32 v1  }
0x1f7: {  	v2 =	vcvt.f32.s32 v2;
	v3 =	vcvt.f32.s32 v3  }
0x1f8: {  	v6 =	vcvt.f32.s32 v6;
	v5 =	vcvt.f32.s32 v5  }
0x1f9: {  	v4 =	vcvt.f32.s32 v4;
	v7 =	vcvt.f32.s32 v7  }
0x1fa: {  	v8 =	vcvt.f32.s32 v8;
	v52 =	vcvt.f32.s32 v47;
	vm12 =	vgt.s32 v1, $0x0  }
0x1fb: {  	vm13 =	vgt.s32 v0, $0x0;
	vm14 =	vgt.s32 v2, $0x0;
	vm15 =	vgt.s32 v6, $0x0  }
0x1fc: {  	vm4 =	vgt.s32 v5, $0x0;
	vm5 =	vgt.s32 v3, $0x0;
	vm6 =	vgt.s32 v7, $0x0  }
0x1fd: {  	vm7 =	vgt.s32 v4, $0x0;
	vm8 =	vgt.s32 v8, $0x0;
	vm11 =	vgt.s32 v52, $0x0  }
0x1fe: {  	v1 =	vnsel vm12, $0x0, v1;
	v0 =	vnsel vm13, $0x0, v0;
	v2 =	vnsel vm14, $0x0, v2  }
0x1ff: {  	v6 =	vnsel vm15, $0x0, v6;
	v5 =	vnsel vm4, $0x0, v5;
	v3 =	vnsel vm5, $0x0, v3  }
0x200: {  	v7 =	vnsel vm6, $0x0, v7;
	v33 =	vnsel vm7, $0x0, v4;
	v8 =	vnsel vm8, $0x0, v8  }
0x201: {  	v58 =	vnsel vm11, $0x0, v52;
	v1 =	vmin.u32 v1, $0x1FF;
	v6 =	vmin.u32 v6, $0x1FF  }
0x202: {  	v35 =	vld [tilespmem:s11+$0x1050];
	v2 =	vmin.u32 v2, $0x1FF;
	v0 =	vmin.u32 v0, $0x1FF;
	v5 =	vmin.u32 v5, $0x1FF  }
0x203: {  	v3 =	vmin.u32 v3, $0x1FF;
	v39 =	vmin.u32 v7, $0x1FF;
	v1 =	vshll.u32 v1, $0x9  }
0x204: {  	v7 =	vcvt.f32.s32 v40;
	v5 =	vshll.u32 v5, $0x9;
	v0 =	vor.u32 v0, v1  }
0x205: {  	v51 =	vld [tilespmem:s11+$0x1070];
	v46 =	vmin.u32 v8, $0x1FF;
	v8 =	vcvt.f32.s32 v55;
	v3 =	vor.u32 v3, v5;
	[tilespmem:s11+$0x7010] =	vst v0  }
0x206: {  	v6 =	vshll.u32 v6, $0x9;
	v48 =	vshll.u32 v46, $0x9;
	v37 =	vor.u32 $0x80000, v3;
	[tilespmem:s11+$0x7060] =	vst v3  }
0x207: {  	v42 =	vld [tilespmem:s11+$0x1040];
	v1 =	vmin.u32 v33, $0x1FF;
	v5 =	vtrunc.f32 v35;
	v36 =	vor.u32 $0x40000, v3;
	[tilespmem:s11+$0x9060] =	vst v37  }
0x208: {  	vm9 =	vgt.s32 v7, $0x0;
	vm13 =	vgt.s32 v8, $0x0;
	v34 =	vor.u32 $0x40000, v0;
	[tilespmem:s11+$0x8060] =	vst v36  }
0x209: {  	v54 =	vld [tilespmem:s11+$0x3070];
	v1 =	vshll.u32 v1, $0x9;
	v7 =	vnsel vm9, $0x0, v7;
	v0 =	vor.u32 $0x80000, v0;
	[tilespmem:s11+$0x8010] =	vst v34  }
0x20a: {  	v49 =	vcvt.f32.s32 v5;
	v3 =	vtrunc.f32 v51;
	v1 =	vor.u32 v2, v1;
	[tilespmem:s11+$0x9010] =	vst v0  }
0x20b: {  	v59 =	vnsel vm13, $0x0, v8;
	v2 =	vor.u32 v39, v6;
	v50 =	vmin.u32 v7, $0x1FF;
	[tilespmem:s11+$0x7030] =	vst v1  }
0x20c: {  	v6 =	vtrunc.f32 v42;
	v3 =	vcvt.f32.s32 v3;
	v41 =	vor.u32 $0x40000, v1;
	[tilespmem:s11+$0x7000] =	vst v2  }
0x20d: {  	v43 =	vor.u32 $0x40000, v2;
	v44 =	vor.u32 $0x80000, v2;
	v1 =	vor.u32 $0x80000, v1;
	[tilespmem:s11+$0x8030] =	vst v41  }
0x20e: {  	v53 =	vcvt.f32.s32 v6;
	vm10 =	vgt.s32 v49, $0x0;
	v6 =	vtrunc.f32 v54;
	[tilespmem:s11+$0x9030] =	vst v1  }
0x20f: {  	[tilespmem:s11+$0x8000] =	vst v43;
	v1 =	vor.u32 v50, v48;
	v2 =	vnsel vm10, $0x0, v49;
	v6 =	vcvt.f32.s32 v6  }
0x210: {  	vm14 =	vgt.s32 v3, $0x0;
	[tilespmem:s11+$0x7020] =	vst v1;
	v56 =	vor.u32 $0x40000, v1;
	v1 =	vor.u32 $0x80000, v1  }
0x211: {  	[tilespmem:s11+$0x9000] =	vst v44;
	vm12 =	vgt.s32 v53, $0x0;
	v57 =	vmin.u32 v2, $0x1FF;
	v2 =	vmin.u32 v58, $0x1FF  }
0x212: {  	v3 =	vnsel vm14, $0x0, v3;
	[tilespmem:s11+$0x9020] =	vst v1;
	v5 =	vnsel vm12, $0x0, v53;
	v1 =	vshll.u32 v57, $0x9  }
0x213: {  	[tilespmem:s11+$0x8020] =	vst v56;
	vm15 =	vgt.s32 v6, $0x0;
	v3 =	vmin.u32 v3, $0x1FF;
	v1 =	vor.u32 v2, v1  }
0x214: {  	v5 =	vmin.u32 v5, $0x1FF;
	v2 =	vmin.u32 v59, $0x1FF;
	[tilespmem:s11+$0x7050] =	vst v1;
	v60 =	vor.u32 $0x40000, v1  }
0x215: {  	v62 =	vnsel vm15, $0x0, v6;
	v5 =	vshll.u32 v5, $0x9;
	v1 =	vor.u32 $0x80000, v1;
	[tilespmem:s11+$0x8050] =	vst v60  }
0x216: {  	v3 =	vshll.u32 v3, $0x9;
	v0 =	vmin.u32 v62, $0x1FF;
	v2 =	vor.u32 v2, v5;
	[tilespmem:s11+$0x9050] =	vst v1  }
0x217: {  	v0 =	vor.u32 v0, v3;
	[tilespmem:s11+$0x7040] =	vst v2  }
0x218: {  	v61 =	vor.u32 $0x80000, v2;
	[tilespmem:s11+$0x7070] =	vst v0  }
0x219: {  	v2 =	vor.u32 $0x40000, v2;
	[tilespmem:s11+$0x9040] =	vst v61  }
0x21a: {  	v63 =	vor.u32 $0x80000, v0;
	[tilespmem:s11+$0x8040] =	vst v2  }
0x21b: {  	v0 =	vor.u32 $0x40000, v0;
	[tilespmem:s11+$0x9070] =	vst v63  }
0x21c: {  	p0 =	seq.s32 s1, $0x7;
	s16 =	sadd.s32 $0x7000, s11;
	s17 =	sadd.s32 $0xD000, s11;
	[tilespmem:s11+$0x8070] =	vst v0  }
0x21d: {  	[tilespmem:s17], [sflag:$0x2] =	stream.indirect.gather [spmem:s3], $0x1, s16, s20, $0xb8;
	[tilespmem:$0x1C000] =	vst v63  }
0x21e: {  	s0 =	sadd.s32 @!p0 s18, s14;
	s13 =	sadd.s32 $0xE000, s11;
	s12 =	sadd.s32 $0x8000, s11  }
0x21f: {  	[tilespmem:s13], [sflag:$0x2] =	stream.indirect.gather [spmem:s3], $0x1, s12, s20, $0xb8;
	[tilespmem:$0x1C000] =	vst v63  }
0x220: {  	s0 =	sshrl.u32 @!p0 s0, $0x3;
	s15 =	sadd.s32 $0x9000, s11;
	s11 =	sadd.s32 $0xF000, s11  }
0x221: {  	[tilespmem:s11], [sflag:$0x2] =	stream.indirect.gather [spmem:s3], $0x1, s15, s20, $0xb8;
	[tilespmem:$0x1C000] =	vst v63  }
0x222: {  	s12 =	simm.s32 @!p0 $0x0;
	s11 =	sadd.s32 @!p0 s5, s0  }
0x223: {  	[tilespmem:s12], [sflag:$0x1] =	stream.linear.gather @!p0 [hbm4b:s11+s12], $0x1000, $0x38;
	[tilespmem:$0x1C000] =	vst v63  }
0x224: {  	s0 =	sadd.s32 @!p0 s2, s0;
	s11 =	simm.s32 @!p0 $0x2000  }
0x225: {  	[tilespmem:s11], [sflag:$0x1] =	stream.linear.gather @!p0 [hbm4b:s0+s12], $0x1000, $0x38;
	[tilespmem:$0x1C000] =	vst v63  }
0x226: {  	_ =	swait.ge [sflag:s23], $0x3000  }
0x227: {  	s1 =	sadd.s32 $0x1, s1;
	[sflag:s23] =	ssyncset.done $0x0  }
0x228: {  	s16 =	sadd.s32 s6, s10;
	p0 =	sne.s32 s1, $0x8;
	[sflag:s23] =	ssyncadd.s32 $0xFFFFD000  }
0x229: {  	[hbm4b:s16+s4] =	stream.linear.scatter [tilespmem:s28], [sflag:$0x3], $0x1000, $0x38;
	[tilespmem:$0x1C000] =	vst v63  }
.Ltmp2:
0x22a: {  	_ = 	snop;
	(pc) =	sbr.rel @p0 .LBB2_2-.Ltmp2, $4  }
0x22b: {  	s17 =	sadd.s32 s7, s10  }
0x22c: {  	[hbm4b:s17+s4] =	stream.linear.scatter [tilespmem:s29], [sflag:$0x3], $0x1000, $0x38;
	[tilespmem:$0x1C000] =	vst v63  }
0x22d: {  	s18 =	sadd.s32 s8, s10  }
0x22e: {  	[hbm4b:s18+s4] =	stream.linear.scatter [tilespmem:s30], [sflag:$0x3], $0x1000, $0x38;
	[tilespmem:$0x1C000] =	vst v63  }
0x22f: {  	_ =	swait.ge [sflag:s31], $0x1000  }
0x230: {  	[sflag:s31] =	ssyncset.done $0x0  }
0x231: {  	[sflag:s31] =	ssyncadd.s32 $0xFFFFF000  }
0x232: {  	_ =	swait.ge [sflag:s31], $0x1000  }
0x233: {  	[sflag:s31] =	ssyncset.done $0x0  }
0x234: {  	[sflag:s31] =	ssyncadd.s32 $0xFFFFF000  }
0x235: {  	_ =	swait.ge [sflag:s31], $0x1000  }
0x236: {  	[sflag:s31] =	ssyncset.done $0x0  }
0x237: {  	[sflag:s31] =	ssyncadd.s32 $0xFFFFF000  }
0x238: {  	_ =	swait.ge [sflag:s31], $0x1000  }
0x239: {  	[sflag:s31] =	ssyncset.done $0x0  }
0x23a: {  	[sflag:s31] =	ssyncadd.s32 $0xFFFFF000  }
0x23b: {  	_ =	swait.ge [sflag:s31], $0x1000  }
0x23c: {  	[sflag:s31] =	ssyncset.done $0x0  }
0x23d: {  	[sflag:s31] =	ssyncadd.s32 $0xFFFFF000  }
0x23e: {  	_ =	swait.ge [sflag:s31], $0x1000  }
0x23f: {  	s1 =	rddreg [dreg:$0xa]  }
0x240: {  	s0 =	rddreg [dreg:$0x8];
	s1 =	sadd.s32 $0x1, s1  }
0x241: {  	p0 =	sne.s32 s1, s0  }
.Ltmp3:
0x242: {  	_ = 	snop;
	(pc) =	sbr.rel @p0 .LBB2_1-.Ltmp3, $3  }
0x243: {  	_ =	sdelay $0x1  }
0x244: {  	[sflag:s31] =	ssyncset.done $0x0  }
0x245: {  	[sflag:s31] =	ssyncadd.s32 $0xFFFFF000  }
0x246: {  	_ =	sfence.sel $0x180000  }
0x247: {  	[bflag:$0x0] =	sbarrier.arrive $0xFFFF  }
0x248: {  	_ =	strace $0x90000047  }
0x249: {  	s0 =	stileid.u32;
	[bflag:$0x2] =	sbarrier.arrive $0xFFFF  }
0x24a: {  	p0 =	sne.s32 s0, $0x0;
	s0 =	rddreg [dreg:$0x3]  }
0x24b: {  	s0 =	sadd.s32 @!p0 $0x100000, s0  }
0x24c: {  	[sflag:s0] =	ssyncadd.tile.s32 @!p0 $0x1;
	_ =	shalt  }
.Lfunc_end2:
_tile_overlayer_lowered:
.L_overlay_start_2:
0x24d: {  	(tag) =	ssettag $0x2  }
0x24e: {  	s0 =	rddreg [dreg:$0x0];
	s2 =	stileid.u32  }
0x24f: {  	s1 =	rddreg [dreg:$0x1];
	p0 =	sne.s32 s2, $0x0  }
0x250: {  	s3 =	rddreg [dreg:$0x2];
	[bflag:$0x3] =	sbarrier.arrive $0xFFFF;
	s2 =	simm.s32 @!p0 $0x1C04  }
0x251: {  	[timem:s3], [sflag:s2] =	dma.local @!p0 [hbm:s0], s1  }
0x252: {  	s0 =	simm.s32 @!p0 $0x4  }
0x253: {  	_ =	swait.ge @!p0 [sflag:s0], s1  }
0x254: {  	s1 =	ssub.s32 @!p0 $0x0, s1;
	[sflag:s0] =	ssyncset.done @!p0 $0x0  }
0x255: {  	[sflag:s0] =	ssyncadd.s32 @!p0 s1  }
0x256: {  	[bflag:$0x3] =	sbarrier.arrive $0xFFFF  }
0x257: {  	_ =	shalt  }

</sc_bundles>
